<compile_context>
chip_gen: v7x
topology: tpu7x:2x2x1
jax: 0.10.2.dev20260603
libtpu: 0.0.44.dev20260713+nightly
codegen_flags: <defaults>
</compile_context>

<pallas_src>
import jax
import jax.numpy as jnp
from jax import lax
from jax.experimental import pallas as pl
from jax.experimental.pallas import tpu as pltpu
from jax.experimental.pallas import tpu_sc as plsc

_NW = 32
_CH = 128



def _seg_sum(g, src_r, dst_r, zrows, n_pad, cpw0, cpw1):
    n, d = g.shape
    rpt = n_pad // 16

    def body(g_hbm, src_hbm, dst_hbm, z_hbm, out_hbm, src_v, dst_v, rows_v,
             acc, sem):
        c = lax.axis_index("c")
        s = lax.axis_index("s")
        pltpu.sync_copy(src_hbm.at[c, s], src_v)
        pltpu.sync_copy(dst_hbm.at[c, s], dst_v)
        pltpu.sync_copy(z_hbm, acc.at[pl.ds(s * rpt, rpt)])
        plsc.subcore_barrier()

        def step(j, carry):
            pltpu.async_copy(g_hbm.at[src_v.at[j]], rows_v, sem).wait()
            pltpu.sync_copy(rows_v, acc.at[dst_v.at[j]], add=True)
            return carry

        lax.fori_loop(0, jnp.where(c == 0, cpw0, cpw1), step, 0)
        plsc.subcore_barrier()
        pltpu.sync_copy(acc.at[pl.ds(s * rpt, rpt)],
                        out_hbm.at[pl.ds(c * n_pad + s * rpt, rpt)])

    return pl.kernel(
        body,
        out_type=jax.ShapeDtypeStruct((2 * n_pad, d), jnp.float32),
        mesh=plsc.VectorSubcoreMesh(core_axis_name="c", subcore_axis_name="s"),
        scratch_types=[
            pltpu.VMEM((src_r.shape[2], _CH), jnp.int32),
            pltpu.VMEM((src_r.shape[2], _CH), jnp.int32),
            pltpu.VMEM((_CH, d), jnp.float32),
            pltpu.VMEM_SHARED((n_pad, d), jnp.float32),
            pltpu.SemaphoreType.DMA,
        ],
    )(g, src_r, dst_r, zrows)



_R = 1000


def _dis_block(degp_ref):
    deg = degp_ref[0, :, :1] + degp_ref[1, :, :1]
    return jnp.where(deg > 0, lax.rsqrt(jnp.maximum(deg, 1.0)), 0.0)


def _tc_pre(x, w, b, degp, n_pad):
    n, d = x.shape

    def body(x_ref, w_ref, b_ref, degp_ref, h_ref, g_ref):
        h = jnp.dot(x_ref[...], w_ref[...], preferred_element_type=jnp.float32)
        h = jnp.maximum(h + b_ref[...], 0.0)
        dis = _dis_block(degp_ref)
        h_ref[...] = h
        g_ref[...] = h * dis

    return pl.pallas_call(
        body,
        grid=(n // _R,),
        in_specs=[
            pl.BlockSpec((_R, d), lambda i: (i, 0)),
            pl.BlockSpec((d, d), lambda i: (0, 0)),
            pl.BlockSpec((1, d), lambda i: (0, 0)),
            pl.BlockSpec((2, _R, 16), lambda i: (0, i, 0)),
        ],
        out_specs=[pl.BlockSpec((_R, d), lambda i: (i, 0))] * 2,
        out_shape=[jax.ShapeDtypeStruct((n, d), jnp.float32)] * 2,
    )(x, w, b, degp.reshape(2, n_pad, -1))


def _tc_combine(p, degp, n, n_pad):
    d = p.shape[-1]

    def body(p_ref, degp_ref, g_ref):
        dis = _dis_block(degp_ref)
        g_ref[...] = (p_ref[0] + p_ref[1]) * (dis * dis)

    return pl.pallas_call(
        body,
        grid=(n // _R,),
        in_specs=[
            pl.BlockSpec((2, _R, d), lambda i: (0, i, 0)),
            pl.BlockSpec((2, _R, 16), lambda i: (0, i, 0)),
        ],
        out_specs=pl.BlockSpec((_R, d), lambda i: (i, 0)),
        out_shape=jax.ShapeDtypeStruct((n, d), jnp.float32),
    )(p.reshape(2, n_pad, d), degp.reshape(2, n_pad, -1))


def _tag_block(h_ref, p_refs, degp_ref, wk_ref, b_ref, gam_ref, bet_ref):
    dis = _dis_block(degp_ref)
    acc = jnp.dot(h_ref[...], wk_ref[0], preferred_element_type=jnp.float32)
    for k, p_ref in enumerate(p_refs, start=1):
        hk = (p_ref[0] + p_ref[1]) * dis
        acc = acc + jnp.dot(hk, wk_ref[k], preferred_element_type=jnp.float32)
    acc = jnp.maximum(acc + b_ref[...], 0.0)
    mu = jnp.mean(acc, axis=-1, keepdims=True)
    var = jnp.mean((acc - mu) ** 2, axis=-1, keepdims=True)
    y = (acc - mu) / jnp.sqrt(var + 1e-5) * gam_ref[...] + bet_ref[...]
    return y, dis


def _tc_tag_final(h, p1, p2, p3, degp, wk, b, gam, bet, n_pad):
    n, d = h.shape
    kk = wk.shape[0]

    def body(h_ref, p1_ref, p2_ref, p3_ref, degp_ref, wk_ref, b_ref, gam_ref,
             bet_ref, hn_ref, gn_ref):
        y, dis = _tag_block(h_ref, (p1_ref, p2_ref, p3_ref), degp_ref, wk_ref,
                            b_ref, gam_ref, bet_ref)
        hn_ref[...] = y
        gn_ref[...] = y * dis

    return pl.pallas_call(
        body,
        grid=(n // _R,),
        in_specs=[
            pl.BlockSpec((_R, d), lambda i: (i, 0)),
            pl.BlockSpec((2, _R, d), lambda i: (0, i, 0)),
            pl.BlockSpec((2, _R, d), lambda i: (0, i, 0)),
            pl.BlockSpec((2, _R, d), lambda i: (0, i, 0)),
            pl.BlockSpec((2, _R, 16), lambda i: (0, i, 0)),
            pl.BlockSpec((kk, d, d), lambda i: (0, 0, 0)),
            pl.BlockSpec((1, d), lambda i: (0, 0)),
            pl.BlockSpec((1, d), lambda i: (0, 0)),
            pl.BlockSpec((1, d), lambda i: (0, 0)),
        ],
        out_specs=[pl.BlockSpec((_R, d), lambda i: (i, 0))] * 2,
        out_shape=[jax.ShapeDtypeStruct((n, d), jnp.float32)] * 2,
    )(h, p1.reshape(2, n_pad, d), p2.reshape(2, n_pad, d),
      p3.reshape(2, n_pad, d), degp.reshape(2, n_pad, -1), wk,
      b.reshape(1, d), gam.reshape(1, d), bet.reshape(1, d))


def _tc_tag_final_post(h, p1, p2, p3, degp, wk, b, gam, bet,
                       w_po1, b_po1, w_po2, b_po2, n_pad):
    n, d = h.shape
    kk = wk.shape[0]

    def body(h_ref, p1_ref, p2_ref, p3_ref, degp_ref, wk_ref, b_ref, gam_ref,
             bet_ref, w1_ref, b1_ref, w2_ref, b2_ref, out_ref):
        y, _ = _tag_block(h_ref, (p1_ref, p2_ref, p3_ref), degp_ref, wk_ref,
                          b_ref, gam_ref, bet_ref)
        hp = jnp.dot(y, w1_ref[...], preferred_element_type=jnp.float32)
        hp = jnp.maximum(hp + b1_ref[...], 0.0)
        out_ref[...] = (jnp.dot(hp, w2_ref[...],
                                preferred_element_type=jnp.float32)
                        + b2_ref[...])

    return pl.pallas_call(
        body,
        grid=(n // _R,),
        in_specs=[
            pl.BlockSpec((_R, d), lambda i: (i, 0)),
            pl.BlockSpec((2, _R, d), lambda i: (0, i, 0)),
            pl.BlockSpec((2, _R, d), lambda i: (0, i, 0)),
            pl.BlockSpec((2, _R, d), lambda i: (0, i, 0)),
            pl.BlockSpec((2, _R, 16), lambda i: (0, i, 0)),
            pl.BlockSpec((kk, d, d), lambda i: (0, 0, 0)),
            pl.BlockSpec((1, d), lambda i: (0, 0)),
            pl.BlockSpec((1, d), lambda i: (0, 0)),
            pl.BlockSpec((1, d), lambda i: (0, 0)),
            pl.BlockSpec((d, d), lambda i: (0, 0)),
            pl.BlockSpec((1, d), lambda i: (0, 0)),
            pl.BlockSpec((d, 1), lambda i: (0, 0)),
            pl.BlockSpec((1, 1), lambda i: (0, 0)),
        ],
        out_specs=pl.BlockSpec((_R, 1), lambda i: (i, 0)),
        out_shape=jax.ShapeDtypeStruct((n, 1), jnp.float32),
    )(h, p1.reshape(2, n_pad, d), p2.reshape(2, n_pad, d),
      p3.reshape(2, n_pad, d), degp.reshape(2, n_pad, -1), wk,
      b.reshape(1, d), gam.reshape(1, d), bet.reshape(1, d),
      w_po1, b_po1.reshape(1, d), w_po2, b_po2.reshape(1, 1))



def kernel(x, edge_index, W_pre, b_pre, W_mp1, b_mp1, g1, bt1,
           W_mp2, b_mp2, g2, bt2, W_po1, b_po1, W_po2, b_po2):
    n, d = x.shape
    e = edge_index.shape[1]

    n_pad = -(-(n + 1) // 128) * 128

    ept = 16 * _CH
    cpw0 = max(1, round(e * 0.41 / ept))
    e0 = ept * cpw0
    cpw1 = -(-(e - e0) // ept)
    cpw_max = max(cpw0, cpw1)

    e_pad1 = ept * cpw1 - (e - e0)
    pad_dst = n + (jnp.arange(e_pad1, dtype=jnp.int32) % (n_pad - n))

    def _core_split(idx, pad_vals):
        a0 = idx[:e0].reshape(16, cpw0, _CH)
        a0 = jnp.pad(a0, ((0, 0), (0, cpw_max - cpw0), (0, 0)))
        a1 = jnp.concatenate([idx[e0:], pad_vals]).reshape(16, cpw1, _CH)
        a1 = jnp.pad(a1, ((0, 0), (0, cpw_max - cpw1), (0, 0)))
        return jnp.stack([a0, a1])

    src_r = _core_split(edge_index[0], jnp.zeros((e_pad1,), jnp.int32))
    dst_r = _core_split(edge_index[1], pad_dst)

    rpt = n_pad // 16
    zrows = jnp.zeros((rpt, d), jnp.float32)
    ones_n = jnp.ones((n, d), jnp.float32)

    degp = _seg_sum(ones_n, src_r, dst_r, zrows, n_pad, cpw0, cpw1)
    degp = degp.reshape(2, n_pad, d)[:, :, :16]

    h, g = _tc_pre(x, W_pre, b_pre.reshape(1, d), degp, n_pad)

    for wk, bb, gam, bet, last in ((W_mp1, b_mp1, g1, bt1, False),
                                   (W_mp2, b_mp2, g2, bt2, True)):
        p1 = _seg_sum(g, src_r, dst_r, zrows, n_pad, cpw0, cpw1)
        g = _tc_combine(p1, degp, n, n_pad)
        p2 = _seg_sum(g, src_r, dst_r, zrows, n_pad, cpw0, cpw1)
        g = _tc_combine(p2, degp, n, n_pad)
        p3 = _seg_sum(g, src_r, dst_r, zrows, n_pad, cpw0, cpw1)
        if last:
            return _tc_tag_final_post(h, p1, p2, p3, degp, wk, bb, gam, bet,
                                      W_po1, b_po1, W_po2, b_po2, n_pad)
        h, g = _tc_tag_final(h, p1, p2, p3, degp, wk, bb, gam, bet, n_pad)

# --- scband reference (transcript-rebuilt; emitter-appended) ---
"""Pipeline reference for scband-gene-network-12747462934610 (READ-ONLY COPY).

The authoritative reference and input builder live on the scoring server;
editing this copy changes nothing except your own understanding.
"""

import jax, jax.numpy as jnp
import numpy as np

N = 10000
E = 320000
D = 128
K = 3


def layer_norm(x, g, b):
    mu = jnp.mean(x, axis=-1, keepdims=True)
    var = jnp.mean((x - mu) ** 2, axis=-1, keepdims=True)
    return (x - mu) / jnp.sqrt(var + 1e-5) * g + b


def tag_conv(x, src, dst, norm, Wk, b):
    # TAGConv: out = sum_{k=0..K} A_hat^k x @ W_k + b
    out = x @ Wk[0]
    h = x
    for k in range(1, Wk.shape[0]):
        h = jax.ops.segment_sum(h[src] * norm[:, None], dst, num_segments=N)
        out = out + h @ Wk[k]
    return out + b


def setup_inputs(seed: int = 0):
    key = jax.random.key(seed)
    ks = jax.random.split(key, 12)
    x = jax.random.normal(ks[0], (N, D), dtype=jnp.float32)
    edge_index = jax.random.randint(ks[1], (2, E), 0, N, dtype=jnp.int32)
    W_pre = jax.random.normal(ks[2], (D, D), dtype=jnp.float32) * 0.05
    b_pre = jnp.zeros((D,), dtype=jnp.float32)
    W_mp1 = jax.random.normal(ks[3], (K + 1, D, D), dtype=jnp.float32) * 0.05
    b_mp1 = jnp.zeros((D,), dtype=jnp.float32)
    g1 = jnp.ones((D,), dtype=jnp.float32)
    bt1 = jnp.zeros((D,), dtype=jnp.float32)
    W_mp2 = jax.random.normal(ks[4], (K + 1, D, D), dtype=jnp.float32) * 0.05
    b_mp2 = jnp.zeros((D,), dtype=jnp.float32)
    g2 = jnp.ones((D,), dtype=jnp.float32)
    bt2 = jnp.zeros((D,), dtype=jnp.float32)
    W_po1 = jax.random.normal(ks[5], (D, D), dtype=jnp.float32) * 0.05
    b_po1 = jnp.zeros((D,), dtype=jnp.float32)
    W_po2 = jax.random.normal(ks[6], (D, 1), dtype=jnp.float32) * 0.05
    b_po2 = jnp.zeros((1,), dtype=jnp.float32)
    return {"x": x, "edge_index": edge_index, "W_pre": W_pre, "b_pre": b_pre,
            "W_mp1": W_mp1, "b_mp1": b_mp1, "g1": g1, "bt1": bt1,
            "W_mp2": W_mp2, "b_mp2": b_mp2, "g2": g2, "bt2": bt2,
            "W_po1": W_po1, "b_po1": b_po1, "W_po2": W_po2, "b_po2": b_po2}


def reference(x, edge_index, W_pre, b_pre, W_mp1, b_mp1, g1, bt1,
              W_mp2, b_mp2, g2, bt2, W_po1, b_po1, W_po2, b_po2):
    src = edge_index[0]
    dst = edge_index[1]
    # symmetric GCN normalization D^{-1/2} A D^{-1/2}
    deg = jax.ops.segment_sum(jnp.ones((E,), dtype=jnp.float32), dst, num_segments=N)
    dis = jnp.where(deg > 0, jnp.power(jnp.maximum(deg, 1.0), -0.5), 0.0)
    norm = dis[src] * dis[dst]
    # pre_mp
    h = jax.nn.relu(x @ W_pre + b_pre)
    # mp layer 1 (TAGConv + ReLU + LayerNorm)
    h = tag_conv(h, src, dst, norm, W_mp1, b_mp1)
    h = jax.nn.relu(h)
    h = layer_norm(h, g1, bt1)
    # mp layer 2
    h = tag_conv(h, src, dst, norm, W_mp2, b_mp2)
    h = jax.nn.relu(h)
    h = layer_norm(h, g2, bt2)
    # post_mp -> scalar output per node
    h = jax.nn.relu(h @ W_po1 + b_po1)
    out = h @ W_po2 + b_po2
    return out

if __name__ == "__main__":
    import jax
    _d = setup_inputs()
    print(jax.jit(kernel)(*tuple(_d.values())))

</pallas_src>

<mosaic_0001>
#map = affine_map<(d0, d1) -> (0, 0)>
#map1 = affine_map<(d0, d1) -> (0, 0, 0, 0)>
module attributes {stable_mosaic.version = 14 : i64} {
  func.func @body(%arg0: i32, %arg1: i32, %arg2: memref<10000x128xf32, #tpu.memory_space<hbm>>, %arg3: memref<2x16x93x128xi32, #tpu.memory_space<hbm>>, %arg4: memref<2x16x93x128xi32, #tpu.memory_space<hbm>>, %arg5: memref<632x128xf32, #tpu.memory_space<hbm>>, %arg6: memref<20224x128xf32, #tpu.memory_space<hbm>>, %arg7: memref<93x128xi32, #tpu.memory_space<vmem>>, %arg8: memref<93x128xi32, #tpu.memory_space<vmem>>, %arg9: memref<128x128xf32, #tpu.memory_space<vmem>>, %arg10: memref<10112x128xf32, #tpu.memory_space<vmem_shared>>, %arg11: memref<!tpu.dma_semaphore, #tpu.memory_space<semaphore_mem>>) attributes {dimension_semantics = [#tpu.dimension_semantics<core_parallel>, #tpu.dimension_semantics<subcore_parallel>], iteration_bounds = array<i64: 2, 16>, scalar_prefetch = 0 : i64, scratch_operands = 5 : i64, tpu.core_type = #tpu.core_type<sc_vector_subcore>, window_params = [{transform_indices = #map}, {transform_indices = #map1}, {transform_indices = #map1}, {transform_indices = #map}, {transform_indices = #map}]} {
    "tpu.region"() ({
      %run_scoped3A = tpu.sem_alloc : memref<!tpu.dma_semaphore, #tpu.memory_space<semaphore_mem>>
      %dma_start3A = arith.constant 0 : i32
      %dma_start3A_19 = arith.constant 0 : i32
      %dma_start3A_20 = tpu.memref_slice %arg3[%arg0, %arg1, %dma_start3A, %dma_start3A_19] : memref<2x16x93x128xi32, #tpu.memory_space<hbm>> -> memref<1x1x93x128xi32, #tpu.memory_space<hbm>>
      %dma_start3A_21 = tpu.memref_squeeze %dma_start3A_20 : memref<1x1x93x128xi32, #tpu.memory_space<hbm>> -> memref<93x128xi32, #tpu.memory_space<hbm>>
      %dma_start3A_22 = arith.constant 0 : i32
      %dma_start3A_23 = arith.constant 0 : i32
      %dma_start3A_24 = tpu.memref_slice %arg3[%arg0, %arg1, %dma_start3A_22, %dma_start3A_23] : memref<2x16x93x128xi32, #tpu.memory_space<hbm>> -> memref<1x1x93x128xi32, #tpu.memory_space<hbm>>
      %dma_start3A_25 = tpu.memref_squeeze %dma_start3A_24 : memref<1x1x93x128xi32, #tpu.memory_space<hbm>> -> memref<93x128xi32, #tpu.memory_space<hbm>>
      tpu.enqueue_dma source(%dma_start3A_25 : memref<93x128xi32, #tpu.memory_space<hbm>>) target(%arg7 : memref<93x128xi32, #tpu.memory_space<vmem>>) target_semaphore(%run_scoped3A : memref<!tpu.dma_semaphore, #tpu.memory_space<semaphore_mem>>)
      %dma_wait3A = arith.constant 0 : i32
      %dma_wait3A_26 = arith.constant 0 : i32
      %dma_wait3A_27 = tpu.memref_slice %arg3[%arg0, %arg1, %dma_wait3A, %dma_wait3A_26] : memref<2x16x93x128xi32, #tpu.memory_space<hbm>> -> memref<1x1x93x128xi32, #tpu.memory_space<hbm>>
      %dma_wait3A_28 = tpu.memref_squeeze %dma_wait3A_27 : memref<1x1x93x128xi32, #tpu.memory_space<hbm>> -> memref<93x128xi32, #tpu.memory_space<hbm>>
      %dma_wait3A_29 = arith.constant 0 : i32
      %dma_wait3A_30 = arith.constant 0 : i32
      %dma_wait3A_31 = tpu.memref_slice %arg3[%arg0, %arg1, %dma_wait3A_29, %dma_wait3A_30] : memref<2x16x93x128xi32, #tpu.memory_space<hbm>> -> memref<1x1x93x128xi32, #tpu.memory_space<hbm>>
      %dma_wait3A_32 = tpu.memref_squeeze %dma_wait3A_31 : memref<1x1x93x128xi32, #tpu.memory_space<hbm>> -> memref<93x128xi32, #tpu.memory_space<hbm>>
      tpu.wait_dma2 semaphore(%run_scoped3A : memref<!tpu.dma_semaphore, #tpu.memory_space<semaphore_mem>>) src(%dma_wait3A_32 : memref<93x128xi32, #tpu.memory_space<hbm>>) dst(%arg7 : memref<93x128xi32, #tpu.memory_space<vmem>>)
      tpu.yield
    }) : () -> ()
    "tpu.region"() ({
      %run_scoped3A = tpu.sem_alloc : memref<!tpu.dma_semaphore, #tpu.memory_space<semaphore_mem>>
      %dma_start3A = arith.constant 0 : i32
      %dma_start3A_19 = arith.constant 0 : i32
      %dma_start3A_20 = tpu.memref_slice %arg4[%arg0, %arg1, %dma_start3A, %dma_start3A_19] : memref<2x16x93x128xi32, #tpu.memory_space<hbm>> -> memref<1x1x93x128xi32, #tpu.memory_space<hbm>>
      %dma_start3A_21 = tpu.memref_squeeze %dma_start3A_20 : memref<1x1x93x128xi32, #tpu.memory_space<hbm>> -> memref<93x128xi32, #tpu.memory_space<hbm>>
      %dma_start3A_22 = arith.constant 0 : i32
      %dma_start3A_23 = arith.constant 0 : i32
      %dma_start3A_24 = tpu.memref_slice %arg4[%arg0, %arg1, %dma_start3A_22, %dma_start3A_23] : memref<2x16x93x128xi32, #tpu.memory_space<hbm>> -> memref<1x1x93x128xi32, #tpu.memory_space<hbm>>
      %dma_start3A_25 = tpu.memref_squeeze %dma_start3A_24 : memref<1x1x93x128xi32, #tpu.memory_space<hbm>> -> memref<93x128xi32, #tpu.memory_space<hbm>>
      tpu.enqueue_dma source(%dma_start3A_25 : memref<93x128xi32, #tpu.memory_space<hbm>>) target(%arg8 : memref<93x128xi32, #tpu.memory_space<vmem>>) target_semaphore(%run_scoped3A : memref<!tpu.dma_semaphore, #tpu.memory_space<semaphore_mem>>)
      %dma_wait3A = arith.constant 0 : i32
      %dma_wait3A_26 = arith.constant 0 : i32
      %dma_wait3A_27 = tpu.memref_slice %arg4[%arg0, %arg1, %dma_wait3A, %dma_wait3A_26] : memref<2x16x93x128xi32, #tpu.memory_space<hbm>> -> memref<1x1x93x128xi32, #tpu.memory_space<hbm>>
      %dma_wait3A_28 = tpu.memref_squeeze %dma_wait3A_27 : memref<1x1x93x128xi32, #tpu.memory_space<hbm>> -> memref<93x128xi32, #tpu.memory_space<hbm>>
      %dma_wait3A_29 = arith.constant 0 : i32
      %dma_wait3A_30 = arith.constant 0 : i32
      %dma_wait3A_31 = tpu.memref_slice %arg4[%arg0, %arg1, %dma_wait3A_29, %dma_wait3A_30] : memref<2x16x93x128xi32, #tpu.memory_space<hbm>> -> memref<1x1x93x128xi32, #tpu.memory_space<hbm>>
      %dma_wait3A_32 = tpu.memref_squeeze %dma_wait3A_31 : memref<1x1x93x128xi32, #tpu.memory_space<hbm>> -> memref<93x128xi32, #tpu.memory_space<hbm>>
      tpu.wait_dma2 semaphore(%run_scoped3A : memref<!tpu.dma_semaphore, #tpu.memory_space<semaphore_mem>>) src(%dma_wait3A_32 : memref<93x128xi32, #tpu.memory_space<hbm>>) dst(%arg8 : memref<93x128xi32, #tpu.memory_space<vmem>>)
      tpu.yield
    }) : () -> ()
    %mul3A = arith.constant 632 : i32
    %mul3A_0 = arith.muli %arg1, %mul3A : i32
    "tpu.region"() ({
      %run_scoped3A = tpu.sem_alloc : memref<!tpu.dma_semaphore, #tpu.memory_space<semaphore_mem>>
      %dma_start3A = arith.constant 0 : i32
      %dma_start3A_19 = tpu.memref_slice %arg10[%mul3A_0, %dma_start3A] : memref<10112x128xf32, #tpu.memory_space<vmem_shared>> -> memref<632x128xf32, #tpu.memory_space<vmem_shared>>
      tpu.enqueue_dma source(%arg5 : memref<632x128xf32, #tpu.memory_space<hbm>>) target(%dma_start3A_19 : memref<632x128xf32, #tpu.memory_space<vmem_shared>>) target_semaphore(%run_scoped3A : memref<!tpu.dma_semaphore, #tpu.memory_space<semaphore_mem>>)
      %dma_wait3A = arith.constant 0 : i32
      %dma_wait3A_20 = tpu.memref_slice %arg10[%mul3A_0, %dma_wait3A] : memref<10112x128xf32, #tpu.memory_space<vmem_shared>> -> memref<632x128xf32, #tpu.memory_space<vmem_shared>>
      tpu.wait_dma2 semaphore(%run_scoped3A : memref<!tpu.dma_semaphore, #tpu.memory_space<semaphore_mem>>) src(%arg5 : memref<632x128xf32, #tpu.memory_space<hbm>>) dst(%dma_wait3A_20 : memref<632x128xf32, #tpu.memory_space<vmem_shared>>)
      tpu.yield
    }) : () -> ()
    %barrier3A = arith.constant 0 : index
    tpu.barrier barrier_id(%barrier3A)
    %eq3A = arith.constant 0 : i32
    %eq3A_1 = arith.cmpi eq, %arg0, %eq3A : i32
    %jit3A = arith.constant 64 : i32
    %jit3A_2 = arith.constant 93 : i32
    %select_n3A = arith.select %eq3A_1, %jit3A, %jit3A_2 : i32
    %while3A = arith.constant 0 : i32
    %while3A_3 = arith.constant 0 : i32
    %while3A_4 = arith.subi %select_n3A, %while3A_3 : i32
    %while3A_5 = arith.addi %while3A_3, %while3A_4 : i32
    %while3A_6 = arith.constant 1 : i32
    %while3A_7 = arith.divsi %while3A_4, %while3A_6 : i32
    %while3A_8 = arith.muli %while3A_7, %while3A_6 : i32
    %while3A_9 = arith.addi %while3A_3, %while3A_8 : i32
    %while3A_10 = arith.constant 1 : i32
    scf.for %while3A_19 = %while3A_3 to %while3A_9 step %while3A_10  : i32 {
      %dma_start3A = arith.constant 0 : i32
      %dma_start3A_20 = tpu.memref_slice %arg7[%while3A_19, %dma_start3A] : memref<93x128xi32, #tpu.memory_space<vmem>> -> memref<1x128xi32, #tpu.memory_space<vmem>>
      %dma_start3A_21 = tpu.memref_squeeze %dma_start3A_20 : memref<1x128xi32, #tpu.memory_space<vmem>> -> memref<128xi32, #tpu.memory_space<vmem>>
      %dma_start3A_22 = arith.constant 0 : i32
      %dma_start3A_23 = arith.constant 0 : i32
      %dma_start3A_24 = tpu.memref_slice %arg2[%dma_start3A_22, %dma_start3A_23] : memref<10000x128xf32, #tpu.memory_space<hbm>> -> memref<10000x128xf32, #tpu.memory_space<hbm>>
      tpu.enqueue_indirect_dma source(%dma_start3A_24 : memref<10000x128xf32, #tpu.memory_space<hbm>>) target(%arg9 : memref<128x128xf32, #tpu.memory_space<vmem>>) offsets(%dma_start3A_21 : memref<128xi32, #tpu.memory_space<vmem>>) semaphore(%arg11 : memref<!tpu.dma_semaphore, #tpu.memory_space<semaphore_mem>>)
      %dma_wait3A = arith.constant 0 : i32
      %dma_wait3A_25 = tpu.memref_slice %arg7[%while3A_19, %dma_wait3A] : memref<93x128xi32, #tpu.memory_space<vmem>> -> memref<1x128xi32, #tpu.memory_space<vmem>>
      %dma_wait3A_26 = tpu.memref_squeeze %dma_wait3A_25 : memref<1x128xi32, #tpu.memory_space<vmem>> -> memref<128xi32, #tpu.memory_space<vmem>>
      %dma_wait3A_27 = arith.constant 0 : i32
      %dma_wait3A_28 = arith.constant 0 : i32
      %dma_wait3A_29 = tpu.memref_slice %arg2[%dma_wait3A_27, %dma_wait3A_28] : memref<10000x128xf32, #tpu.memory_space<hbm>> -> memref<10000x128xf32, #tpu.memory_space<hbm>>
      tpu.wait_indirect_dma semaphore(%arg11 : memref<!tpu.dma_semaphore, #tpu.memory_space<semaphore_mem>>) src(%dma_wait3A_29 : memref<10000x128xf32, #tpu.memory_space<hbm>>) dst(%arg9 : memref<128x128xf32, #tpu.memory_space<vmem>>)
      "tpu.region"() ({
        %run_scoped3A = tpu.sem_alloc : memref<!tpu.dma_semaphore, #tpu.memory_space<semaphore_mem>>
        %dma_start3A_30 = arith.constant 0 : i32
        %dma_start3A_31 = tpu.memref_slice %arg8[%while3A_19, %dma_start3A_30] : memref<93x128xi32, #tpu.memory_space<vmem>> -> memref<1x128xi32, #tpu.memory_space<vmem>>
        %dma_start3A_32 = tpu.memref_squeeze %dma_start3A_31 : memref<1x128xi32, #tpu.memory_space<vmem>> -> memref<128xi32, #tpu.memory_space<vmem>>
        %dma_start3A_33 = arith.constant 0 : i32
        %dma_start3A_34 = arith.constant 0 : i32
        %dma_start3A_35 = tpu.memref_slice %arg10[%dma_start3A_33, %dma_start3A_34] : memref<10112x128xf32, #tpu.memory_space<vmem_shared>> -> memref<10112x128xf32, #tpu.memory_space<vmem_shared>>
        tpu.enqueue_indirect_dma source(%arg9 : memref<128x128xf32, #tpu.memory_space<vmem>>) target(%dma_start3A_35 : memref<10112x128xf32, #tpu.memory_space<vmem_shared>>) offsets(%dma_start3A_32 : memref<128xi32, #tpu.memory_space<vmem>>) semaphore(%run_scoped3A : memref<!tpu.dma_semaphore, #tpu.memory_space<semaphore_mem>>) {add = true}
        %dma_wait3A_36 = arith.constant 0 : i32
        %dma_wait3A_37 = tpu.memref_slice %arg8[%while3A_19, %dma_wait3A_36] : memref<93x128xi32, #tpu.memory_space<vmem>> -> memref<1x128xi32, #tpu.memory_space<vmem>>
        %dma_wait3A_38 = tpu.memref_squeeze %dma_wait3A_37 : memref<1x128xi32, #tpu.memory_space<vmem>> -> memref<128xi32, #tpu.memory_space<vmem>>
        %dma_wait3A_39 = arith.constant 0 : i32
        %dma_wait3A_40 = arith.constant 0 : i32
        %dma_wait3A_41 = tpu.memref_slice %arg10[%dma_wait3A_39, %dma_wait3A_40] : memref<10112x128xf32, #tpu.memory_space<vmem_shared>> -> memref<10112x128xf32, #tpu.memory_space<vmem_shared>>
        tpu.wait_indirect_dma semaphore(%run_scoped3A : memref<!tpu.dma_semaphore, #tpu.memory_space<semaphore_mem>>) src(%arg9 : memref<128x128xf32, #tpu.memory_space<vmem>>) dst(%dma_wait3A_41 : memref<10112x128xf32, #tpu.memory_space<vmem_shared>>)
        tpu.yield
      }) : () -> ()
    }
    %while3A_11 = arith.constant 1 : i32
    scf.for %while3A_19 = %while3A_9 to %while3A_5 step %while3A_11  : i32 {
      %dma_start3A = arith.constant 0 : i32
      %dma_start3A_20 = tpu.memref_slice %arg7[%while3A_19, %dma_start3A] : memref<93x128xi32, #tpu.memory_space<vmem>> -> memref<1x128xi32, #tpu.memory_space<vmem>>
      %dma_start3A_21 = tpu.memref_squeeze %dma_start3A_20 : memref<1x128xi32, #tpu.memory_space<vmem>> -> memref<128xi32, #tpu.memory_space<vmem>>
      %dma_start3A_22 = arith.constant 0 : i32
      %dma_start3A_23 = arith.constant 0 : i32
      %dma_start3A_24 = tpu.memref_slice %arg2[%dma_start3A_22, %dma_start3A_23] : memref<10000x128xf32, #tpu.memory_space<hbm>> -> memref<10000x128xf32, #tpu.memory_space<hbm>>
      tpu.enqueue_indirect_dma source(%dma_start3A_24 : memref<10000x128xf32, #tpu.memory_space<hbm>>) target(%arg9 : memref<128x128xf32, #tpu.memory_space<vmem>>) offsets(%dma_start3A_21 : memref<128xi32, #tpu.memory_space<vmem>>) semaphore(%arg11 : memref<!tpu.dma_semaphore, #tpu.memory_space<semaphore_mem>>)
      %dma_wait3A = arith.constant 0 : i32
      %dma_wait3A_25 = tpu.memref_slice %arg7[%while3A_19, %dma_wait3A] : memref<93x128xi32, #tpu.memory_space<vmem>> -> memref<1x128xi32, #tpu.memory_space<vmem>>
      %dma_wait3A_26 = tpu.memref_squeeze %dma_wait3A_25 : memref<1x128xi32, #tpu.memory_space<vmem>> -> memref<128xi32, #tpu.memory_space<vmem>>
      %dma_wait3A_27 = arith.constant 0 : i32
      %dma_wait3A_28 = arith.constant 0 : i32
      %dma_wait3A_29 = tpu.memref_slice %arg2[%dma_wait3A_27, %dma_wait3A_28] : memref<10000x128xf32, #tpu.memory_space<hbm>> -> memref<10000x128xf32, #tpu.memory_space<hbm>>
      tpu.wait_indirect_dma semaphore(%arg11 : memref<!tpu.dma_semaphore, #tpu.memory_space<semaphore_mem>>) src(%dma_wait3A_29 : memref<10000x128xf32, #tpu.memory_space<hbm>>) dst(%arg9 : memref<128x128xf32, #tpu.memory_space<vmem>>)
      "tpu.region"() ({
        %run_scoped3A = tpu.sem_alloc : memref<!tpu.dma_semaphore, #tpu.memory_space<semaphore_mem>>
        %dma_start3A_30 = arith.constant 0 : i32
        %dma_start3A_31 = tpu.memref_slice %arg8[%while3A_19, %dma_start3A_30] : memref<93x128xi32, #tpu.memory_space<vmem>> -> memref<1x128xi32, #tpu.memory_space<vmem>>
        %dma_start3A_32 = tpu.memref_squeeze %dma_start3A_31 : memref<1x128xi32, #tpu.memory_space<vmem>> -> memref<128xi32, #tpu.memory_space<vmem>>
        %dma_start3A_33 = arith.constant 0 : i32
        %dma_start3A_34 = arith.constant 0 : i32
        %dma_start3A_35 = tpu.memref_slice %arg10[%dma_start3A_33, %dma_start3A_34] : memref<10112x128xf32, #tpu.memory_space<vmem_shared>> -> memref<10112x128xf32, #tpu.memory_space<vmem_shared>>
        tpu.enqueue_indirect_dma source(%arg9 : memref<128x128xf32, #tpu.memory_space<vmem>>) target(%dma_start3A_35 : memref<10112x128xf32, #tpu.memory_space<vmem_shared>>) offsets(%dma_start3A_32 : memref<128xi32, #tpu.memory_space<vmem>>) semaphore(%run_scoped3A : memref<!tpu.dma_semaphore, #tpu.memory_space<semaphore_mem>>) {add = true}
        %dma_wait3A_36 = arith.constant 0 : i32
        %dma_wait3A_37 = tpu.memref_slice %arg8[%while3A_19, %dma_wait3A_36] : memref<93x128xi32, #tpu.memory_space<vmem>> -> memref<1x128xi32, #tpu.memory_space<vmem>>
        %dma_wait3A_38 = tpu.memref_squeeze %dma_wait3A_37 : memref<1x128xi32, #tpu.memory_space<vmem>> -> memref<128xi32, #tpu.memory_space<vmem>>
        %dma_wait3A_39 = arith.constant 0 : i32
        %dma_wait3A_40 = arith.constant 0 : i32
        %dma_wait3A_41 = tpu.memref_slice %arg10[%dma_wait3A_39, %dma_wait3A_40] : memref<10112x128xf32, #tpu.memory_space<vmem_shared>> -> memref<10112x128xf32, #tpu.memory_space<vmem_shared>>
        tpu.wait_indirect_dma semaphore(%run_scoped3A : memref<!tpu.dma_semaphore, #tpu.memory_space<semaphore_mem>>) src(%arg9 : memref<128x128xf32, #tpu.memory_space<vmem>>) dst(%dma_wait3A_41 : memref<10112x128xf32, #tpu.memory_space<vmem_shared>>)
        tpu.yield
      }) : () -> ()
    }
    %barrier3A_12 = arith.constant 0 : index
    tpu.barrier barrier_id(%barrier3A_12)
    %mul3A_13 = arith.constant 632 : i32
    %mul3A_14 = arith.muli %arg1, %mul3A_13 : i32
    %mul3A_15 = arith.constant 10112 : i32
    %mul3A_16 = arith.muli %arg0, %mul3A_15 : i32
    %mul3A_17 = arith.constant 632 : i32
    %mul3A_18 = arith.muli %arg1, %mul3A_17 : i32
    %add3A = arith.addi %mul3A_16, %mul3A_18 : i32
    "tpu.region"() ({
      %run_scoped3A = tpu.sem_alloc : memref<!tpu.dma_semaphore, #tpu.memory_space<semaphore_mem>>
      %dma_start3A = arith.constant 0 : i32
      %dma_start3A_19 = tpu.memref_slice %arg6[%add3A, %dma_start3A] : memref<20224x128xf32, #tpu.memory_space<hbm>> -> memref<632x128xf32, #tpu.memory_space<hbm>>
      %dma_start3A_20 = arith.constant 0 : i32
      %dma_start3A_21 = tpu.memref_slice %arg10[%mul3A_14, %dma_start3A_20] : memref<10112x128xf32, #tpu.memory_space<vmem_shared>> -> memref<632x128xf32, #tpu.memory_space<vmem_shared>>
      tpu.enqueue_dma source(%dma_start3A_21 : memref<632x128xf32, #tpu.memory_space<vmem_shared>>) target(%dma_start3A_19 : memref<632x128xf32, #tpu.memory_space<hbm>>) target_semaphore(%run_scoped3A : memref<!tpu.dma_semaphore, #tpu.memory_space<semaphore_mem>>)
      %dma_wait3A = arith.constant 0 : i32
      %dma_wait3A_22 = tpu.memref_slice %arg6[%add3A, %dma_wait3A] : memref<20224x128xf32, #tpu.memory_space<hbm>> -> memref<632x128xf32, #tpu.memory_space<hbm>>
      %dma_wait3A_23 = arith.constant 0 : i32
      %dma_wait3A_24 = tpu.memref_slice %arg10[%mul3A_14, %dma_wait3A_23] : memref<10112x128xf32, #tpu.memory_space<vmem_shared>> -> memref<632x128xf32, #tpu.memory_space<vmem_shared>>
      tpu.wait_dma2 semaphore(%run_scoped3A : memref<!tpu.dma_semaphore, #tpu.memory_space<semaphore_mem>>) src(%dma_wait3A_24 : memref<632x128xf32, #tpu.memory_space<vmem_shared>>) dst(%dma_wait3A_22 : memref<632x128xf32, #tpu.memory_space<hbm>>)
      tpu.yield
    }) : () -> ()
    return
  }
}

#map = affine_map<(d0, d1) -> (0, 0)>
#map1 = affine_map<(d0, d1) -> (0, 0, 0, 0)>
module attributes {stable_mosaic.version = 14 : i64} {
  func.func @body(%arg0: i32, %arg1: i32, %arg2: memref<10000x128xf32, #tpu.memory_space<hbm>>, %arg3: memref<2x16x93x128xi32, #tpu.memory_space<hbm>>, %arg4: memref<2x16x93x128xi32, #tpu.memory_space<hbm>>, %arg5: memref<632x128xf32, #tpu.memory_space<hbm>>, %arg6: memref<20224x128xf32, #tpu.memory_space<hbm>>, %arg7: memref<93x128xi32, #tpu.memory_space<vmem>>, %arg8: memref<93x128xi32, #tpu.memory_space<vmem>>, %arg9: memref<128x128xf32, #tpu.memory_space<vmem>>, %arg10: memref<10112x128xf32, #tpu.memory_space<vmem_shared>>, %arg11: memref<!tpu.dma_semaphore, #tpu.memory_space<semaphore_mem>>) attributes {dimension_semantics = [#tpu.dimension_semantics<core_parallel>, #tpu.dimension_semantics<subcore_parallel>], iteration_bounds = array<i64: 2, 16>, scalar_prefetch = 0 : i64, scratch_operands = 5 : i64, tpu.core_type = #tpu.core_type<sc_vector_subcore>, window_params = [{transform_indices = #map}, {transform_indices = #map1}, {transform_indices = #map1}, {transform_indices = #map}, {transform_indices = #map}]} {
    "tpu.region"() ({
      %run_scoped3A = tpu.sem_alloc : memref<!tpu.dma_semaphore, #tpu.memory_space<semaphore_mem>>
      %dma_start3A = arith.constant 0 : i32
      %dma_start3A_19 = arith.constant 0 : i32
      %dma_start3A_20 = tpu.memref_slice %arg3[%arg0, %arg1, %dma_start3A, %dma_start3A_19] : memref<2x16x93x128xi32, #tpu.memory_space<hbm>> -> memref<1x1x93x128xi32, #tpu.memory_space<hbm>>
      %dma_start3A_21 = tpu.memref_squeeze %dma_start3A_20 : memref<1x1x93x128xi32, #tpu.memory_space<hbm>> -> memref<93x128xi32, #tpu.memory_space<hbm>>
      %dma_start3A_22 = arith.constant 0 : i32
      %dma_start3A_23 = arith.constant 0 : i32
      %dma_start3A_24 = tpu.memref_slice %arg3[%arg0, %arg1, %dma_start3A_22, %dma_start3A_23] : memref<2x16x93x128xi32, #tpu.memory_space<hbm>> -> memref<1x1x93x128xi32, #tpu.memory_space<hbm>>
      %dma_start3A_25 = tpu.memref_squeeze %dma_start3A_24 : memref<1x1x93x128xi32, #tpu.memory_space<hbm>> -> memref<93x128xi32, #tpu.memory_space<hbm>>
      tpu.enqueue_dma source(%dma_start3A_25 : memref<93x128xi32, #tpu.memory_space<hbm>>) target(%arg7 : memref<93x128xi32, #tpu.memory_space<vmem>>) target_semaphore(%run_scoped3A : memref<!tpu.dma_semaphore, #tpu.memory_space<semaphore_mem>>)
      %dma_wait3A = arith.constant 0 : i32
      %dma_wait3A_26 = arith.constant 0 : i32
      %dma_wait3A_27 = tpu.memref_slice %arg3[%arg0, %arg1, %dma_wait3A, %dma_wait3A_26] : memref<2x16x93x128xi32, #tpu.memory_space<hbm>> -> memref<1x1x93x128xi32, #tpu.memory_space<hbm>>
      %dma_wait3A_28 = tpu.memref_squeeze %dma_wait3A_27 : memref<1x1x93x128xi32, #tpu.memory_space<hbm>> -> memref<93x128xi32, #tpu.memory_space<hbm>>
      %dma_wait3A_29 = arith.constant 0 : i32
      %dma_wait3A_30 = arith.constant 0 : i32
      %dma_wait3A_31 = tpu.memref_slice %arg3[%arg0, %arg1, %dma_wait3A_29, %dma_wait3A_30] : memref<2x16x93x128xi32, #tpu.memory_space<hbm>> -> memref<1x1x93x128xi32, #tpu.memory_space<hbm>>
      %dma_wait3A_32 = tpu.memref_squeeze %dma_wait3A_31 : memref<1x1x93x128xi32, #tpu.memory_space<hbm>> -> memref<93x128xi32, #tpu.memory_space<hbm>>
      tpu.wait_dma2 semaphore(%run_scoped3A : memref<!tpu.dma_semaphore, #tpu.memory_space<semaphore_mem>>) src(%dma_wait3A_32 : memref<93x128xi32, #tpu.memory_space<hbm>>) dst(%arg7 : memref<93x128xi32, #tpu.memory_space<vmem>>)
      tpu.yield
    }) : () -> ()
    "tpu.region"() ({
      %run_scoped3A = tpu.sem_alloc : memref<!tpu.dma_semaphore, #tpu.memory_space<semaphore_mem>>
      %dma_start3A = arith.constant 0 : i32
      %dma_start3A_19 = arith.constant 0 : i32
      %dma_start3A_20 = tpu.memref_slice %arg4[%arg0, %arg1, %dma_start3A, %dma_start3A_19] : memref<2x16x93x128xi32, #tpu.memory_space<hbm>> -> memref<1x1x93x128xi32, #tpu.memory_space<hbm>>
      %dma_start3A_21 = tpu.memref_squeeze %dma_start3A_20 : memref<1x1x93x128xi32, #tpu.memory_space<hbm>> -> memref<93x128xi32, #tpu.memory_space<hbm>>
      %dma_start3A_22 = arith.constant 0 : i32
      %dma_start3A_23 = arith.constant 0 : i32
      %dma_start3A_24 = tpu.memref_slice %arg4[%arg0, %arg1, %dma_start3A_22, %dma_start3A_23] : memref<2x16x93x128xi32, #tpu.memory_space<hbm>> -> memref<1x1x93x128xi32, #tpu.memory_space<hbm>>
      %dma_start3A_25 = tpu.memref_squeeze %dma_start3A_24 : memref<1x1x93x128xi32, #tpu.memory_space<hbm>> -> memref<93x128xi32, #tpu.memory_space<hbm>>
      tpu.enqueue_dma source(%dma_start3A_25 : memref<93x128xi32, #tpu.memory_space<hbm>>) target(%arg8 : memref<93x128xi32, #tpu.memory_space<vmem>>) target_semaphore(%run_scoped3A : memref<!tpu.dma_semaphore, #tpu.memory_space<semaphore_mem>>)
      %dma_wait3A = arith.constant 0 : i32
      %dma_wait3A_26 = arith.constant 0 : i32
      %dma_wait3A_27 = tpu.memref_slice %arg4[%arg0, %arg1, %dma_wait3A, %dma_wait3A_26] : memref<2x16x93x128xi32, #tpu.memory_space<hbm>> -> memref<1x1x93x128xi32, #tpu.memory_space<hbm>>
      %dma_wait3A_28 = tpu.memref_squeeze %dma_wait3A_27 : memref<1x1x93x128xi32, #tpu.memory_space<hbm>> -> memref<93x128xi32, #tpu.memory_space<hbm>>
      %dma_wait3A_29 = arith.constant 0 : i32
      %dma_wait3A_30 = arith.constant 0 : i32
      %dma_wait3A_31 = tpu.memref_slice %arg4[%arg0, %arg1, %dma_wait3A_29, %dma_wait3A_30] : memref<2x16x93x128xi32, #tpu.memory_space<hbm>> -> memref<1x1x93x128xi32, #tpu.memory_space<hbm>>
      %dma_wait3A_32 = tpu.memref_squeeze %dma_wait3A_31 : memref<1x1x93x128xi32, #tpu.memory_space<hbm>> -> memref<93x128xi32, #tpu.memory_space<hbm>>
      tpu.wait_dma2 semaphore(%run_scoped3A : memref<!tpu.dma_semaphore, #tpu.memory_space<semaphore_mem>>) src(%dma_wait3A_32 : memref<93x128xi32, #tpu.memory_space<hbm>>) dst(%arg8 : memref<93x128xi32, #tpu.memory_space<vmem>>)
      tpu.yield
    }) : () -> ()
    %mul3A = arith.constant 632 : i32
    %mul3A_0 = arith.muli %arg1, %mul3A : i32
    "tpu.region"() ({
      %run_scoped3A = tpu.sem_alloc : memref<!tpu.dma_semaphore, #tpu.memory_space<semaphore_mem>>
      %dma_start3A = arith.constant 0 : i32
      %dma_start3A_19 = tpu.memref_slice %arg10[%mul3A_0, %dma_start3A] : memref<10112x128xf32, #tpu.memory_space<vmem_shared>> -> memref<632x128xf32, #tpu.memory_space<vmem_shared>>
      tpu.enqueue_dma source(%arg5 : memref<632x128xf32, #tpu.memory_space<hbm>>) target(%dma_start3A_19 : memref<632x128xf32, #tpu.memory_space<vmem_shared>>) target_semaphore(%run_scoped3A : memref<!tpu.dma_semaphore, #tpu.memory_space<semaphore_mem>>)
      %dma_wait3A = arith.constant 0 : i32
      %dma_wait3A_20 = tpu.memref_slice %arg10[%mul3A_0, %dma_wait3A] : memref<10112x128xf32, #tpu.memory_space<vmem_shared>> -> memref<632x128xf32, #tpu.memory_space<vmem_shared>>
      tpu.wait_dma2 semaphore(%run_scoped3A : memref<!tpu.dma_semaphore, #tpu.memory_space<semaphore_mem>>) src(%arg5 : memref<632x128xf32, #tpu.memory_space<hbm>>) dst(%dma_wait3A_20 : memref<632x128xf32, #tpu.memory_space<vmem_shared>>)
      tpu.yield
    }) : () -> ()
    %barrier3A = arith.constant 0 : index
    tpu.barrier barrier_id(%barrier3A)
    %eq3A = arith.constant 0 : i32
    %eq3A_1 = arith.cmpi eq, %arg0, %eq3A : i32
    %jit3A = arith.constant 64 : i32
    %jit3A_2 = arith.constant 93 : i32
    %select_n3A = arith.select %eq3A_1, %jit3A, %jit3A_2 : i32
    %while3A = arith.constant 0 : i32
    %while3A_3 = arith.constant 0 : i32
    %while3A_4 = arith.subi %select_n3A, %while3A_3 : i32
    %while3A_5 = arith.addi %while3A_3, %while3A_4 : i32
    %while3A_6 = arith.constant 1 : i32
    %while3A_7 = arith.divsi %while3A_4, %while3A_6 : i32
    %while3A_8 = arith.muli %while3A_7, %while3A_6 : i32
    %while3A_9 = arith.addi %while3A_3, %while3A_8 : i32
    %while3A_10 = arith.constant 1 : i32
    scf.for %while3A_19 = %while3A_3 to %while3A_9 step %while3A_10  : i32 {
      %dma_start3A = arith.constant 0 : i32
      %dma_start3A_20 = tpu.memref_slice %arg7[%while3A_19, %dma_start3A] : memref<93x128xi32, #tpu.memory_space<vmem>> -> memref<1x128xi32, #tpu.memory_space<vmem>>
      %dma_start3A_21 = tpu.memref_squeeze %dma_start3A_20 : memref<1x128xi32, #tpu.memory_space<vmem>> -> memref<128xi32, #tpu.memory_space<vmem>>
      %dma_start3A_22 = arith.constant 0 : i32
      %dma_start3A_23 = arith.constant 0 : i32
      %dma_start3A_24 = tpu.memref_slice %arg2[%dma_start3A_22, %dma_start3A_23] : memref<10000x128xf32, #tpu.memory_space<hbm>> -> memref<10000x128xf32, #tpu.memory_space<hbm>>
      tpu.enqueue_indirect_dma source(%dma_start3A_24 : memref<10000x128xf32, #tpu.memory_space<hbm>>) target(%arg9 : memref<128x128xf32, #tpu.memory_space<vmem>>) offsets(%dma_start3A_21 : memref<128xi32, #tpu.memory_space<vmem>>) semaphore(%arg11 : memref<!tpu.dma_semaphore, #tpu.memory_space<semaphore_mem>>)
      %dma_wait3A = arith.constant 0 : i32
      %dma_wait3A_25 = tpu.memref_slice %arg7[%while3A_19, %dma_wait3A] : memref<93x128xi32, #tpu.memory_space<vmem>> -> memref<1x128xi32, #tpu.memory_space<vmem>>
      %dma_wait3A_26 = tpu.memref_squeeze %dma_wait3A_25 : memref<1x128xi32, #tpu.memory_space<vmem>> -> memref<128xi32, #tpu.memory_space<vmem>>
      %dma_wait3A_27 = arith.constant 0 : i32
      %dma_wait3A_28 = arith.constant 0 : i32
      %dma_wait3A_29 = tpu.memref_slice %arg2[%dma_wait3A_27, %dma_wait3A_28] : memref<10000x128xf32, #tpu.memory_space<hbm>> -> memref<10000x128xf32, #tpu.memory_space<hbm>>
      tpu.wait_indirect_dma semaphore(%arg11 : memref<!tpu.dma_semaphore, #tpu.memory_space<semaphore_mem>>) src(%dma_wait3A_29 : memref<10000x128xf32, #tpu.memory_space<hbm>>) dst(%arg9 : memref<128x128xf32, #tpu.memory_space<vmem>>)
      "tpu.region"() ({
        %run_scoped3A = tpu.sem_alloc : memref<!tpu.dma_semaphore, #tpu.memory_space<semaphore_mem>>
        %dma_start3A_30 = arith.constant 0 : i32
        %dma_start3A_31 = tpu.memref_slice %arg8[%while3A_19, %dma_start3A_30] : memref<93x128xi32, #tpu.memory_space<vmem>> -> memref<1x128xi32, #tpu.memory_space<vmem>>
        %dma_start3A_32 = tpu.memref_squeeze %dma_start3A_31 : memref<1x128xi32, #tpu.memory_space<vmem>> -> memref<128xi32, #tpu.memory_space<vmem>>
        %dma_start3A_33 = arith.constant 0 : i32
        %dma_start3A_34 = arith.constant 0 : i32
        %dma_start3A_35 = tpu.memref_slice %arg10[%dma_start3A_33, %dma_start3A_34] : memref<10112x128xf32, #tpu.memory_space<vmem_shared>> -> memref<10112x128xf32, #tpu.memory_space<vmem_shared>>
        tpu.enqueue_indirect_dma source(%arg9 : memref<128x128xf32, #tpu.memory_space<vmem>>) target(%dma_start3A_35 : memref<10112x128xf32, #tpu.memory_space<vmem_shared>>) offsets(%dma_start3A_32 : memref<128xi32, #tpu.memory_space<vmem>>) semaphore(%run_scoped3A : memref<!tpu.dma_semaphore, #tpu.memory_space<semaphore_mem>>) {add = true}
        %dma_wait3A_36 = arith.constant 0 : i32
        %dma_wait3A_37 = tpu.memref_slice %arg8[%while3A_19, %dma_wait3A_36] : memref<93x128xi32, #tpu.memory_space<vmem>> -> memref<1x128xi32, #tpu.memory_space<vmem>>
        %dma_wait3A_38 = tpu.memref_squeeze %dma_wait3A_37 : memref<1x128xi32, #tpu.memory_space<vmem>> -> memref<128xi32, #tpu.memory_space<vmem>>
        %dma_wait3A_39 = arith.constant 0 : i32
        %dma_wait3A_40 = arith.constant 0 : i32
        %dma_wait3A_41 = tpu.memref_slice %arg10[%dma_wait3A_39, %dma_wait3A_40] : memref<10112x128xf32, #tpu.memory_space<vmem_shared>> -> memref<10112x128xf32, #tpu.memory_space<vmem_shared>>
        tpu.wait_indirect_dma semaphore(%run_scoped3A : memref<!tpu.dma_semaphore, #tpu.memory_space<semaphore_mem>>) src(%arg9 : memref<128x128xf32, #tpu.memory_space<vmem>>) dst(%dma_wait3A_41 : memref<10112x128xf32, #tpu.memory_space<vmem_shared>>)
        tpu.yield
      }) : () -> ()
    }
    %while3A_11 = arith.constant 1 : i32
    scf.for %while3A_19 = %while3A_9 to %while3A_5 step %while3A_11  : i32 {
      %dma_start3A = arith.constant 0 : i32
      %dma_start3A_20 = tpu.memref_slice %arg7[%while3A_19, %dma_start3A] : memref<93x128xi32, #tpu.memory_space<vmem>> -> memref<1x128xi32, #tpu.memory_space<vmem>>
      %dma_start3A_21 = tpu.memref_squeeze %dma_start3A_20 : memref<1x128xi32, #tpu.memory_space<vmem>> -> memref<128xi32, #tpu.memory_space<vmem>>
      %dma_start3A_22 = arith.constant 0 : i32
      %dma_start3A_23 = arith.constant 0 : i32
      %dma_start3A_24 = tpu.memref_slice %arg2[%dma_start3A_22, %dma_start3A_23] : memref<10000x128xf32, #tpu.memory_space<hbm>> -> memref<10000x128xf32, #tpu.memory_space<hbm>>
      tpu.enqueue_indirect_dma source(%dma_start3A_24 : memref<10000x128xf32, #tpu.memory_space<hbm>>) target(%arg9 : memref<128x128xf32, #tpu.memory_space<vmem>>) offsets(%dma_start3A_21 : memref<128xi32, #tpu.memory_space<vmem>>) semaphore(%arg11 : memref<!tpu.dma_semaphore, #tpu.memory_space<semaphore_mem>>)
      %dma_wait3A = arith.constant 0 : i32
      %dma_wait3A_25 = tpu.memref_slice %arg7[%while3A_19, %dma_wait3A] : memref<93x128xi32, #tpu.memory_space<vmem>> -> memref<1x128xi32, #tpu.memory_space<vmem>>
      %dma_wait3A_26 = tpu.memref_squeeze %dma_wait3A_25 : memref<1x128xi32, #tpu.memory_space<vmem>> -> memref<128xi32, #tpu.memory_space<vmem>>
      %dma_wait3A_27 = arith.constant 0 : i32
      %dma_wait3A_28 = arith.constant 0 : i32
      %dma_wait3A_29 = tpu.memref_slice %arg2[%dma_wait3A_27, %dma_wait3A_28] : memref<10000x128xf32, #tpu.memory_space<hbm>> -> memref<10000x128xf32, #tpu.memory_space<hbm>>
      tpu.wait_indirect_dma semaphore(%arg11 : memref<!tpu.dma_semaphore, #tpu.memory_space<semaphore_mem>>) src(%dma_wait3A_29 : memref<10000x128xf32, #tpu.memory_space<hbm>>) dst(%arg9 : memref<128x128xf32, #tpu.memory_space<vmem>>)
      "tpu.region"() ({
        %run_scoped3A = tpu.sem_alloc : memref<!tpu.dma_semaphore, #tpu.memory_space<semaphore_mem>>
        %dma_start3A_30 = arith.constant 0 : i32
        %dma_start3A_31 = tpu.memref_slice %arg8[%while3A_19, %dma_start3A_30] : memref<93x128xi32, #tpu.memory_space<vmem>> -> memref<1x128xi32, #tpu.memory_space<vmem>>
        %dma_start3A_32 = tpu.memref_squeeze %dma_start3A_31 : memref<1x128xi32, #tpu.memory_space<vmem>> -> memref<128xi32, #tpu.memory_space<vmem>>
        %dma_start3A_33 = arith.constant 0 : i32
        %dma_start3A_34 = arith.constant 0 : i32
        %dma_start3A_35 = tpu.memref_slice %arg10[%dma_start3A_33, %dma_start3A_34] : memref<10112x128xf32, #tpu.memory_space<vmem_shared>> -> memref<10112x128xf32, #tpu.memory_space<vmem_shared>>
        tpu.enqueue_indirect_dma source(%arg9 : memref<128x128xf32, #tpu.memory_space<vmem>>) target(%dma_start3A_35 : memref<10112x128xf32, #tpu.memory_space<vmem_shared>>) offsets(%dma_start3A_32 : memref<128xi32, #tpu.memory_space<vmem>>) semaphore(%run_scoped3A : memref<!tpu.dma_semaphore, #tpu.memory_space<semaphore_mem>>) {add = true}
        %dma_wait3A_36 = arith.constant 0 : i32
        %dma_wait3A_37 = tpu.memref_slice %arg8[%while3A_19, %dma_wait3A_36] : memref<93x128xi32, #tpu.memory_space<vmem>> -> memref<1x128xi32, #tpu.memory_space<vmem>>
        %dma_wait3A_38 = tpu.memref_squeeze %dma_wait3A_37 : memref<1x128xi32, #tpu.memory_space<vmem>> -> memref<128xi32, #tpu.memory_space<vmem>>
        %dma_wait3A_39 = arith.constant 0 : i32
        %dma_wait3A_40 = arith.constant 0 : i32
        %dma_wait3A_41 = tpu.memref_slice %arg10[%dma_wait3A_39, %dma_wait3A_40] : memref<10112x128xf32, #tpu.memory_space<vmem_shared>> -> memref<10112x128xf32, #tpu.memory_space<vmem_shared>>
        tpu.wait_indirect_dma semaphore(%run_scoped3A : memref<!tpu.dma_semaphore, #tpu.memory_space<semaphore_mem>>) src(%arg9 : memref<128x128xf32, #tpu.memory_space<vmem>>) dst(%dma_wait3A_41 : memref<10112x128xf32, #tpu.memory_space<vmem_shared>>)
        tpu.yield
      }) : () -> ()
    }
    %barrier3A_12 = arith.constant 0 : index
    tpu.barrier barrier_id(%barrier3A_12)
    %mul3A_13 = arith.constant 632 : i32
    %mul3A_14 = arith.muli %arg1, %mul3A_13 : i32
    %mul3A_15 = arith.constant 10112 : i32
    %mul3A_16 = arith.muli %arg0, %mul3A_15 : i32
    %mul3A_17 = arith.constant 632 : i32
    %mul3A_18 = arith.muli %arg1, %mul3A_17 : i32
    %add3A = arith.addi %mul3A_16, %mul3A_18 : i32
    "tpu.region"() ({
      %run_scoped3A = tpu.sem_alloc : memref<!tpu.dma_semaphore, #tpu.memory_space<semaphore_mem>>
      %dma_start3A = arith.constant 0 : i32
      %dma_start3A_19 = tpu.memref_slice %arg6[%add3A, %dma_start3A] : memref<20224x128xf32, #tpu.memory_space<hbm>> -> memref<632x128xf32, #tpu.memory_space<hbm>>
      %dma_start3A_20 = arith.constant 0 : i32
      %dma_start3A_21 = tpu.memref_slice %arg10[%mul3A_14, %dma_start3A_20] : memref<10112x128xf32, #tpu.memory_space<vmem_shared>> -> memref<632x128xf32, #tpu.memory_space<vmem_shared>>
      tpu.enqueue_dma source(%dma_start3A_21 : memref<632x128xf32, #tpu.memory_space<vmem_shared>>) target(%dma_start3A_19 : memref<632x128xf32, #tpu.memory_space<hbm>>) target_semaphore(%run_scoped3A : memref<!tpu.dma_semaphore, #tpu.memory_space<semaphore_mem>>)
      %dma_wait3A = arith.constant 0 : i32
      %dma_wait3A_22 = tpu.memref_slice %arg6[%add3A, %dma_wait3A] : memref<20224x128xf32, #tpu.memory_space<hbm>> -> memref<632x128xf32, #tpu.memory_space<hbm>>
      %dma_wait3A_23 = arith.constant 0 : i32
      %dma_wait3A_24 = tpu.memref_slice %arg10[%mul3A_14, %dma_wait3A_23] : memref<10112x128xf32, #tpu.memory_space<vmem_shared>> -> memref<632x128xf32, #tpu.memory_space<vmem_shared>>
      tpu.wait_dma2 semaphore(%run_scoped3A : memref<!tpu.dma_semaphore, #tpu.memory_space<semaphore_mem>>) src(%dma_wait3A_24 : memref<632x128xf32, #tpu.memory_space<vmem_shared>>) dst(%dma_wait3A_22 : memref<632x128xf32, #tpu.memory_space<hbm>>)
      tpu.yield
    }) : () -> ()
    return
  }
}

#map = affine_map<(d0, d1) -> (0, 0)>
#map1 = affine_map<(d0, d1) -> (0, 0, 0, 0)>
module attributes {stable_mosaic.version = 14 : i64} {
  func.func @body(%arg0: i32, %arg1: i32, %arg2: memref<10000x128xf32, #tpu.memory_space<hbm>>, %arg3: memref<2x16x93x128xi32, #tpu.memory_space<hbm>>, %arg4: memref<2x16x93x128xi32, #tpu.memory_space<hbm>>, %arg5: memref<632x128xf32, #tpu.memory_space<hbm>>, %arg6: memref<20224x128xf32, #tpu.memory_space<hbm>>, %arg7: memref<93x128xi32, #tpu.memory_space<vmem>>, %arg8: memref<93x128xi32, #tpu.memory_space<vmem>>, %arg9: memref<128x128xf32, #tpu.memory_space<vmem>>, %arg10: memref<10112x128xf32, #tpu.memory_space<vmem_shared>>, %arg11: memref<!tpu.dma_semaphore, #tpu.memory_space<semaphore_mem>>) attributes {dimension_semantics = [#tpu.dimension_semantics<core_parallel>, #tpu.dimension_semantics<subcore_parallel>], iteration_bounds = array<i64: 2, 16>, scalar_prefetch = 0 : i64, scratch_operands = 5 : i64, tpu.core_type = #tpu.core_type<sc_vector_subcore>, window_params = [{transform_indices = #map}, {transform_indices = #map1}, {transform_indices = #map1}, {transform_indices = #map}, {transform_indices = #map}]} {
    "tpu.region"() ({
      %run_scoped3A = tpu.sem_alloc : memref<!tpu.dma_semaphore, #tpu.memory_space<semaphore_mem>>
      %dma_start3A = arith.constant 0 : i32
      %dma_start3A_19 = arith.constant 0 : i32
      %dma_start3A_20 = tpu.memref_slice %arg3[%arg0, %arg1, %dma_start3A, %dma_start3A_19] : memref<2x16x93x128xi32, #tpu.memory_space<hbm>> -> memref<1x1x93x128xi32, #tpu.memory_space<hbm>>
      %dma_start3A_21 = tpu.memref_squeeze %dma_start3A_20 : memref<1x1x93x128xi32, #tpu.memory_space<hbm>> -> memref<93x128xi32, #tpu.memory_space<hbm>>
      %dma_start3A_22 = arith.constant 0 : i32
      %dma_start3A_23 = arith.constant 0 : i32
      %dma_start3A_24 = tpu.memref_slice %arg3[%arg0, %arg1, %dma_start3A_22, %dma_start3A_23] : memref<2x16x93x128xi32, #tpu.memory_space<hbm>> -> memref<1x1x93x128xi32, #tpu.memory_space<hbm>>
      %dma_start3A_25 = tpu.memref_squeeze %dma_start3A_24 : memref<1x1x93x128xi32, #tpu.memory_space<hbm>> -> memref<93x128xi32, #tpu.memory_space<hbm>>
      tpu.enqueue_dma source(%dma_start3A_25 : memref<93x128xi32, #tpu.memory_space<hbm>>) target(%arg7 : memref<93x128xi32, #tpu.memory_space<vmem>>) target_semaphore(%run_scoped3A : memref<!tpu.dma_semaphore, #tpu.memory_space<semaphore_mem>>)
      %dma_wait3A = arith.constant 0 : i32
      %dma_wait3A_26 = arith.constant 0 : i32
      %dma_wait3A_27 = tpu.memref_slice %arg3[%arg0, %arg1, %dma_wait3A, %dma_wait3A_26] : memref<2x16x93x128xi32, #tpu.memory_space<hbm>> -> memref<1x1x93x128xi32, #tpu.memory_space<hbm>>
      %dma_wait3A_28 = tpu.memref_squeeze %dma_wait3A_27 : memref<1x1x93x128xi32, #tpu.memory_space<hbm>> -> memref<93x128xi32, #tpu.memory_space<hbm>>
      %dma_wait3A_29 = arith.constant 0 : i32
      %dma_wait3A_30 = arith.constant 0 : i32
      %dma_wait3A_31 = tpu.memref_slice %arg3[%arg0, %arg1, %dma_wait3A_29, %dma_wait3A_30] : memref<2x16x93x128xi32, #tpu.memory_space<hbm>> -> memref<1x1x93x128xi32, #tpu.memory_space<hbm>>
      %dma_wait3A_32 = tpu.memref_squeeze %dma_wait3A_31 : memref<1x1x93x128xi32, #tpu.memory_space<hbm>> -> memref<93x128xi32, #tpu.memory_space<hbm>>
      tpu.wait_dma2 semaphore(%run_scoped3A : memref<!tpu.dma_semaphore, #tpu.memory_space<semaphore_mem>>) src(%dma_wait3A_32 : memref<93x128xi32, #tpu.memory_space<hbm>>) dst(%arg7 : memref<93x128xi32, #tpu.memory_space<vmem>>)
      tpu.yield
    }) : () -> ()
    "tpu.region"() ({
      %run_scoped3A = tpu.sem_alloc : memref<!tpu.dma_semaphore, #tpu.memory_space<semaphore_mem>>
      %dma_start3A = arith.constant 0 : i32
      %dma_start3A_19 = arith.constant 0 : i32
      %dma_start3A_20 = tpu.memref_slice %arg4[%arg0, %arg1, %dma_start3A, %dma_start3A_19] : memref<2x16x93x128xi32, #tpu.memory_space<hbm>> -> memref<1x1x93x128xi32, #tpu.memory_space<hbm>>
      %dma_start3A_21 = tpu.memref_squeeze %dma_start3A_20 : memref<1x1x93x128xi32, #tpu.memory_space<hbm>> -> memref<93x128xi32, #tpu.memory_space<hbm>>
      %dma_start3A_22 = arith.constant 0 : i32
      %dma_start3A_23 = arith.constant 0 : i32
      %dma_start3A_24 = tpu.memref_slice %arg4[%arg0, %arg1, %dma_start3A_22, %dma_start3A_23] : memref<2x16x93x128xi32, #tpu.memory_space<hbm>> -> memref<1x1x93x128xi32, #tpu.memory_space<hbm>>
      %dma_start3A_25 = tpu.memref_squeeze %dma_start3A_24 : memref<1x1x93x128xi32, #tpu.memory_space<hbm>> -> memref<93x128xi32, #tpu.memory_space<hbm>>
      tpu.enqueue_dma source(%dma_start3A_25 : memref<93x128xi32, #tpu.memory_space<hbm>>) target(%arg8 : memref<93x128xi32, #tpu.memory_space<vmem>>) target_semaphore(%run_scoped3A : memref<!tpu.dma_semaphore, #tpu.memory_space<semaphore_mem>>)
      %dma_wait3A = arith.constant 0 : i32
      %dma_wait3A_26 = arith.constant 0 : i32
      %dma_wait3A_27 = tpu.memref_slice %arg4[%arg0, %arg1, %dma_wait3A, %dma_wait3A_26] : memref<2x16x93x128xi32, #tpu.memory_space<hbm>> -> memref<1x1x93x128xi32, #tpu.memory_space<hbm>>
      %dma_wait3A_28 = tpu.memref_squeeze %dma_wait3A_27 : memref<1x1x93x128xi32, #tpu.memory_space<hbm>> -> memref<93x128xi32, #tpu.memory_space<hbm>>
      %dma_wait3A_29 = arith.constant 0 : i32
      %dma_wait3A_30 = arith.constant 0 : i32
      %dma_wait3A_31 = tpu.memref_slice %arg4[%arg0, %arg1, %dma_wait3A_29, %dma_wait3A_30] : memref<2x16x93x128xi32, #tpu.memory_space<hbm>> -> memref<1x1x93x128xi32, #tpu.memory_space<hbm>>
      %dma_wait3A_32 = tpu.memref_squeeze %dma_wait3A_31 : memref<1x1x93x128xi32, #tpu.memory_space<hbm>> -> memref<93x128xi32, #tpu.memory_space<hbm>>
      tpu.wait_dma2 semaphore(%run_scoped3A : memref<!tpu.dma_semaphore, #tpu.memory_space<semaphore_mem>>) src(%dma_wait3A_32 : memref<93x128xi32, #tpu.memory_space<hbm>>) dst(%arg8 : memref<93x128xi32, #tpu.memory_space<vmem>>)
      tpu.yield
    }) : () -> ()
    %mul3A = arith.constant 632 : i32
    %mul3A_0 = arith.muli %arg1, %mul3A : i32
    "tpu.region"() ({
      %run_scoped3A = tpu.sem_alloc : memref<!tpu.dma_semaphore, #tpu.memory_space<semaphore_mem>>
      %dma_start3A = arith.constant 0 : i32
      %dma_start3A_19 = tpu.memref_slice %arg10[%mul3A_0, %dma_start3A] : memref<10112x128xf32, #tpu.memory_space<vmem_shared>> -> memref<632x128xf32, #tpu.memory_space<vmem_shared>>
      tpu.enqueue_dma source(%arg5 : memref<632x128xf32, #tpu.memory_space<hbm>>) target(%dma_start3A_19 : memref<632x128xf32, #tpu.memory_space<vmem_shared>>) target_semaphore(%run_scoped3A : memref<!tpu.dma_semaphore, #tpu.memory_space<semaphore_mem>>)
      %dma_wait3A = arith.constant 0 : i32
      %dma_wait3A_20 = tpu.memref_slice %arg10[%mul3A_0, %dma_wait3A] : memref<10112x128xf32, #tpu.memory_space<vmem_shared>> -> memref<632x128xf32, #tpu.memory_space<vmem_shared>>
      tpu.wait_dma2 semaphore(%run_scoped3A : memref<!tpu.dma_semaphore, #tpu.memory_space<semaphore_mem>>) src(%arg5 : memref<632x128xf32, #tpu.memory_space<hbm>>) dst(%dma_wait3A_20 : memref<632x128xf32, #tpu.memory_space<vmem_shared>>)
      tpu.yield
    }) : () -> ()
    %barrier3A = arith.constant 0 : index
    tpu.barrier barrier_id(%barrier3A)
    %eq3A = arith.constant 0 : i32
    %eq3A_1 = arith.cmpi eq, %arg0, %eq3A : i32
    %jit3A = arith.constant 64 : i32
    %jit3A_2 = arith.constant 93 : i32
    %select_n3A = arith.select %eq3A_1, %jit3A, %jit3A_2 : i32
    %while3A = arith.constant 0 : i32
    %while3A_3 = arith.constant 0 : i32
    %while3A_4 = arith.subi %select_n3A, %while3A_3 : i32
    %while3A_5 = arith.addi %while3A_3, %while3A_4 : i32
    %while3A_6 = arith.constant 1 : i32
    %while3A_7 = arith.divsi %while3A_4, %while3A_6 : i32
    %while3A_8 = arith.muli %while3A_7, %while3A_6 : i32
    %while3A_9 = arith.addi %while3A_3, %while3A_8 : i32
    %while3A_10 = arith.constant 1 : i32
    scf.for %while3A_19 = %while3A_3 to %while3A_9 step %while3A_10  : i32 {
      %dma_start3A = arith.constant 0 : i32
      %dma_start3A_20 = tpu.memref_slice %arg7[%while3A_19, %dma_start3A] : memref<93x128xi32, #tpu.memory_space<vmem>> -> memref<1x128xi32, #tpu.memory_space<vmem>>
      %dma_start3A_21 = tpu.memref_squeeze %dma_start3A_20 : memref<1x128xi32, #tpu.memory_space<vmem>> -> memref<128xi32, #tpu.memory_space<vmem>>
      %dma_start3A_22 = arith.constant 0 : i32
      %dma_start3A_23 = arith.constant 0 : i32
      %dma_start3A_24 = tpu.memref_slice %arg2[%dma_start3A_22, %dma_start3A_23] : memref<10000x128xf32, #tpu.memory_space<hbm>> -> memref<10000x128xf32, #tpu.memory_space<hbm>>
      tpu.enqueue_indirect_dma source(%dma_start3A_24 : memref<10000x128xf32, #tpu.memory_space<hbm>>) target(%arg9 : memref<128x128xf32, #tpu.memory_space<vmem>>) offsets(%dma_start3A_21 : memref<128xi32, #tpu.memory_space<vmem>>) semaphore(%arg11 : memref<!tpu.dma_semaphore, #tpu.memory_space<semaphore_mem>>)
      %dma_wait3A = arith.constant 0 : i32
      %dma_wait3A_25 = tpu.memref_slice %arg7[%while3A_19, %dma_wait3A] : memref<93x128xi32, #tpu.memory_space<vmem>> -> memref<1x128xi32, #tpu.memory_space<vmem>>
      %dma_wait3A_26 = tpu.memref_squeeze %dma_wait3A_25 : memref<1x128xi32, #tpu.memory_space<vmem>> -> memref<128xi32, #tpu.memory_space<vmem>>
      %dma_wait3A_27 = arith.constant 0 : i32
      %dma_wait3A_28 = arith.constant 0 : i32
      %dma_wait3A_29 = tpu.memref_slice %arg2[%dma_wait3A_27, %dma_wait3A_28] : memref<10000x128xf32, #tpu.memory_space<hbm>> -> memref<10000x128xf32, #tpu.memory_space<hbm>>
      tpu.wait_indirect_dma semaphore(%arg11 : memref<!tpu.dma_semaphore, #tpu.memory_space<semaphore_mem>>) src(%dma_wait3A_29 : memref<10000x128xf32, #tpu.memory_space<hbm>>) dst(%arg9 : memref<128x128xf32, #tpu.memory_space<vmem>>)
      "tpu.region"() ({
        %run_scoped3A = tpu.sem_alloc : memref<!tpu.dma_semaphore, #tpu.memory_space<semaphore_mem>>
        %dma_start3A_30 = arith.constant 0 : i32
        %dma_start3A_31 = tpu.memref_slice %arg8[%while3A_19, %dma_start3A_30] : memref<93x128xi32, #tpu.memory_space<vmem>> -> memref<1x128xi32, #tpu.memory_space<vmem>>
        %dma_start3A_32 = tpu.memref_squeeze %dma_start3A_31 : memref<1x128xi32, #tpu.memory_space<vmem>> -> memref<128xi32, #tpu.memory_space<vmem>>
        %dma_start3A_33 = arith.constant 0 : i32
        %dma_start3A_34 = arith.constant 0 : i32
        %dma_start3A_35 = tpu.memref_slice %arg10[%dma_start3A_33, %dma_start3A_34] : memref<10112x128xf32, #tpu.memory_space<vmem_shared>> -> memref<10112x128xf32, #tpu.memory_space<vmem_shared>>
        tpu.enqueue_indirect_dma source(%arg9 : memref<128x128xf32, #tpu.memory_space<vmem>>) target(%dma_start3A_35 : memref<10112x128xf32, #tpu.memory_space<vmem_shared>>) offsets(%dma_start3A_32 : memref<128xi32, #tpu.memory_space<vmem>>) semaphore(%run_scoped3A : memref<!tpu.dma_semaphore, #tpu.memory_space<semaphore_mem>>) {add = true}
        %dma_wait3A_36 = arith.constant 0 : i32
        %dma_wait3A_37 = tpu.memref_slice %arg8[%while3A_19, %dma_wait3A_36] : memref<93x128xi32, #tpu.memory_space<vmem>> -> memref<1x128xi32, #tpu.memory_space<vmem>>
        %dma_wait3A_38 = tpu.memref_squeeze %dma_wait3A_37 : memref<1x128xi32, #tpu.memory_space<vmem>> -> memref<128xi32, #tpu.memory_space<vmem>>
        %dma_wait3A_39 = arith.constant 0 : i32
        %dma_wait3A_40 = arith.constant 0 : i32
        %dma_wait3A_41 = tpu.memref_slice %arg10[%dma_wait3A_39, %dma_wait3A_40] : memref<10112x128xf32, #tpu.memory_space<vmem_shared>> -> memref<10112x128xf32, #tpu.memory_space<vmem_shared>>
        tpu.wait_indirect_dma semaphore(%run_scoped3A : memref<!tpu.dma_semaphore, #tpu.memory_space<semaphore_mem>>) src(%arg9 : memref<128x128xf32, #tpu.memory_space<vmem>>) dst(%dma_wait3A_41 : memref<10112x128xf32, #tpu.memory_space<vmem_shared>>)
        tpu.yield
      }) : () -> ()
    }
    %while3A_11 = arith.constant 1 : i32
    scf.for %while3A_19 = %while3A_9 to %while3A_5 step %while3A_11  : i32 {
      %dma_start3A = arith.constant 0 : i32
      %dma_start3A_20 = tpu.memref_slice %arg7[%while3A_19, %dma_start3A] : memref<93x128xi32, #tpu.memory_space<vmem>> -> memref<1x128xi32, #tpu.memory_space<vmem>>
      %dma_start3A_21 = tpu.memref_squeeze %dma_start3A_20 : memref<1x128xi32, #tpu.memory_space<vmem>> -> memref<128xi32, #tpu.memory_space<vmem>>
      %dma_start3A_22 = arith.constant 0 : i32
      %dma_start3A_23 = arith.constant 0 : i32
      %dma_start3A_24 = tpu.memref_slice %arg2[%dma_start3A_22, %dma_start3A_23] : memref<10000x128xf32, #tpu.memory_space<hbm>> -> memref<10000x128xf32, #tpu.memory_space<hbm>>
      tpu.enqueue_indirect_dma source(%dma_start3A_24 : memref<10000x128xf32, #tpu.memory_space<hbm>>) target(%arg9 : memref<128x128xf32, #tpu.memory_space<vmem>>) offsets(%dma_start3A_21 : memref<128xi32, #tpu.memory_space<vmem>>) semaphore(%arg11 : memref<!tpu.dma_semaphore, #tpu.memory_space<semaphore_mem>>)
      %dma_wait3A = arith.constant 0 : i32
      %dma_wait3A_25 = tpu.memref_slice %arg7[%while3A_19, %dma_wait3A] : memref<93x128xi32, #tpu.memory_space<vmem>> -> memref<1x128xi32, #tpu.memory_space<vmem>>
      %dma_wait3A_26 = tpu.memref_squeeze %dma_wait3A_25 : memref<1x128xi32, #tpu.memory_space<vmem>> -> memref<128xi32, #tpu.memory_space<vmem>>
      %dma_wait3A_27 = arith.constant 0 : i32
      %dma_wait3A_28 = arith.constant 0 : i32
      %dma_wait3A_29 = tpu.memref_slice %arg2[%dma_wait3A_27, %dma_wait3A_28] : memref<10000x128xf32, #tpu.memory_space<hbm>> -> memref<10000x128xf32, #tpu.memory_space<hbm>>
      tpu.wait_indirect_dma semaphore(%arg11 : memref<!tpu.dma_semaphore, #tpu.memory_space<semaphore_mem>>) src(%dma_wait3A_29 : memref<10000x128xf32, #tpu.memory_space<hbm>>) dst(%arg9 : memref<128x128xf32, #tpu.memory_space<vmem>>)
      "tpu.region"() ({
        %run_scoped3A = tpu.sem_alloc : memref<!tpu.dma_semaphore, #tpu.memory_space<semaphore_mem>>
        %dma_start3A_30 = arith.constant 0 : i32
        %dma_start3A_31 = tpu.memref_slice %arg8[%while3A_19, %dma_start3A_30] : memref<93x128xi32, #tpu.memory_space<vmem>> -> memref<1x128xi32, #tpu.memory_space<vmem>>
        %dma_start3A_32 = tpu.memref_squeeze %dma_start3A_31 : memref<1x128xi32, #tpu.memory_space<vmem>> -> memref<128xi32, #tpu.memory_space<vmem>>
        %dma_start3A_33 = arith.constant 0 : i32
        %dma_start3A_34 = arith.constant 0 : i32
        %dma_start3A_35 = tpu.memref_slice %arg10[%dma_start3A_33, %dma_start3A_34] : memref<10112x128xf32, #tpu.memory_space<vmem_shared>> -> memref<10112x128xf32, #tpu.memory_space<vmem_shared>>
        tpu.enqueue_indirect_dma source(%arg9 : memref<128x128xf32, #tpu.memory_space<vmem>>) target(%dma_start3A_35 : memref<10112x128xf32, #tpu.memory_space<vmem_shared>>) offsets(%dma_start3A_32 : memref<128xi32, #tpu.memory_space<vmem>>) semaphore(%run_scoped3A : memref<!tpu.dma_semaphore, #tpu.memory_space<semaphore_mem>>) {add = true}
        %dma_wait3A_36 = arith.constant 0 : i32
        %dma_wait3A_37 = tpu.memref_slice %arg8[%while3A_19, %dma_wait3A_36] : memref<93x128xi32, #tpu.memory_space<vmem>> -> memref<1x128xi32, #tpu.memory_space<vmem>>
        %dma_wait3A_38 = tpu.memref_squeeze %dma_wait3A_37 : memref<1x128xi32, #tpu.memory_space<vmem>> -> memref<128xi32, #tpu.memory_space<vmem>>
        %dma_wait3A_39 = arith.constant 0 : i32
        %dma_wait3A_40 = arith.constant 0 : i32
        %dma_wait3A_41 = tpu.memref_slice %arg10[%dma_wait3A_39, %dma_wait3A_40] : memref<10112x128xf32, #tpu.memory_space<vmem_shared>> -> memref<10112x128xf32, #tpu.memory_space<vmem_shared>>
        tpu.wait_indirect_dma semaphore(%run_scoped3A : memref<!tpu.dma_semaphore, #tpu.memory_space<semaphore_mem>>) src(%arg9 : memref<128x128xf32, #tpu.memory_space<vmem>>) dst(%dma_wait3A_41 : memref<10112x128xf32, #tpu.memory_space<vmem_shared>>)
        tpu.yield
      }) : () -> ()
    }
    %barrier3A_12 = arith.constant 0 : index
    tpu.barrier barrier_id(%barrier3A_12)
    %mul3A_13 = arith.constant 632 : i32
    %mul3A_14 = arith.muli %arg1, %mul3A_13 : i32
    %mul3A_15 = arith.constant 10112 : i32
    %mul3A_16 = arith.muli %arg0, %mul3A_15 : i32
    %mul3A_17 = arith.constant 632 : i32
    %mul3A_18 = arith.muli %arg1, %mul3A_17 : i32
    %add3A = arith.addi %mul3A_16, %mul3A_18 : i32
    "tpu.region"() ({
      %run_scoped3A = tpu.sem_alloc : memref<!tpu.dma_semaphore, #tpu.memory_space<semaphore_mem>>
      %dma_start3A = arith.constant 0 : i32
      %dma_start3A_19 = tpu.memref_slice %arg6[%add3A, %dma_start3A] : memref<20224x128xf32, #tpu.memory_space<hbm>> -> memref<632x128xf32, #tpu.memory_space<hbm>>
      %dma_start3A_20 = arith.constant 0 : i32
      %dma_start3A_21 = tpu.memref_slice %arg10[%mul3A_14, %dma_start3A_20] : memref<10112x128xf32, #tpu.memory_space<vmem_shared>> -> memref<632x128xf32, #tpu.memory_space<vmem_shared>>
      tpu.enqueue_dma source(%dma_start3A_21 : memref<632x128xf32, #tpu.memory_space<vmem_shared>>) target(%dma_start3A_19 : memref<632x128xf32, #tpu.memory_space<hbm>>) target_semaphore(%run_scoped3A : memref<!tpu.dma_semaphore, #tpu.memory_space<semaphore_mem>>)
      %dma_wait3A = arith.constant 0 : i32
      %dma_wait3A_22 = tpu.memref_slice %arg6[%add3A, %dma_wait3A] : memref<20224x128xf32, #tpu.memory_space<hbm>> -> memref<632x128xf32, #tpu.memory_space<hbm>>
      %dma_wait3A_23 = arith.constant 0 : i32
      %dma_wait3A_24 = tpu.memref_slice %arg10[%mul3A_14, %dma_wait3A_23] : memref<10112x128xf32, #tpu.memory_space<vmem_shared>> -> memref<632x128xf32, #tpu.memory_space<vmem_shared>>
      tpu.wait_dma2 semaphore(%run_scoped3A : memref<!tpu.dma_semaphore, #tpu.memory_space<semaphore_mem>>) src(%dma_wait3A_24 : memref<632x128xf32, #tpu.memory_space<vmem_shared>>) dst(%dma_wait3A_22 : memref<632x128xf32, #tpu.memory_space<hbm>>)
      tpu.yield
    }) : () -> ()
    return
  }
}

#map = affine_map<(d0, d1) -> (0, 0)>
#map1 = affine_map<(d0, d1) -> (0, 0, 0, 0)>
module attributes {stable_mosaic.version = 14 : i64} {
  func.func @body(%arg0: i32, %arg1: i32, %arg2: memref<10000x128xf32, #tpu.memory_space<hbm>>, %arg3: memref<2x16x93x128xi32, #tpu.memory_space<hbm>>, %arg4: memref<2x16x93x128xi32, #tpu.memory_space<hbm>>, %arg5: memref<632x128xf32, #tpu.memory_space<hbm>>, %arg6: memref<20224x128xf32, #tpu.memory_space<hbm>>, %arg7: memref<93x128xi32, #tpu.memory_space<vmem>>, %arg8: memref<93x128xi32, #tpu.memory_space<vmem>>, %arg9: memref<128x128xf32, #tpu.memory_space<vmem>>, %arg10: memref<10112x128xf32, #tpu.memory_space<vmem_shared>>, %arg11: memref<!tpu.dma_semaphore, #tpu.memory_space<semaphore_mem>>) attributes {dimension_semantics = [#tpu.dimension_semantics<core_parallel>, #tpu.dimension_semantics<subcore_parallel>], iteration_bounds = array<i64: 2, 16>, scalar_prefetch = 0 : i64, scratch_operands = 5 : i64, tpu.core_type = #tpu.core_type<sc_vector_subcore>, window_params = [{transform_indices = #map}, {transform_indices = #map1}, {transform_indices = #map1}, {transform_indices = #map}, {transform_indices = #map}]} {
    "tpu.region"() ({
      %run_scoped3A = tpu.sem_alloc : memref<!tpu.dma_semaphore, #tpu.memory_space<semaphore_mem>>
      %dma_start3A = arith.constant 0 : i32
      %dma_start3A_19 = arith.constant 0 : i32
      %dma_start3A_20 = tpu.memref_slice %arg3[%arg0, %arg1, %dma_start3A, %dma_start3A_19] : memref<2x16x93x128xi32, #tpu.memory_space<hbm>> -> memref<1x1x93x128xi32, #tpu.memory_space<hbm>>
      %dma_start3A_21 = tpu.memref_squeeze %dma_start3A_20 : memref<1x1x93x128xi32, #tpu.memory_space<hbm>> -> memref<93x128xi32, #tpu.memory_space<hbm>>
      %dma_start3A_22 = arith.constant 0 : i32
      %dma_start3A_23 = arith.constant 0 : i32
      %dma_start3A_24 = tpu.memref_slice %arg3[%arg0, %arg1, %dma_start3A_22, %dma_start3A_23] : memref<2x16x93x128xi32, #tpu.memory_space<hbm>> -> memref<1x1x93x128xi32, #tpu.memory_space<hbm>>
      %dma_start3A_25 = tpu.memref_squeeze %dma_start3A_24 : memref<1x1x93x128xi32, #tpu.memory_space<hbm>> -> memref<93x128xi32, #tpu.memory_space<hbm>>
      tpu.enqueue_dma source(%dma_start3A_25 : memref<93x128xi32, #tpu.memory_space<hbm>>) target(%arg7 : memref<93x128xi32, #tpu.memory_space<vmem>>) target_semaphore(%run_scoped3A : memref<!tpu.dma_semaphore, #tpu.memory_space<semaphore_mem>>)
      %dma_wait3A = arith.constant 0 : i32
      %dma_wait3A_26 = arith.constant 0 : i32
      %dma_wait3A_27 = tpu.memref_slice %arg3[%arg0, %arg1, %dma_wait3A, %dma_wait3A_26] : memref<2x16x93x128xi32, #tpu.memory_space<hbm>> -> memref<1x1x93x128xi32, #tpu.memory_space<hbm>>
      %dma_wait3A_28 = tpu.memref_squeeze %dma_wait3A_27 : memref<1x1x93x128xi32, #tpu.memory_space<hbm>> -> memref<93x128xi32, #tpu.memory_space<hbm>>
      %dma_wait3A_29 = arith.constant 0 : i32
      %dma_wait3A_30 = arith.constant 0 : i32
      %dma_wait3A_31 = tpu.memref_slice %arg3[%arg0, %arg1, %dma_wait3A_29, %dma_wait3A_30] : memref<2x16x93x128xi32, #tpu.memory_space<hbm>> -> memref<1x1x93x128xi32, #tpu.memory_space<hbm>>
      %dma_wait3A_32 = tpu.memref_squeeze %dma_wait3A_31 : memref<1x1x93x128xi32, #tpu.memory_space<hbm>> -> memref<93x128xi32, #tpu.memory_space<hbm>>
      tpu.wait_dma2 semaphore(%run_scoped3A : memref<!tpu.dma_semaphore, #tpu.memory_space<semaphore_mem>>) src(%dma_wait3A_32 : memref<93x128xi32, #tpu.memory_space<hbm>>) dst(%arg7 : memref<93x128xi32, #tpu.memory_space<vmem>>)
      tpu.yield
    }) : () -> ()
    "tpu.region"() ({
      %run_scoped3A = tpu.sem_alloc : memref<!tpu.dma_semaphore, #tpu.memory_space<semaphore_mem>>
      %dma_start3A = arith.constant 0 : i32
      %dma_start3A_19 = arith.constant 0 : i32
      %dma_start3A_20 = tpu.memref_slice %arg4[%arg0, %arg1, %dma_start3A, %dma_start3A_19] : memref<2x16x93x128xi32, #tpu.memory_space<hbm>> -> memref<1x1x93x128xi32, #tpu.memory_space<hbm>>
      %dma_start3A_21 = tpu.memref_squeeze %dma_start3A_20 : memref<1x1x93x128xi32, #tpu.memory_space<hbm>> -> memref<93x128xi32, #tpu.memory_space<hbm>>
      %dma_start3A_22 = arith.constant 0 : i32
      %dma_start3A_23 = arith.constant 0 : i32
      %dma_start3A_24 = tpu.memref_slice %arg4[%arg0, %arg1, %dma_start3A_22, %dma_start3A_23] : memref<2x16x93x128xi32, #tpu.memory_space<hbm>> -> memref<1x1x93x128xi32, #tpu.memory_space<hbm>>
      %dma_start3A_25 = tpu.memref_squeeze %dma_start3A_24 : memref<1x1x93x128xi32, #tpu.memory_space<hbm>> -> memref<93x128xi32, #tpu.memory_space<hbm>>
      tpu.enqueue_dma source(%dma_start3A_25 : memref<93x128xi32, #tpu.memory_space<hbm>>) target(%arg8 : memref<93x128xi32, #tpu.memory_space<vmem>>) target_semaphore(%run_scoped3A : memref<!tpu.dma_semaphore, #tpu.memory_space<semaphore_mem>>)
      %dma_wait3A = arith.constant 0 : i32
      %dma_wait3A_26 = arith.constant 0 : i32
      %dma_wait3A_27 = tpu.memref_slice %arg4[%arg0, %arg1, %dma_wait3A, %dma_wait3A_26] : memref<2x16x93x128xi32, #tpu.memory_space<hbm>> -> memref<1x1x93x128xi32, #tpu.memory_space<hbm>>
      %dma_wait3A_28 = tpu.memref_squeeze %dma_wait3A_27 : memref<1x1x93x128xi32, #tpu.memory_space<hbm>> -> memref<93x128xi32, #tpu.memory_space<hbm>>
      %dma_wait3A_29 = arith.constant 0 : i32
      %dma_wait3A_30 = arith.constant 0 : i32
      %dma_wait3A_31 = tpu.memref_slice %arg4[%arg0, %arg1, %dma_wait3A_29, %dma_wait3A_30] : memref<2x16x93x128xi32, #tpu.memory_space<hbm>> -> memref<1x1x93x128xi32, #tpu.memory_space<hbm>>
      %dma_wait3A_32 = tpu.memref_squeeze %dma_wait3A_31 : memref<1x1x93x128xi32, #tpu.memory_space<hbm>> -> memref<93x128xi32, #tpu.memory_space<hbm>>
      tpu.wait_dma2 semaphore(%run_scoped3A : memref<!tpu.dma_semaphore, #tpu.memory_space<semaphore_mem>>) src(%dma_wait3A_32 : memref<93x128xi32, #tpu.memory_space<hbm>>) dst(%arg8 : memref<93x128xi32, #tpu.memory_space<vmem>>)
      tpu.yield
    }) : () -> ()
    %mul3A = arith.constant 632 : i32
    %mul3A_0 = arith.muli %arg1, %mul3A : i32
    "tpu.region"() ({
      %run_scoped3A = tpu.sem_alloc : memref<!tpu.dma_semaphore, #tpu.memory_space<semaphore_mem>>
      %dma_start3A = arith.constant 0 : i32
      %dma_start3A_19 = tpu.memref_slice %arg10[%mul3A_0, %dma_start3A] : memref<10112x128xf32, #tpu.memory_space<vmem_shared>> -> memref<632x128xf32, #tpu.memory_space<vmem_shared>>
      tpu.enqueue_dma source(%arg5 : memref<632x128xf32, #tpu.memory_space<hbm>>) target(%dma_start3A_19 : memref<632x128xf32, #tpu.memory_space<vmem_shared>>) target_semaphore(%run_scoped3A : memref<!tpu.dma_semaphore, #tpu.memory_space<semaphore_mem>>)
      %dma_wait3A = arith.constant 0 : i32
      %dma_wait3A_20 = tpu.memref_slice %arg10[%mul3A_0, %dma_wait3A] : memref<10112x128xf32, #tpu.memory_space<vmem_shared>> -> memref<632x128xf32, #tpu.memory_space<vmem_shared>>
      tpu.wait_dma2 semaphore(%run_scoped3A : memref<!tpu.dma_semaphore, #tpu.memory_space<semaphore_mem>>) src(%arg5 : memref<632x128xf32, #tpu.memory_space<hbm>>) dst(%dma_wait3A_20 : memref<632x128xf32, #tpu.memory_space<vmem_shared>>)
      tpu.yield
    }) : () -> ()
    %barrier3A = arith.constant 0 : index
    tpu.barrier barrier_id(%barrier3A)
    %eq3A = arith.constant 0 : i32
    %eq3A_1 = arith.cmpi eq, %arg0, %eq3A : i32
    %jit3A = arith.constant 64 : i32
    %jit3A_2 = arith.constant 93 : i32
    %select_n3A = arith.select %eq3A_1, %jit3A, %jit3A_2 : i32
    %while3A = arith.constant 0 : i32
    %while3A_3 = arith.constant 0 : i32
    %while3A_4 = arith.subi %select_n3A, %while3A_3 : i32
    %while3A_5 = arith.addi %while3A_3, %while3A_4 : i32
    %while3A_6 = arith.constant 1 : i32
    %while3A_7 = arith.divsi %while3A_4, %while3A_6 : i32
    %while3A_8 = arith.muli %while3A_7, %while3A_6 : i32
    %while3A_9 = arith.addi %while3A_3, %while3A_8 : i32
    %while3A_10 = arith.constant 1 : i32
    scf.for %while3A_19 = %while3A_3 to %while3A_9 step %while3A_10  : i32 {
      %dma_start3A = arith.constant 0 : i32
      %dma_start3A_20 = tpu.memref_slice %arg7[%while3A_19, %dma_start3A] : memref<93x128xi32, #tpu.memory_space<vmem>> -> memref<1x128xi32, #tpu.memory_space<vmem>>
      %dma_start3A_21 = tpu.memref_squeeze %dma_start3A_20 : memref<1x128xi32, #tpu.memory_space<vmem>> -> memref<128xi32, #tpu.memory_space<vmem>>
      %dma_start3A_22 = arith.constant 0 : i32
      %dma_start3A_23 = arith.constant 0 : i32
      %dma_start3A_24 = tpu.memref_slice %arg2[%dma_start3A_22, %dma_start3A_23] : memref<10000x128xf32, #tpu.memory_space<hbm>> -> memref<10000x128xf32, #tpu.memory_space<hbm>>
      tpu.enqueue_indirect_dma source(%dma_start3A_24 : memref<10000x128xf32, #tpu.memory_space<hbm>>) target(%arg9 : memref<128x128xf32, #tpu.memory_space<vmem>>) offsets(%dma_start3A_21 : memref<128xi32, #tpu.memory_space<vmem>>) semaphore(%arg11 : memref<!tpu.dma_semaphore, #tpu.memory_space<semaphore_mem>>)
      %dma_wait3A = arith.constant 0 : i32
      %dma_wait3A_25 = tpu.memref_slice %arg7[%while3A_19, %dma_wait3A] : memref<93x128xi32, #tpu.memory_space<vmem>> -> memref<1x128xi32, #tpu.memory_space<vmem>>
      %dma_wait3A_26 = tpu.memref_squeeze %dma_wait3A_25 : memref<1x128xi32, #tpu.memory_space<vmem>> -> memref<128xi32, #tpu.memory_space<vmem>>
      %dma_wait3A_27 = arith.constant 0 : i32
      %dma_wait3A_28 = arith.constant 0 : i32
      %dma_wait3A_29 = tpu.memref_slice %arg2[%dma_wait3A_27, %dma_wait3A_28] : memref<10000x128xf32, #tpu.memory_space<hbm>> -> memref<10000x128xf32, #tpu.memory_space<hbm>>
      tpu.wait_indirect_dma semaphore(%arg11 : memref<!tpu.dma_semaphore, #tpu.memory_space<semaphore_mem>>) src(%dma_wait3A_29 : memref<10000x128xf32, #tpu.memory_space<hbm>>) dst(%arg9 : memref<128x128xf32, #tpu.memory_space<vmem>>)
      "tpu.region"() ({
        %run_scoped3A = tpu.sem_alloc : memref<!tpu.dma_semaphore, #tpu.memory_space<semaphore_mem>>
        %dma_start3A_30 = arith.constant 0 : i32
        %dma_start3A_31 = tpu.memref_slice %arg8[%while3A_19, %dma_start3A_30] : memref<93x128xi32, #tpu.memory_space<vmem>> -> memref<1x128xi32, #tpu.memory_space<vmem>>
        %dma_start3A_32 = tpu.memref_squeeze %dma_start3A_31 : memref<1x128xi32, #tpu.memory_space<vmem>> -> memref<128xi32, #tpu.memory_space<vmem>>
        %dma_start3A_33 = arith.constant 0 : i32
        %dma_start3A_34 = arith.constant 0 : i32
        %dma_start3A_35 = tpu.memref_slice %arg10[%dma_start3A_33, %dma_start3A_34] : memref<10112x128xf32, #tpu.memory_space<vmem_shared>> -> memref<10112x128xf32, #tpu.memory_space<vmem_shared>>
        tpu.enqueue_indirect_dma source(%arg9 : memref<128x128xf32, #tpu.memory_space<vmem>>) target(%dma_start3A_35 : memref<10112x128xf32, #tpu.memory_space<vmem_shared>>) offsets(%dma_start3A_32 : memref<128xi32, #tpu.memory_space<vmem>>) semaphore(%run_scoped3A : memref<!tpu.dma_semaphore, #tpu.memory_space<semaphore_mem>>) {add = true}
        %dma_wait3A_36 = arith.constant 0 : i32
        %dma_wait3A_37 = tpu.memref_slice %arg8[%while3A_19, %dma_wait3A_36] : memref<93x128xi32, #tpu.memory_space<vmem>> -> memref<1x128xi32, #tpu.memory_space<vmem>>
        %dma_wait3A_38 = tpu.memref_squeeze %dma_wait3A_37 : memref<1x128xi32, #tpu.memory_space<vmem>> -> memref<128xi32, #tpu.memory_space<vmem>>
        %dma_wait3A_39 = arith.constant 0 : i32
        %dma_wait3A_40 = arith.constant 0 : i32
        %dma_wait3A_41 = tpu.memref_slice %arg10[%dma_wait3A_39, %dma_wait3A_40] : memref<10112x128xf32, #tpu.memory_space<vmem_shared>> -> memref<10112x128xf32, #tpu.memory_space<vmem_shared>>
        tpu.wait_indirect_dma semaphore(%run_scoped3A : memref<!tpu.dma_semaphore, #tpu.memory_space<semaphore_mem>>) src(%arg9 : memref<128x128xf32, #tpu.memory_space<vmem>>) dst(%dma_wait3A_41 : memref<10112x128xf32, #tpu.memory_space<vmem_shared>>)
        tpu.yield
      }) : () -> ()
    }
    %while3A_11 = arith.constant 1 : i32
    scf.for %while3A_19 = %while3A_9 to %while3A_5 step %while3A_11  : i32 {
      %dma_start3A = arith.constant 0 : i32
      %dma_start3A_20 = tpu.memref_slice %arg7[%while3A_19, %dma_start3A] : memref<93x128xi32, #tpu.memory_space<vmem>> -> memref<1x128xi32, #tpu.memory_space<vmem>>
      %dma_start3A_21 = tpu.memref_squeeze %dma_start3A_20 : memref<1x128xi32, #tpu.memory_space<vmem>> -> memref<128xi32, #tpu.memory_space<vmem>>
      %dma_start3A_22 = arith.constant 0 : i32
      %dma_start3A_23 = arith.constant 0 : i32
      %dma_start3A_24 = tpu.memref_slice %arg2[%dma_start3A_22, %dma_start3A_23] : memref<10000x128xf32, #tpu.memory_space<hbm>> -> memref<10000x128xf32, #tpu.memory_space<hbm>>
      tpu.enqueue_indirect_dma source(%dma_start3A_24 : memref<10000x128xf32, #tpu.memory_space<hbm>>) target(%arg9 : memref<128x128xf32, #tpu.memory_space<vmem>>) offsets(%dma_start3A_21 : memref<128xi32, #tpu.memory_space<vmem>>) semaphore(%arg11 : memref<!tpu.dma_semaphore, #tpu.memory_space<semaphore_mem>>)
      %dma_wait3A = arith.constant 0 : i32
      %dma_wait3A_25 = tpu.memref_slice %arg7[%while3A_19, %dma_wait3A] : memref<93x128xi32, #tpu.memory_space<vmem>> -> memref<1x128xi32, #tpu.memory_space<vmem>>
      %dma_wait3A_26 = tpu.memref_squeeze %dma_wait3A_25 : memref<1x128xi32, #tpu.memory_space<vmem>> -> memref<128xi32, #tpu.memory_space<vmem>>
      %dma_wait3A_27 = arith.constant 0 : i32
      %dma_wait3A_28 = arith.constant 0 : i32
      %dma_wait3A_29 = tpu.memref_slice %arg2[%dma_wait3A_27, %dma_wait3A_28] : memref<10000x128xf32, #tpu.memory_space<hbm>> -> memref<10000x128xf32, #tpu.memory_space<hbm>>
      tpu.wait_indirect_dma semaphore(%arg11 : memref<!tpu.dma_semaphore, #tpu.memory_space<semaphore_mem>>) src(%dma_wait3A_29 : memref<10000x128xf32, #tpu.memory_space<hbm>>) dst(%arg9 : memref<128x128xf32, #tpu.memory_space<vmem>>)
      "tpu.region"() ({
        %run_scoped3A = tpu.sem_alloc : memref<!tpu.dma_semaphore, #tpu.memory_space<semaphore_mem>>
        %dma_start3A_30 = arith.constant 0 : i32
        %dma_start3A_31 = tpu.memref_slice %arg8[%while3A_19, %dma_start3A_30] : memref<93x128xi32, #tpu.memory_space<vmem>> -> memref<1x128xi32, #tpu.memory_space<vmem>>
        %dma_start3A_32 = tpu.memref_squeeze %dma_start3A_31 : memref<1x128xi32, #tpu.memory_space<vmem>> -> memref<128xi32, #tpu.memory_space<vmem>>
        %dma_start3A_33 = arith.constant 0 : i32
        %dma_start3A_34 = arith.constant 0 : i32
        %dma_start3A_35 = tpu.memref_slice %arg10[%dma_start3A_33, %dma_start3A_34] : memref<10112x128xf32, #tpu.memory_space<vmem_shared>> -> memref<10112x128xf32, #tpu.memory_space<vmem_shared>>
        tpu.enqueue_indirect_dma source(%arg9 : memref<128x128xf32, #tpu.memory_space<vmem>>) target(%dma_start3A_35 : memref<10112x128xf32, #tpu.memory_space<vmem_shared>>) offsets(%dma_start3A_32 : memref<128xi32, #tpu.memory_space<vmem>>) semaphore(%run_scoped3A : memref<!tpu.dma_semaphore, #tpu.memory_space<semaphore_mem>>) {add = true}
        %dma_wait3A_36 = arith.constant 0 : i32
        %dma_wait3A_37 = tpu.memref_slice %arg8[%while3A_19, %dma_wait3A_36] : memref<93x128xi32, #tpu.memory_space<vmem>> -> memref<1x128xi32, #tpu.memory_space<vmem>>
        %dma_wait3A_38 = tpu.memref_squeeze %dma_wait3A_37 : memref<1x128xi32, #tpu.memory_space<vmem>> -> memref<128xi32, #tpu.memory_space<vmem>>
        %dma_wait3A_39 = arith.constant 0 : i32
        %dma_wait3A_40 = arith.constant 0 : i32
        %dma_wait3A_41 = tpu.memref_slice %arg10[%dma_wait3A_39, %dma_wait3A_40] : memref<10112x128xf32, #tpu.memory_space<vmem_shared>> -> memref<10112x128xf32, #tpu.memory_space<vmem_shared>>
        tpu.wait_indirect_dma semaphore(%run_scoped3A : memref<!tpu.dma_semaphore, #tpu.memory_space<semaphore_mem>>) src(%arg9 : memref<128x128xf32, #tpu.memory_space<vmem>>) dst(%dma_wait3A_41 : memref<10112x128xf32, #tpu.memory_space<vmem_shared>>)
        tpu.yield
      }) : () -> ()
    }
    %barrier3A_12 = arith.constant 0 : index
    tpu.barrier barrier_id(%barrier3A_12)
    %mul3A_13 = arith.constant 632 : i32
    %mul3A_14 = arith.muli %arg1, %mul3A_13 : i32
    %mul3A_15 = arith.constant 10112 : i32
    %mul3A_16 = arith.muli %arg0, %mul3A_15 : i32
    %mul3A_17 = arith.constant 632 : i32
    %mul3A_18 = arith.muli %arg1, %mul3A_17 : i32
    %add3A = arith.addi %mul3A_16, %mul3A_18 : i32
    "tpu.region"() ({
      %run_scoped3A = tpu.sem_alloc : memref<!tpu.dma_semaphore, #tpu.memory_space<semaphore_mem>>
      %dma_start3A = arith.constant 0 : i32
      %dma_start3A_19 = tpu.memref_slice %arg6[%add3A, %dma_start3A] : memref<20224x128xf32, #tpu.memory_space<hbm>> -> memref<632x128xf32, #tpu.memory_space<hbm>>
      %dma_start3A_20 = arith.constant 0 : i32
      %dma_start3A_21 = tpu.memref_slice %arg10[%mul3A_14, %dma_start3A_20] : memref<10112x128xf32, #tpu.memory_space<vmem_shared>> -> memref<632x128xf32, #tpu.memory_space<vmem_shared>>
      tpu.enqueue_dma source(%dma_start3A_21 : memref<632x128xf32, #tpu.memory_space<vmem_shared>>) target(%dma_start3A_19 : memref<632x128xf32, #tpu.memory_space<hbm>>) target_semaphore(%run_scoped3A : memref<!tpu.dma_semaphore, #tpu.memory_space<semaphore_mem>>)
      %dma_wait3A = arith.constant 0 : i32
      %dma_wait3A_22 = tpu.memref_slice %arg6[%add3A, %dma_wait3A] : memref<20224x128xf32, #tpu.memory_space<hbm>> -> memref<632x128xf32, #tpu.memory_space<hbm>>
      %dma_wait3A_23 = arith.constant 0 : i32
      %dma_wait3A_24 = tpu.memref_slice %arg10[%mul3A_14, %dma_wait3A_23] : memref<10112x128xf32, #tpu.memory_space<vmem_shared>> -> memref<632x128xf32, #tpu.memory_space<vmem_shared>>
      tpu.wait_dma2 semaphore(%run_scoped3A : memref<!tpu.dma_semaphore, #tpu.memory_space<semaphore_mem>>) src(%dma_wait3A_24 : memref<632x128xf32, #tpu.memory_space<vmem_shared>>) dst(%dma_wait3A_22 : memref<632x128xf32, #tpu.memory_space<hbm>>)
      tpu.yield
    }) : () -> ()
    return
  }
}

#map = affine_map<(d0, d1) -> (0, 0)>
#map1 = affine_map<(d0, d1) -> (0, 0, 0, 0)>
module attributes {stable_mosaic.version = 14 : i64} {
  func.func @body(%arg0: i32, %arg1: i32, %arg2: memref<10000x128xf32, #tpu.memory_space<hbm>>, %arg3: memref<2x16x93x128xi32, #tpu.memory_space<hbm>>, %arg4: memref<2x16x93x128xi32, #tpu.memory_space<hbm>>, %arg5: memref<632x128xf32, #tpu.memory_space<hbm>>, %arg6: memref<20224x128xf32, #tpu.memory_space<hbm>>, %arg7: memref<93x128xi32, #tpu.memory_space<vmem>>, %arg8: memref<93x128xi32, #tpu.memory_space<vmem>>, %arg9: memref<128x128xf32, #tpu.memory_space<vmem>>, %arg10: memref<10112x128xf32, #tpu.memory_space<vmem_shared>>, %arg11: memref<!tpu.dma_semaphore, #tpu.memory_space<semaphore_mem>>) attributes {dimension_semantics = [#tpu.dimension_semantics<core_parallel>, #tpu.dimension_semantics<subcore_parallel>], iteration_bounds = array<i64: 2, 16>, scalar_prefetch = 0 : i64, scratch_operands = 5 : i64, tpu.core_type = #tpu.core_type<sc_vector_subcore>, window_params = [{transform_indices = #map}, {transform_indices = #map1}, {transform_indices = #map1}, {transform_indices = #map}, {transform_indices = #map}]} {
    "tpu.region"() ({
      %run_scoped3A = tpu.sem_alloc : memref<!tpu.dma_semaphore, #tpu.memory_space<semaphore_mem>>
      %dma_start3A = arith.constant 0 : i32
      %dma_start3A_19 = arith.constant 0 : i32
      %dma_start3A_20 = tpu.memref_slice %arg3[%arg0, %arg1, %dma_start3A, %dma_start3A_19] : memref<2x16x93x128xi32, #tpu.memory_space<hbm>> -> memref<1x1x93x128xi32, #tpu.memory_space<hbm>>
      %dma_start3A_21 = tpu.memref_squeeze %dma_start3A_20 : memref<1x1x93x128xi32, #tpu.memory_space<hbm>> -> memref<93x128xi32, #tpu.memory_space<hbm>>
      %dma_start3A_22 = arith.constant 0 : i32
      %dma_start3A_23 = arith.constant 0 : i32
      %dma_start3A_24 = tpu.memref_slice %arg3[%arg0, %arg1, %dma_start3A_22, %dma_start3A_23] : memref<2x16x93x128xi32, #tpu.memory_space<hbm>> -> memref<1x1x93x128xi32, #tpu.memory_space<hbm>>
      %dma_start3A_25 = tpu.memref_squeeze %dma_start3A_24 : memref<1x1x93x128xi32, #tpu.memory_space<hbm>> -> memref<93x128xi32, #tpu.memory_space<hbm>>
      tpu.enqueue_dma source(%dma_start3A_25 : memref<93x128xi32, #tpu.memory_space<hbm>>) target(%arg7 : memref<93x128xi32, #tpu.memory_space<vmem>>) target_semaphore(%run_scoped3A : memref<!tpu.dma_semaphore, #tpu.memory_space<semaphore_mem>>)
      %dma_wait3A = arith.constant 0 : i32
      %dma_wait3A_26 = arith.constant 0 : i32
      %dma_wait3A_27 = tpu.memref_slice %arg3[%arg0, %arg1, %dma_wait3A, %dma_wait3A_26] : memref<2x16x93x128xi32, #tpu.memory_space<hbm>> -> memref<1x1x93x128xi32, #tpu.memory_space<hbm>>
      %dma_wait3A_28 = tpu.memref_squeeze %dma_wait3A_27 : memref<1x1x93x128xi32, #tpu.memory_space<hbm>> -> memref<93x128xi32, #tpu.memory_space<hbm>>
      %dma_wait3A_29 = arith.constant 0 : i32
      %dma_wait3A_30 = arith.constant 0 : i32
      %dma_wait3A_31 = tpu.memref_slice %arg3[%arg0, %arg1, %dma_wait3A_29, %dma_wait3A_30] : memref<2x16x93x128xi32, #tpu.memory_space<hbm>> -> memref<1x1x93x128xi32, #tpu.memory_space<hbm>>
      %dma_wait3A_32 = tpu.memref_squeeze %dma_wait3A_31 : memref<1x1x93x128xi32, #tpu.memory_space<hbm>> -> memref<93x128xi32, #tpu.memory_space<hbm>>
      tpu.wait_dma2 semaphore(%run_scoped3A : memref<!tpu.dma_semaphore, #tpu.memory_space<semaphore_mem>>) src(%dma_wait3A_32 : memref<93x128xi32, #tpu.memory_space<hbm>>) dst(%arg7 : memref<93x128xi32, #tpu.memory_space<vmem>>)
      tpu.yield
    }) : () -> ()
    "tpu.region"() ({
      %run_scoped3A = tpu.sem_alloc : memref<!tpu.dma_semaphore, #tpu.memory_space<semaphore_mem>>
      %dma_start3A = arith.constant 0 : i32
      %dma_start3A_19 = arith.constant 0 : i32
      %dma_start3A_20 = tpu.memref_slice %arg4[%arg0, %arg1, %dma_start3A, %dma_start3A_19] : memref<2x16x93x128xi32, #tpu.memory_space<hbm>> -> memref<1x1x93x128xi32, #tpu.memory_space<hbm>>
      %dma_start3A_21 = tpu.memref_squeeze %dma_start3A_20 : memref<1x1x93x128xi32, #tpu.memory_space<hbm>> -> memref<93x128xi32, #tpu.memory_space<hbm>>
      %dma_start3A_22 = arith.constant 0 : i32
      %dma_start3A_23 = arith.constant 0 : i32
      %dma_start3A_24 = tpu.memref_slice %arg4[%arg0, %arg1, %dma_start3A_22, %dma_start3A_23] : memref<2x16x93x128xi32, #tpu.memory_space<hbm>> -> memref<1x1x93x128xi32, #tpu.memory_space<hbm>>
      %dma_start3A_25 = tpu.memref_squeeze %dma_start3A_24 : memref<1x1x93x128xi32, #tpu.memory_space<hbm>> -> memref<93x128xi32, #tpu.memory_space<hbm>>
      tpu.enqueue_dma source(%dma_start3A_25 : memref<93x128xi32, #tpu.memory_space<hbm>>) target(%arg8 : memref<93x128xi32, #tpu.memory_space<vmem>>) target_semaphore(%run_scoped3A : memref<!tpu.dma_semaphore, #tpu.memory_space<semaphore_mem>>)
      %dma_wait3A = arith.constant 0 : i32
      %dma_wait3A_26 = arith.constant 0 : i32
      %dma_wait3A_27 = tpu.memref_slice %arg4[%arg0, %arg1, %dma_wait3A, %dma_wait3A_26] : memref<2x16x93x128xi32, #tpu.memory_space<hbm>> -> memref<1x1x93x128xi32, #tpu.memory_space<hbm>>
      %dma_wait3A_28 = tpu.memref_squeeze %dma_wait3A_27 : memref<1x1x93x128xi32, #tpu.memory_space<hbm>> -> memref<93x128xi32, #tpu.memory_space<hbm>>
      %dma_wait3A_29 = arith.constant 0 : i32
      %dma_wait3A_30 = arith.constant 0 : i32
      %dma_wait3A_31 = tpu.memref_slice %arg4[%arg0, %arg1, %dma_wait3A_29, %dma_wait3A_30] : memref<2x16x93x128xi32, #tpu.memory_space<hbm>> -> memref<1x1x93x128xi32, #tpu.memory_space<hbm>>
      %dma_wait3A_32 = tpu.memref_squeeze %dma_wait3A_31 : memref<1x1x93x128xi32, #tpu.memory_space<hbm>> -> memref<93x128xi32, #tpu.memory_space<hbm>>
      tpu.wait_dma2 semaphore(%run_scoped3A : memref<!tpu.dma_semaphore, #tpu.memory_space<semaphore_mem>>) src(%dma_wait3A_32 : memref<93x128xi32, #tpu.memory_space<hbm>>) dst(%arg8 : memref<93x128xi32, #tpu.memory_space<vmem>>)
      tpu.yield
    }) : () -> ()
    %mul3A = arith.constant 632 : i32
    %mul3A_0 = arith.muli %arg1, %mul3A : i32
    "tpu.region"() ({
      %run_scoped3A = tpu.sem_alloc : memref<!tpu.dma_semaphore, #tpu.memory_space<semaphore_mem>>
      %dma_start3A = arith.constant 0 : i32
      %dma_start3A_19 = tpu.memref_slice %arg10[%mul3A_0, %dma_start3A] : memref<10112x128xf32, #tpu.memory_space<vmem_shared>> -> memref<632x128xf32, #tpu.memory_space<vmem_shared>>
      tpu.enqueue_dma source(%arg5 : memref<632x128xf32, #tpu.memory_space<hbm>>) target(%dma_start3A_19 : memref<632x128xf32, #tpu.memory_space<vmem_shared>>) target_semaphore(%run_scoped3A : memref<!tpu.dma_semaphore, #tpu.memory_space<semaphore_mem>>)
      %dma_wait3A = arith.constant 0 : i32
      %dma_wait3A_20 = tpu.memref_slice %arg10[%mul3A_0, %dma_wait3A] : memref<10112x128xf32, #tpu.memory_space<vmem_shared>> -> memref<632x128xf32, #tpu.memory_space<vmem_shared>>
      tpu.wait_dma2 semaphore(%run_scoped3A : memref<!tpu.dma_semaphore, #tpu.memory_space<semaphore_mem>>) src(%arg5 : memref<632x128xf32, #tpu.memory_space<hbm>>) dst(%dma_wait3A_20 : memref<632x128xf32, #tpu.memory_space<vmem_shared>>)
      tpu.yield
    }) : () -> ()
    %barrier3A = arith.constant 0 : index
    tpu.barrier barrier_id(%barrier3A)
    %eq3A = arith.constant 0 : i32
    %eq3A_1 = arith.cmpi eq, %arg0, %eq3A : i32
    %jit3A = arith.constant 64 : i32
    %jit3A_2 = arith.constant 93 : i32
    %select_n3A = arith.select %eq3A_1, %jit3A, %jit3A_2 : i32
    %while3A = arith.constant 0 : i32
    %while3A_3 = arith.constant 0 : i32
    %while3A_4 = arith.subi %select_n3A, %while3A_3 : i32
    %while3A_5 = arith.addi %while3A_3, %while3A_4 : i32
    %while3A_6 = arith.constant 1 : i32
    %while3A_7 = arith.divsi %while3A_4, %while3A_6 : i32
    %while3A_8 = arith.muli %while3A_7, %while3A_6 : i32
    %while3A_9 = arith.addi %while3A_3, %while3A_8 : i32
    %while3A_10 = arith.constant 1 : i32
    scf.for %while3A_19 = %while3A_3 to %while3A_9 step %while3A_10  : i32 {
      %dma_start3A = arith.constant 0 : i32
      %dma_start3A_20 = tpu.memref_slice %arg7[%while3A_19, %dma_start3A] : memref<93x128xi32, #tpu.memory_space<vmem>> -> memref<1x128xi32, #tpu.memory_space<vmem>>
      %dma_start3A_21 = tpu.memref_squeeze %dma_start3A_20 : memref<1x128xi32, #tpu.memory_space<vmem>> -> memref<128xi32, #tpu.memory_space<vmem>>
      %dma_start3A_22 = arith.constant 0 : i32
      %dma_start3A_23 = arith.constant 0 : i32
      %dma_start3A_24 = tpu.memref_slice %arg2[%dma_start3A_22, %dma_start3A_23] : memref<10000x128xf32, #tpu.memory_space<hbm>> -> memref<10000x128xf32, #tpu.memory_space<hbm>>
      tpu.enqueue_indirect_dma source(%dma_start3A_24 : memref<10000x128xf32, #tpu.memory_space<hbm>>) target(%arg9 : memref<128x128xf32, #tpu.memory_space<vmem>>) offsets(%dma_start3A_21 : memref<128xi32, #tpu.memory_space<vmem>>) semaphore(%arg11 : memref<!tpu.dma_semaphore, #tpu.memory_space<semaphore_mem>>)
      %dma_wait3A = arith.constant 0 : i32
      %dma_wait3A_25 = tpu.memref_slice %arg7[%while3A_19, %dma_wait3A] : memref<93x128xi32, #tpu.memory_space<vmem>> -> memref<1x128xi32, #tpu.memory_space<vmem>>
      %dma_wait3A_26 = tpu.memref_squeeze %dma_wait3A_25 : memref<1x128xi32, #tpu.memory_space<vmem>> -> memref<128xi32, #tpu.memory_space<vmem>>
      %dma_wait3A_27 = arith.constant 0 : i32
      %dma_wait3A_28 = arith.constant 0 : i32
      %dma_wait3A_29 = tpu.memref_slice %arg2[%dma_wait3A_27, %dma_wait3A_28] : memref<10000x128xf32, #tpu.memory_space<hbm>> -> memref<10000x128xf32, #tpu.memory_space<hbm>>
      tpu.wait_indirect_dma semaphore(%arg11 : memref<!tpu.dma_semaphore, #tpu.memory_space<semaphore_mem>>) src(%dma_wait3A_29 : memref<10000x128xf32, #tpu.memory_space<hbm>>) dst(%arg9 : memref<128x128xf32, #tpu.memory_space<vmem>>)
      "tpu.region"() ({
        %run_scoped3A = tpu.sem_alloc : memref<!tpu.dma_semaphore, #tpu.memory_space<semaphore_mem>>
        %dma_start3A_30 = arith.constant 0 : i32
        %dma_start3A_31 = tpu.memref_slice %arg8[%while3A_19, %dma_start3A_30] : memref<93x128xi32, #tpu.memory_space<vmem>> -> memref<1x128xi32, #tpu.memory_space<vmem>>
        %dma_start3A_32 = tpu.memref_squeeze %dma_start3A_31 : memref<1x128xi32, #tpu.memory_space<vmem>> -> memref<128xi32, #tpu.memory_space<vmem>>
        %dma_start3A_33 = arith.constant 0 : i32
        %dma_start3A_34 = arith.constant 0 : i32
        %dma_start3A_35 = tpu.memref_slice %arg10[%dma_start3A_33, %dma_start3A_34] : memref<10112x128xf32, #tpu.memory_space<vmem_shared>> -> memref<10112x128xf32, #tpu.memory_space<vmem_shared>>
        tpu.enqueue_indirect_dma source(%arg9 : memref<128x128xf32, #tpu.memory_space<vmem>>) target(%dma_start3A_35 : memref<10112x128xf32, #tpu.memory_space<vmem_shared>>) offsets(%dma_start3A_32 : memref<128xi32, #tpu.memory_space<vmem>>) semaphore(%run_scoped3A : memref<!tpu.dma_semaphore, #tpu.memory_space<semaphore_mem>>) {add = true}
        %dma_wait3A_36 = arith.constant 0 : i32
        %dma_wait3A_37 = tpu.memref_slice %arg8[%while3A_19, %dma_wait3A_36] : memref<93x128xi32, #tpu.memory_space<vmem>> -> memref<1x128xi32, #tpu.memory_space<vmem>>
        %dma_wait3A_38 = tpu.memref_squeeze %dma_wait3A_37 : memref<1x128xi32, #tpu.memory_space<vmem>> -> memref<128xi32, #tpu.memory_space<vmem>>
        %dma_wait3A_39 = arith.constant 0 : i32
        %dma_wait3A_40 = arith.constant 0 : i32
        %dma_wait3A_41 = tpu.memref_slice %arg10[%dma_wait3A_39, %dma_wait3A_40] : memref<10112x128xf32, #tpu.memory_space<vmem_shared>> -> memref<10112x128xf32, #tpu.memory_space<vmem_shared>>
        tpu.wait_indirect_dma semaphore(%run_scoped3A : memref<!tpu.dma_semaphore, #tpu.memory_space<semaphore_mem>>) src(%arg9 : memref<128x128xf32, #tpu.memory_space<vmem>>) dst(%dma_wait3A_41 : memref<10112x128xf32, #tpu.memory_space<vmem_shared>>)
        tpu.yield
      }) : () -> ()
    }
    %while3A_11 = arith.constant 1 : i32
    scf.for %while3A_19 = %while3A_9 to %while3A_5 step %while3A_11  : i32 {
      %dma_start3A = arith.constant 0 : i32
      %dma_start3A_20 = tpu.memref_slice %arg7[%while3A_19, %dma_start3A] : memref<93x128xi32, #tpu.memory_space<vmem>> -> memref<1x128xi32, #tpu.memory_space<vmem>>
      %dma_start3A_21 = tpu.memref_squeeze %dma_start3A_20 : memref<1x128xi32, #tpu.memory_space<vmem>> -> memref<128xi32, #tpu.memory_space<vmem>>
      %dma_start3A_22 = arith.constant 0 : i32
      %dma_start3A_23 = arith.constant 0 : i32
      %dma_start3A_24 = tpu.memref_slice %arg2[%dma_start3A_22, %dma_start3A_23] : memref<10000x128xf32, #tpu.memory_space<hbm>> -> memref<10000x128xf32, #tpu.memory_space<hbm>>
      tpu.enqueue_indirect_dma source(%dma_start3A_24 : memref<10000x128xf32, #tpu.memory_space<hbm>>) target(%arg9 : memref<128x128xf32, #tpu.memory_space<vmem>>) offsets(%dma_start3A_21 : memref<128xi32, #tpu.memory_space<vmem>>) semaphore(%arg11 : memref<!tpu.dma_semaphore, #tpu.memory_space<semaphore_mem>>)
      %dma_wait3A = arith.constant 0 : i32
      %dma_wait3A_25 = tpu.memref_slice %arg7[%while3A_19, %dma_wait3A] : memref<93x128xi32, #tpu.memory_space<vmem>> -> memref<1x128xi32, #tpu.memory_space<vmem>>
      %dma_wait3A_26 = tpu.memref_squeeze %dma_wait3A_25 : memref<1x128xi32, #tpu.memory_space<vmem>> -> memref<128xi32, #tpu.memory_space<vmem>>
      %dma_wait3A_27 = arith.constant 0 : i32
      %dma_wait3A_28 = arith.constant 0 : i32
      %dma_wait3A_29 = tpu.memref_slice %arg2[%dma_wait3A_27, %dma_wait3A_28] : memref<10000x128xf32, #tpu.memory_space<hbm>> -> memref<10000x128xf32, #tpu.memory_space<hbm>>
      tpu.wait_indirect_dma semaphore(%arg11 : memref<!tpu.dma_semaphore, #tpu.memory_space<semaphore_mem>>) src(%dma_wait3A_29 : memref<10000x128xf32, #tpu.memory_space<hbm>>) dst(%arg9 : memref<128x128xf32, #tpu.memory_space<vmem>>)
      "tpu.region"() ({
        %run_scoped3A = tpu.sem_alloc : memref<!tpu.dma_semaphore, #tpu.memory_space<semaphore_mem>>
        %dma_start3A_30 = arith.constant 0 : i32
        %dma_start3A_31 = tpu.memref_slice %arg8[%while3A_19, %dma_start3A_30] : memref<93x128xi32, #tpu.memory_space<vmem>> -> memref<1x128xi32, #tpu.memory_space<vmem>>
        %dma_start3A_32 = tpu.memref_squeeze %dma_start3A_31 : memref<1x128xi32, #tpu.memory_space<vmem>> -> memref<128xi32, #tpu.memory_space<vmem>>
        %dma_start3A_33 = arith.constant 0 : i32
        %dma_start3A_34 = arith.constant 0 : i32
        %dma_start3A_35 = tpu.memref_slice %arg10[%dma_start3A_33, %dma_start3A_34] : memref<10112x128xf32, #tpu.memory_space<vmem_shared>> -> memref<10112x128xf32, #tpu.memory_space<vmem_shared>>
        tpu.enqueue_indirect_dma source(%arg9 : memref<128x128xf32, #tpu.memory_space<vmem>>) target(%dma_start3A_35 : memref<10112x128xf32, #tpu.memory_space<vmem_shared>>) offsets(%dma_start3A_32 : memref<128xi32, #tpu.memory_space<vmem>>) semaphore(%run_scoped3A : memref<!tpu.dma_semaphore, #tpu.memory_space<semaphore_mem>>) {add = true}
        %dma_wait3A_36 = arith.constant 0 : i32
        %dma_wait3A_37 = tpu.memref_slice %arg8[%while3A_19, %dma_wait3A_36] : memref<93x128xi32, #tpu.memory_space<vmem>> -> memref<1x128xi32, #tpu.memory_space<vmem>>
        %dma_wait3A_38 = tpu.memref_squeeze %dma_wait3A_37 : memref<1x128xi32, #tpu.memory_space<vmem>> -> memref<128xi32, #tpu.memory_space<vmem>>
        %dma_wait3A_39 = arith.constant 0 : i32
        %dma_wait3A_40 = arith.constant 0 : i32
        %dma_wait3A_41 = tpu.memref_slice %arg10[%dma_wait3A_39, %dma_wait3A_40] : memref<10112x128xf32, #tpu.memory_space<vmem_shared>> -> memref<10112x128xf32, #tpu.memory_space<vmem_shared>>
        tpu.wait_indirect_dma semaphore(%run_scoped3A : memref<!tpu.dma_semaphore, #tpu.memory_space<semaphore_mem>>) src(%arg9 : memref<128x128xf32, #tpu.memory_space<vmem>>) dst(%dma_wait3A_41 : memref<10112x128xf32, #tpu.memory_space<vmem_shared>>)
        tpu.yield
      }) : () -> ()
    }
    %barrier3A_12 = arith.constant 0 : index
    tpu.barrier barrier_id(%barrier3A_12)
    %mul3A_13 = arith.constant 632 : i32
    %mul3A_14 = arith.muli %arg1, %mul3A_13 : i32
    %mul3A_15 = arith.constant 10112 : i32
    %mul3A_16 = arith.muli %arg0, %mul3A_15 : i32
    %mul3A_17 = arith.constant 632 : i32
    %mul3A_18 = arith.muli %arg1, %mul3A_17 : i32
    %add3A = arith.addi %mul3A_16, %mul3A_18 : i32
    "tpu.region"() ({
      %run_scoped3A = tpu.sem_alloc : memref<!tpu.dma_semaphore, #tpu.memory_space<semaphore_mem>>
      %dma_start3A = arith.constant 0 : i32
      %dma_start3A_19 = tpu.memref_slice %arg6[%add3A, %dma_start3A] : memref<20224x128xf32, #tpu.memory_space<hbm>> -> memref<632x128xf32, #tpu.memory_space<hbm>>
      %dma_start3A_20 = arith.constant 0 : i32
      %dma_start3A_21 = tpu.memref_slice %arg10[%mul3A_14, %dma_start3A_20] : memref<10112x128xf32, #tpu.memory_space<vmem_shared>> -> memref<632x128xf32, #tpu.memory_space<vmem_shared>>
      tpu.enqueue_dma source(%dma_start3A_21 : memref<632x128xf32, #tpu.memory_space<vmem_shared>>) target(%dma_start3A_19 : memref<632x128xf32, #tpu.memory_space<hbm>>) target_semaphore(%run_scoped3A : memref<!tpu.dma_semaphore, #tpu.memory_space<semaphore_mem>>)
      %dma_wait3A = arith.constant 0 : i32
      %dma_wait3A_22 = tpu.memref_slice %arg6[%add3A, %dma_wait3A] : memref<20224x128xf32, #tpu.memory_space<hbm>> -> memref<632x128xf32, #tpu.memory_space<hbm>>
      %dma_wait3A_23 = arith.constant 0 : i32
      %dma_wait3A_24 = tpu.memref_slice %arg10[%mul3A_14, %dma_wait3A_23] : memref<10112x128xf32, #tpu.memory_space<vmem_shared>> -> memref<632x128xf32, #tpu.memory_space<vmem_shared>>
      tpu.wait_dma2 semaphore(%run_scoped3A : memref<!tpu.dma_semaphore, #tpu.memory_space<semaphore_mem>>) src(%dma_wait3A_24 : memref<632x128xf32, #tpu.memory_space<vmem_shared>>) dst(%dma_wait3A_22 : memref<632x128xf32, #tpu.memory_space<hbm>>)
      tpu.yield
    }) : () -> ()
    return
  }
}

#map = affine_map<(d0, d1) -> (0, 0)>
#map1 = affine_map<(d0, d1) -> (0, 0, 0, 0)>
module attributes {stable_mosaic.version = 14 : i64} {
  func.func @body(%arg0: i32, %arg1: i32, %arg2: memref<10000x128xf32, #tpu.memory_space<hbm>>, %arg3: memref<2x16x93x128xi32, #tpu.memory_space<hbm>>, %arg4: memref<2x16x93x128xi32, #tpu.memory_space<hbm>>, %arg5: memref<632x128xf32, #tpu.memory_space<hbm>>, %arg6: memref<20224x128xf32, #tpu.memory_space<hbm>>, %arg7: memref<93x128xi32, #tpu.memory_space<vmem>>, %arg8: memref<93x128xi32, #tpu.memory_space<vmem>>, %arg9: memref<128x128xf32, #tpu.memory_space<vmem>>, %arg10: memref<10112x128xf32, #tpu.memory_space<vmem_shared>>, %arg11: memref<!tpu.dma_semaphore, #tpu.memory_space<semaphore_mem>>) attributes {dimension_semantics = [#tpu.dimension_semantics<core_parallel>, #tpu.dimension_semantics<subcore_parallel>], iteration_bounds = array<i64: 2, 16>, scalar_prefetch = 0 : i64, scratch_operands = 5 : i64, tpu.core_type = #tpu.core_type<sc_vector_subcore>, window_params = [{transform_indices = #map}, {transform_indices = #map1}, {transform_indices = #map1}, {transform_indices = #map}, {transform_indices = #map}]} {
    "tpu.region"() ({
      %run_scoped3A = tpu.sem_alloc : memref<!tpu.dma_semaphore, #tpu.memory_space<semaphore_mem>>
      %dma_start3A = arith.constant 0 : i32
      %dma_start3A_19 = arith.constant 0 : i32
      %dma_start3A_20 = tpu.memref_slice %arg3[%arg0, %arg1, %dma_start3A, %dma_start3A_19] : memref<2x16x93x128xi32, #tpu.memory_space<hbm>> -> memref<1x1x93x128xi32, #tpu.memory_space<hbm>>
      %dma_start3A_21 = tpu.memref_squeeze %dma_start3A_20 : memref<1x1x93x128xi32, #tpu.memory_space<hbm>> -> memref<93x128xi32, #tpu.memory_space<hbm>>
      %dma_start3A_22 = arith.constant 0 : i32
      %dma_start3A_23 = arith.constant 0 : i32
      %dma_start3A_24 = tpu.memref_slice %arg3[%arg0, %arg1, %dma_start3A_22, %dma_start3A_23] : memref<2x16x93x128xi32, #tpu.memory_space<hbm>> -> memref<1x1x93x128xi32, #tpu.memory_space<hbm>>
      %dma_start3A_25 = tpu.memref_squeeze %dma_start3A_24 : memref<1x1x93x128xi32, #tpu.memory_space<hbm>> -> memref<93x128xi32, #tpu.memory_space<hbm>>
      tpu.enqueue_dma source(%dma_start3A_25 : memref<93x128xi32, #tpu.memory_space<hbm>>) target(%arg7 : memref<93x128xi32, #tpu.memory_space<vmem>>) target_semaphore(%run_scoped3A : memref<!tpu.dma_semaphore, #tpu.memory_space<semaphore_mem>>)
      %dma_wait3A = arith.constant 0 : i32
      %dma_wait3A_26 = arith.constant 0 : i32
      %dma_wait3A_27 = tpu.memref_slice %arg3[%arg0, %arg1, %dma_wait3A, %dma_wait3A_26] : memref<2x16x93x128xi32, #tpu.memory_space<hbm>> -> memref<1x1x93x128xi32, #tpu.memory_space<hbm>>
      %dma_wait3A_28 = tpu.memref_squeeze %dma_wait3A_27 : memref<1x1x93x128xi32, #tpu.memory_space<hbm>> -> memref<93x128xi32, #tpu.memory_space<hbm>>
      %dma_wait3A_29 = arith.constant 0 : i32
      %dma_wait3A_30 = arith.constant 0 : i32
      %dma_wait3A_31 = tpu.memref_slice %arg3[%arg0, %arg1, %dma_wait3A_29, %dma_wait3A_30] : memref<2x16x93x128xi32, #tpu.memory_space<hbm>> -> memref<1x1x93x128xi32, #tpu.memory_space<hbm>>
      %dma_wait3A_32 = tpu.memref_squeeze %dma_wait3A_31 : memref<1x1x93x128xi32, #tpu.memory_space<hbm>> -> memref<93x128xi32, #tpu.memory_space<hbm>>
      tpu.wait_dma2 semaphore(%run_scoped3A : memref<!tpu.dma_semaphore, #tpu.memory_space<semaphore_mem>>) src(%dma_wait3A_32 : memref<93x128xi32, #tpu.memory_space<hbm>>) dst(%arg7 : memref<93x128xi32, #tpu.memory_space<vmem>>)
      tpu.yield
    }) : () -> ()
    "tpu.region"() ({
      %run_scoped3A = tpu.sem_alloc : memref<!tpu.dma_semaphore, #tpu.memory_space<semaphore_mem>>
      %dma_start3A = arith.constant 0 : i32
      %dma_start3A_19 = arith.constant 0 : i32
      %dma_start3A_20 = tpu.memref_slice %arg4[%arg0, %arg1, %dma_start3A, %dma_start3A_19] : memref<2x16x93x128xi32, #tpu.memory_space<hbm>> -> memref<1x1x93x128xi32, #tpu.memory_space<hbm>>
      %dma_start3A_21 = tpu.memref_squeeze %dma_start3A_20 : memref<1x1x93x128xi32, #tpu.memory_space<hbm>> -> memref<93x128xi32, #tpu.memory_space<hbm>>
      %dma_start3A_22 = arith.constant 0 : i32
      %dma_start3A_23 = arith.constant 0 : i32
      %dma_start3A_24 = tpu.memref_slice %arg4[%arg0, %arg1, %dma_start3A_22, %dma_start3A_23] : memref<2x16x93x128xi32, #tpu.memory_space<hbm>> -> memref<1x1x93x128xi32, #tpu.memory_space<hbm>>
      %dma_start3A_25 = tpu.memref_squeeze %dma_start3A_24 : memref<1x1x93x128xi32, #tpu.memory_space<hbm>> -> memref<93x128xi32, #tpu.memory_space<hbm>>
      tpu.enqueue_dma source(%dma_start3A_25 : memref<93x128xi32, #tpu.memory_space<hbm>>) target(%arg8 : memref<93x128xi32, #tpu.memory_space<vmem>>) target_semaphore(%run_scoped3A : memref<!tpu.dma_semaphore, #tpu.memory_space<semaphore_mem>>)
      %dma_wait3A = arith.constant 0 : i32
      %dma_wait3A_26 = arith.constant 0 : i32
      %dma_wait3A_27 = tpu.memref_slice %arg4[%arg0, %arg1, %dma_wait3A, %dma_wait3A_26] : memref<2x16x93x128xi32, #tpu.memory_space<hbm>> -> memref<1x1x93x128xi32, #tpu.memory_space<hbm>>
      %dma_wait3A_28 = tpu.memref_squeeze %dma_wait3A_27 : memref<1x1x93x128xi32, #tpu.memory_space<hbm>> -> memref<93x128xi32, #tpu.memory_space<hbm>>
      %dma_wait3A_29 = arith.constant 0 : i32
      %dma_wait3A_30 = arith.constant 0 : i32
      %dma_wait3A_31 = tpu.memref_slice %arg4[%arg0, %arg1, %dma_wait3A_29, %dma_wait3A_30] : memref<2x16x93x128xi32, #tpu.memory_space<hbm>> -> memref<1x1x93x128xi32, #tpu.memory_space<hbm>>
      %dma_wait3A_32 = tpu.memref_squeeze %dma_wait3A_31 : memref<1x1x93x128xi32, #tpu.memory_space<hbm>> -> memref<93x128xi32, #tpu.memory_space<hbm>>
      tpu.wait_dma2 semaphore(%run_scoped3A : memref<!tpu.dma_semaphore, #tpu.memory_space<semaphore_mem>>) src(%dma_wait3A_32 : memref<93x128xi32, #tpu.memory_space<hbm>>) dst(%arg8 : memref<93x128xi32, #tpu.memory_space<vmem>>)
      tpu.yield
    }) : () -> ()
    %mul3A = arith.constant 632 : i32
    %mul3A_0 = arith.muli %arg1, %mul3A : i32
    "tpu.region"() ({
      %run_scoped3A = tpu.sem_alloc : memref<!tpu.dma_semaphore, #tpu.memory_space<semaphore_mem>>
      %dma_start3A = arith.constant 0 : i32
      %dma_start3A_19 = tpu.memref_slice %arg10[%mul3A_0, %dma_start3A] : memref<10112x128xf32, #tpu.memory_space<vmem_shared>> -> memref<632x128xf32, #tpu.memory_space<vmem_shared>>
      tpu.enqueue_dma source(%arg5 : memref<632x128xf32, #tpu.memory_space<hbm>>) target(%dma_start3A_19 : memref<632x128xf32, #tpu.memory_space<vmem_shared>>) target_semaphore(%run_scoped3A : memref<!tpu.dma_semaphore, #tpu.memory_space<semaphore_mem>>)
      %dma_wait3A = arith.constant 0 : i32
      %dma_wait3A_20 = tpu.memref_slice %arg10[%mul3A_0, %dma_wait3A] : memref<10112x128xf32, #tpu.memory_space<vmem_shared>> -> memref<632x128xf32, #tpu.memory_space<vmem_shared>>
      tpu.wait_dma2 semaphore(%run_scoped3A : memref<!tpu.dma_semaphore, #tpu.memory_space<semaphore_mem>>) src(%arg5 : memref<632x128xf32, #tpu.memory_space<hbm>>) dst(%dma_wait3A_20 : memref<632x128xf32, #tpu.memory_space<vmem_shared>>)
      tpu.yield
    }) : () -> ()
    %barrier3A = arith.constant 0 : index
    tpu.barrier barrier_id(%barrier3A)
    %eq3A = arith.constant 0 : i32
    %eq3A_1 = arith.cmpi eq, %arg0, %eq3A : i32
    %jit3A = arith.constant 64 : i32
    %jit3A_2 = arith.constant 93 : i32
    %select_n3A = arith.select %eq3A_1, %jit3A, %jit3A_2 : i32
    %while3A = arith.constant 0 : i32
    %while3A_3 = arith.constant 0 : i32
    %while3A_4 = arith.subi %select_n3A, %while3A_3 : i32
    %while3A_5 = arith.addi %while3A_3, %while3A_4 : i32
    %while3A_6 = arith.constant 1 : i32
    %while3A_7 = arith.divsi %while3A_4, %while3A_6 : i32
    %while3A_8 = arith.muli %while3A_7, %while3A_6 : i32
    %while3A_9 = arith.addi %while3A_3, %while3A_8 : i32
    %while3A_10 = arith.constant 1 : i32
    scf.for %while3A_19 = %while3A_3 to %while3A_9 step %while3A_10  : i32 {
      %dma_start3A = arith.constant 0 : i32
      %dma_start3A_20 = tpu.memref_slice %arg7[%while3A_19, %dma_start3A] : memref<93x128xi32, #tpu.memory_space<vmem>> -> memref<1x128xi32, #tpu.memory_space<vmem>>
      %dma_start3A_21 = tpu.memref_squeeze %dma_start3A_20 : memref<1x128xi32, #tpu.memory_space<vmem>> -> memref<128xi32, #tpu.memory_space<vmem>>
      %dma_start3A_22 = arith.constant 0 : i32
      %dma_start3A_23 = arith.constant 0 : i32
      %dma_start3A_24 = tpu.memref_slice %arg2[%dma_start3A_22, %dma_start3A_23] : memref<10000x128xf32, #tpu.memory_space<hbm>> -> memref<10000x128xf32, #tpu.memory_space<hbm>>
      tpu.enqueue_indirect_dma source(%dma_start3A_24 : memref<10000x128xf32, #tpu.memory_space<hbm>>) target(%arg9 : memref<128x128xf32, #tpu.memory_space<vmem>>) offsets(%dma_start3A_21 : memref<128xi32, #tpu.memory_space<vmem>>) semaphore(%arg11 : memref<!tpu.dma_semaphore, #tpu.memory_space<semaphore_mem>>)
      %dma_wait3A = arith.constant 0 : i32
      %dma_wait3A_25 = tpu.memref_slice %arg7[%while3A_19, %dma_wait3A] : memref<93x128xi32, #tpu.memory_space<vmem>> -> memref<1x128xi32, #tpu.memory_space<vmem>>
      %dma_wait3A_26 = tpu.memref_squeeze %dma_wait3A_25 : memref<1x128xi32, #tpu.memory_space<vmem>> -> memref<128xi32, #tpu.memory_space<vmem>>
      %dma_wait3A_27 = arith.constant 0 : i32
      %dma_wait3A_28 = arith.constant 0 : i32
      %dma_wait3A_29 = tpu.memref_slice %arg2[%dma_wait3A_27, %dma_wait3A_28] : memref<10000x128xf32, #tpu.memory_space<hbm>> -> memref<10000x128xf32, #tpu.memory_space<hbm>>
      tpu.wait_indirect_dma semaphore(%arg11 : memref<!tpu.dma_semaphore, #tpu.memory_space<semaphore_mem>>) src(%dma_wait3A_29 : memref<10000x128xf32, #tpu.memory_space<hbm>>) dst(%arg9 : memref<128x128xf32, #tpu.memory_space<vmem>>)
      "tpu.region"() ({
        %run_scoped3A = tpu.sem_alloc : memref<!tpu.dma_semaphore, #tpu.memory_space<semaphore_mem>>
        %dma_start3A_30 = arith.constant 0 : i32
        %dma_start3A_31 = tpu.memref_slice %arg8[%while3A_19, %dma_start3A_30] : memref<93x128xi32, #tpu.memory_space<vmem>> -> memref<1x128xi32, #tpu.memory_space<vmem>>
        %dma_start3A_32 = tpu.memref_squeeze %dma_start3A_31 : memref<1x128xi32, #tpu.memory_space<vmem>> -> memref<128xi32, #tpu.memory_space<vmem>>
        %dma_start3A_33 = arith.constant 0 : i32
        %dma_start3A_34 = arith.constant 0 : i32
        %dma_start3A_35 = tpu.memref_slice %arg10[%dma_start3A_33, %dma_start3A_34] : memref<10112x128xf32, #tpu.memory_space<vmem_shared>> -> memref<10112x128xf32, #tpu.memory_space<vmem_shared>>
        tpu.enqueue_indirect_dma source(%arg9 : memref<128x128xf32, #tpu.memory_space<vmem>>) target(%dma_start3A_35 : memref<10112x128xf32, #tpu.memory_space<vmem_shared>>) offsets(%dma_start3A_32 : memref<128xi32, #tpu.memory_space<vmem>>) semaphore(%run_scoped3A : memref<!tpu.dma_semaphore, #tpu.memory_space<semaphore_mem>>) {add = true}
        %dma_wait3A_36 = arith.constant 0 : i32
        %dma_wait3A_37 = tpu.memref_slice %arg8[%while3A_19, %dma_wait3A_36] : memref<93x128xi32, #tpu.memory_space<vmem>> -> memref<1x128xi32, #tpu.memory_space<vmem>>
        %dma_wait3A_38 = tpu.memref_squeeze %dma_wait3A_37 : memref<1x128xi32, #tpu.memory_space<vmem>> -> memref<128xi32, #tpu.memory_space<vmem>>
        %dma_wait3A_39 = arith.constant 0 : i32
        %dma_wait3A_40 = arith.constant 0 : i32
        %dma_wait3A_41 = tpu.memref_slice %arg10[%dma_wait3A_39, %dma_wait3A_40] : memref<10112x128xf32, #tpu.memory_space<vmem_shared>> -> memref<10112x128xf32, #tpu.memory_space<vmem_shared>>
        tpu.wait_indirect_dma semaphore(%run_scoped3A : memref<!tpu.dma_semaphore, #tpu.memory_space<semaphore_mem>>) src(%arg9 : memref<128x128xf32, #tpu.memory_space<vmem>>) dst(%dma_wait3A_41 : memref<10112x128xf32, #tpu.memory_space<vmem_shared>>)
        tpu.yield
      }) : () -> ()
    }
    %while3A_11 = arith.constant 1 : i32
    scf.for %while3A_19 = %while3A_9 to %while3A_5 step %while3A_11  : i32 {
      %dma_start3A = arith.constant 0 : i32
      %dma_start3A_20 = tpu.memref_slice %arg7[%while3A_19, %dma_start3A] : memref<93x128xi32, #tpu.memory_space<vmem>> -> memref<1x128xi32, #tpu.memory_space<vmem>>
      %dma_start3A_21 = tpu.memref_squeeze %dma_start3A_20 : memref<1x128xi32, #tpu.memory_space<vmem>> -> memref<128xi32, #tpu.memory_space<vmem>>
      %dma_start3A_22 = arith.constant 0 : i32
      %dma_start3A_23 = arith.constant 0 : i32
      %dma_start3A_24 = tpu.memref_slice %arg2[%dma_start3A_22, %dma_start3A_23] : memref<10000x128xf32, #tpu.memory_space<hbm>> -> memref<10000x128xf32, #tpu.memory_space<hbm>>
      tpu.enqueue_indirect_dma source(%dma_start3A_24 : memref<10000x128xf32, #tpu.memory_space<hbm>>) target(%arg9 : memref<128x128xf32, #tpu.memory_space<vmem>>) offsets(%dma_start3A_21 : memref<128xi32, #tpu.memory_space<vmem>>) semaphore(%arg11 : memref<!tpu.dma_semaphore, #tpu.memory_space<semaphore_mem>>)
      %dma_wait3A = arith.constant 0 : i32
      %dma_wait3A_25 = tpu.memref_slice %arg7[%while3A_19, %dma_wait3A] : memref<93x128xi32, #tpu.memory_space<vmem>> -> memref<1x128xi32, #tpu.memory_space<vmem>>
      %dma_wait3A_26 = tpu.memref_squeeze %dma_wait3A_25 : memref<1x128xi32, #tpu.memory_space<vmem>> -> memref<128xi32, #tpu.memory_space<vmem>>
      %dma_wait3A_27 = arith.constant 0 : i32
      %dma_wait3A_28 = arith.constant 0 : i32
      %dma_wait3A_29 = tpu.memref_slice %arg2[%dma_wait3A_27, %dma_wait3A_28] : memref<10000x128xf32, #tpu.memory_space<hbm>> -> memref<10000x128xf32, #tpu.memory_space<hbm>>
      tpu.wait_indirect_dma semaphore(%arg11 : memref<!tpu.dma_semaphore, #tpu.memory_space<semaphore_mem>>) src(%dma_wait3A_29 : memref<10000x128xf32, #tpu.memory_space<hbm>>) dst(%arg9 : memref<128x128xf32, #tpu.memory_space<vmem>>)
      "tpu.region"() ({
        %run_scoped3A = tpu.sem_alloc : memref<!tpu.dma_semaphore, #tpu.memory_space<semaphore_mem>>
        %dma_start3A_30 = arith.constant 0 : i32
        %dma_start3A_31 = tpu.memref_slice %arg8[%while3A_19, %dma_start3A_30] : memref<93x128xi32, #tpu.memory_space<vmem>> -> memref<1x128xi32, #tpu.memory_space<vmem>>
        %dma_start3A_32 = tpu.memref_squeeze %dma_start3A_31 : memref<1x128xi32, #tpu.memory_space<vmem>> -> memref<128xi32, #tpu.memory_space<vmem>>
        %dma_start3A_33 = arith.constant 0 : i32
        %dma_start3A_34 = arith.constant 0 : i32
        %dma_start3A_35 = tpu.memref_slice %arg10[%dma_start3A_33, %dma_start3A_34] : memref<10112x128xf32, #tpu.memory_space<vmem_shared>> -> memref<10112x128xf32, #tpu.memory_space<vmem_shared>>
        tpu.enqueue_indirect_dma source(%arg9 : memref<128x128xf32, #tpu.memory_space<vmem>>) target(%dma_start3A_35 : memref<10112x128xf32, #tpu.memory_space<vmem_shared>>) offsets(%dma_start3A_32 : memref<128xi32, #tpu.memory_space<vmem>>) semaphore(%run_scoped3A : memref<!tpu.dma_semaphore, #tpu.memory_space<semaphore_mem>>) {add = true}
        %dma_wait3A_36 = arith.constant 0 : i32
        %dma_wait3A_37 = tpu.memref_slice %arg8[%while3A_19, %dma_wait3A_36] : memref<93x128xi32, #tpu.memory_space<vmem>> -> memref<1x128xi32, #tpu.memory_space<vmem>>
        %dma_wait3A_38 = tpu.memref_squeeze %dma_wait3A_37 : memref<1x128xi32, #tpu.memory_space<vmem>> -> memref<128xi32, #tpu.memory_space<vmem>>
        %dma_wait3A_39 = arith.constant 0 : i32
        %dma_wait3A_40 = arith.constant 0 : i32
        %dma_wait3A_41 = tpu.memref_slice %arg10[%dma_wait3A_39, %dma_wait3A_40] : memref<10112x128xf32, #tpu.memory_space<vmem_shared>> -> memref<10112x128xf32, #tpu.memory_space<vmem_shared>>
        tpu.wait_indirect_dma semaphore(%run_scoped3A : memref<!tpu.dma_semaphore, #tpu.memory_space<semaphore_mem>>) src(%arg9 : memref<128x128xf32, #tpu.memory_space<vmem>>) dst(%dma_wait3A_41 : memref<10112x128xf32, #tpu.memory_space<vmem_shared>>)
        tpu.yield
      }) : () -> ()
    }
    %barrier3A_12 = arith.constant 0 : index
    tpu.barrier barrier_id(%barrier3A_12)
    %mul3A_13 = arith.constant 632 : i32
    %mul3A_14 = arith.muli %arg1, %mul3A_13 : i32
    %mul3A_15 = arith.constant 10112 : i32
    %mul3A_16 = arith.muli %arg0, %mul3A_15 : i32
    %mul3A_17 = arith.constant 632 : i32
    %mul3A_18 = arith.muli %arg1, %mul3A_17 : i32
    %add3A = arith.addi %mul3A_16, %mul3A_18 : i32
    "tpu.region"() ({
      %run_scoped3A = tpu.sem_alloc : memref<!tpu.dma_semaphore, #tpu.memory_space<semaphore_mem>>
      %dma_start3A = arith.constant 0 : i32
      %dma_start3A_19 = tpu.memref_slice %arg6[%add3A, %dma_start3A] : memref<20224x128xf32, #tpu.memory_space<hbm>> -> memref<632x128xf32, #tpu.memory_space<hbm>>
      %dma_start3A_20 = arith.constant 0 : i32
      %dma_start3A_21 = tpu.memref_slice %arg10[%mul3A_14, %dma_start3A_20] : memref<10112x128xf32, #tpu.memory_space<vmem_shared>> -> memref<632x128xf32, #tpu.memory_space<vmem_shared>>
      tpu.enqueue_dma source(%dma_start3A_21 : memref<632x128xf32, #tpu.memory_space<vmem_shared>>) target(%dma_start3A_19 : memref<632x128xf32, #tpu.memory_space<hbm>>) target_semaphore(%run_scoped3A : memref<!tpu.dma_semaphore, #tpu.memory_space<semaphore_mem>>)
      %dma_wait3A = arith.constant 0 : i32
      %dma_wait3A_22 = tpu.memref_slice %arg6[%add3A, %dma_wait3A] : memref<20224x128xf32, #tpu.memory_space<hbm>> -> memref<632x128xf32, #tpu.memory_space<hbm>>
      %dma_wait3A_23 = arith.constant 0 : i32
      %dma_wait3A_24 = tpu.memref_slice %arg10[%mul3A_14, %dma_wait3A_23] : memref<10112x128xf32, #tpu.memory_space<vmem_shared>> -> memref<632x128xf32, #tpu.memory_space<vmem_shared>>
      tpu.wait_dma2 semaphore(%run_scoped3A : memref<!tpu.dma_semaphore, #tpu.memory_space<semaphore_mem>>) src(%dma_wait3A_24 : memref<632x128xf32, #tpu.memory_space<vmem_shared>>) dst(%dma_wait3A_22 : memref<632x128xf32, #tpu.memory_space<hbm>>)
      tpu.yield
    }) : () -> ()
    return
  }
}

#map = affine_map<(d0, d1) -> (0, 0)>
#map1 = affine_map<(d0, d1) -> (0, 0, 0, 0)>
module attributes {stable_mosaic.version = 14 : i64} {
  func.func @body(%arg0: i32, %arg1: i32, %arg2: memref<10000x128xf32, #tpu.memory_space<hbm>>, %arg3: memref<2x16x93x128xi32, #tpu.memory_space<hbm>>, %arg4: memref<2x16x93x128xi32, #tpu.memory_space<hbm>>, %arg5: memref<632x128xf32, #tpu.memory_space<hbm>>, %arg6: memref<20224x128xf32, #tpu.memory_space<hbm>>, %arg7: memref<93x128xi32, #tpu.memory_space<vmem>>, %arg8: memref<93x128xi32, #tpu.memory_space<vmem>>, %arg9: memref<128x128xf32, #tpu.memory_space<vmem>>, %arg10: memref<10112x128xf32, #tpu.memory_space<vmem_shared>>, %arg11: memref<!tpu.dma_semaphore, #tpu.memory_space<semaphore_mem>>) attributes {dimension_semantics = [#tpu.dimension_semantics<core_parallel>, #tpu.dimension_semantics<subcore_parallel>], iteration_bounds = array<i64: 2, 16>, scalar_prefetch = 0 : i64, scratch_operands = 5 : i64, tpu.core_type = #tpu.core_type<sc_vector_subcore>, window_params = [{transform_indices = #map}, {transform_indices = #map1}, {transform_indices = #map1}, {transform_indices = #map}, {transform_indices = #map}]} {
    "tpu.region"() ({
      %run_scoped3A = tpu.sem_alloc : memref<!tpu.dma_semaphore, #tpu.memory_space<semaphore_mem>>
      %dma_start3A = arith.constant 0 : i32
      %dma_start3A_19 = arith.constant 0 : i32
      %dma_start3A_20 = tpu.memref_slice %arg3[%arg0, %arg1, %dma_start3A, %dma_start3A_19] : memref<2x16x93x128xi32, #tpu.memory_space<hbm>> -> memref<1x1x93x128xi32, #tpu.memory_space<hbm>>
      %dma_start3A_21 = tpu.memref_squeeze %dma_start3A_20 : memref<1x1x93x128xi32, #tpu.memory_space<hbm>> -> memref<93x128xi32, #tpu.memory_space<hbm>>
      %dma_start3A_22 = arith.constant 0 : i32
      %dma_start3A_23 = arith.constant 0 : i32
      %dma_start3A_24 = tpu.memref_slice %arg3[%arg0, %arg1, %dma_start3A_22, %dma_start3A_23] : memref<2x16x93x128xi32, #tpu.memory_space<hbm>> -> memref<1x1x93x128xi32, #tpu.memory_space<hbm>>
      %dma_start3A_25 = tpu.memref_squeeze %dma_start3A_24 : memref<1x1x93x128xi32, #tpu.memory_space<hbm>> -> memref<93x128xi32, #tpu.memory_space<hbm>>
      tpu.enqueue_dma source(%dma_start3A_25 : memref<93x128xi32, #tpu.memory_space<hbm>>) target(%arg7 : memref<93x128xi32, #tpu.memory_space<vmem>>) target_semaphore(%run_scoped3A : memref<!tpu.dma_semaphore, #tpu.memory_space<semaphore_mem>>)
      %dma_wait3A = arith.constant 0 : i32
      %dma_wait3A_26 = arith.constant 0 : i32
      %dma_wait3A_27 = tpu.memref_slice %arg3[%arg0, %arg1, %dma_wait3A, %dma_wait3A_26] : memref<2x16x93x128xi32, #tpu.memory_space<hbm>> -> memref<1x1x93x128xi32, #tpu.memory_space<hbm>>
      %dma_wait3A_28 = tpu.memref_squeeze %dma_wait3A_27 : memref<1x1x93x128xi32, #tpu.memory_space<hbm>> -> memref<93x128xi32, #tpu.memory_space<hbm>>
      %dma_wait3A_29 = arith.constant 0 : i32
      %dma_wait3A_30 = arith.constant 0 : i32
      %dma_wait3A_31 = tpu.memref_slice %arg3[%arg0, %arg1, %dma_wait3A_29, %dma_wait3A_30] : memref<2x16x93x128xi32, #tpu.memory_space<hbm>> -> memref<1x1x93x128xi32, #tpu.memory_space<hbm>>
      %dma_wait3A_32 = tpu.memref_squeeze %dma_wait3A_31 : memref<1x1x93x128xi32, #tpu.memory_space<hbm>> -> memref<93x128xi32, #tpu.memory_space<hbm>>
      tpu.wait_dma2 semaphore(%run_scoped3A : memref<!tpu.dma_semaphore, #tpu.memory_space<semaphore_mem>>) src(%dma_wait3A_32 : memref<93x128xi32, #tpu.memory_space<hbm>>) dst(%arg7 : memref<93x128xi32, #tpu.memory_space<vmem>>)
      tpu.yield
    }) : () -> ()
    "tpu.region"() ({
      %run_scoped3A = tpu.sem_alloc : memref<!tpu.dma_semaphore, #tpu.memory_space<semaphore_mem>>
      %dma_start3A = arith.constant 0 : i32
      %dma_start3A_19 = arith.constant 0 : i32
      %dma_start3A_20 = tpu.memref_slice %arg4[%arg0, %arg1, %dma_start3A, %dma_start3A_19] : memref<2x16x93x128xi32, #tpu.memory_space<hbm>> -> memref<1x1x93x128xi32, #tpu.memory_space<hbm>>
      %dma_start3A_21 = tpu.memref_squeeze %dma_start3A_20 : memref<1x1x93x128xi32, #tpu.memory_space<hbm>> -> memref<93x128xi32, #tpu.memory_space<hbm>>
      %dma_start3A_22 = arith.constant 0 : i32
      %dma_start3A_23 = arith.constant 0 : i32
      %dma_start3A_24 = tpu.memref_slice %arg4[%arg0, %arg1, %dma_start3A_22, %dma_start3A_23] : memref<2x16x93x128xi32, #tpu.memory_space<hbm>> -> memref<1x1x93x128xi32, #tpu.memory_space<hbm>>
      %dma_start3A_25 = tpu.memref_squeeze %dma_start3A_24 : memref<1x1x93x128xi32, #tpu.memory_space<hbm>> -> memref<93x128xi32, #tpu.memory_space<hbm>>
      tpu.enqueue_dma source(%dma_start3A_25 : memref<93x128xi32, #tpu.memory_space<hbm>>) target(%arg8 : memref<93x128xi32, #tpu.memory_space<vmem>>) target_semaphore(%run_scoped3A : memref<!tpu.dma_semaphore, #tpu.memory_space<semaphore_mem>>)
      %dma_wait3A = arith.constant 0 : i32
      %dma_wait3A_26 = arith.constant 0 : i32
      %dma_wait3A_27 = tpu.memref_slice %arg4[%arg0, %arg1, %dma_wait3A, %dma_wait3A_26] : memref<2x16x93x128xi32, #tpu.memory_space<hbm>> -> memref<1x1x93x128xi32, #tpu.memory_space<hbm>>
      %dma_wait3A_28 = tpu.memref_squeeze %dma_wait3A_27 : memref<1x1x93x128xi32, #tpu.memory_space<hbm>> -> memref<93x128xi32, #tpu.memory_space<hbm>>
      %dma_wait3A_29 = arith.constant 0 : i32
      %dma_wait3A_30 = arith.constant 0 : i32
      %dma_wait3A_31 = tpu.memref_slice %arg4[%arg0, %arg1, %dma_wait3A_29, %dma_wait3A_30] : memref<2x16x93x128xi32, #tpu.memory_space<hbm>> -> memref<1x1x93x128xi32, #tpu.memory_space<hbm>>
      %dma_wait3A_32 = tpu.memref_squeeze %dma_wait3A_31 : memref<1x1x93x128xi32, #tpu.memory_space<hbm>> -> memref<93x128xi32, #tpu.memory_space<hbm>>
      tpu.wait_dma2 semaphore(%run_scoped3A : memref<!tpu.dma_semaphore, #tpu.memory_space<semaphore_mem>>) src(%dma_wait3A_32 : memref<93x128xi32, #tpu.memory_space<hbm>>) dst(%arg8 : memref<93x128xi32, #tpu.memory_space<vmem>>)
      tpu.yield
    }) : () -> ()
    %mul3A = arith.constant 632 : i32
    %mul3A_0 = arith.muli %arg1, %mul3A : i32
    "tpu.region"() ({
      %run_scoped3A = tpu.sem_alloc : memref<!tpu.dma_semaphore, #tpu.memory_space<semaphore_mem>>
      %dma_start3A = arith.constant 0 : i32
      %dma_start3A_19 = tpu.memref_slice %arg10[%mul3A_0, %dma_start3A] : memref<10112x128xf32, #tpu.memory_space<vmem_shared>> -> memref<632x128xf32, #tpu.memory_space<vmem_shared>>
      tpu.enqueue_dma source(%arg5 : memref<632x128xf32, #tpu.memory_space<hbm>>) target(%dma_start3A_19 : memref<632x128xf32, #tpu.memory_space<vmem_shared>>) target_semaphore(%run_scoped3A : memref<!tpu.dma_semaphore, #tpu.memory_space<semaphore_mem>>)
      %dma_wait3A = arith.constant 0 : i32
      %dma_wait3A_20 = tpu.memref_slice %arg10[%mul3A_0, %dma_wait3A] : memref<10112x128xf32, #tpu.memory_space<vmem_shared>> -> memref<632x128xf32, #tpu.memory_space<vmem_shared>>
      tpu.wait_dma2 semaphore(%run_scoped3A : memref<!tpu.dma_semaphore, #tpu.memory_space<semaphore_mem>>) src(%arg5 : memref<632x128xf32, #tpu.memory_space<hbm>>) dst(%dma_wait3A_20 : memref<632x128xf32, #tpu.memory_space<vmem_shared>>)
      tpu.yield
    }) : () -> ()
    %barrier3A = arith.constant 0 : index
    tpu.barrier barrier_id(%barrier3A)
    %eq3A = arith.constant 0 : i32
    %eq3A_1 = arith.cmpi eq, %arg0, %eq3A : i32
    %jit3A = arith.constant 64 : i32
    %jit3A_2 = arith.constant 93 : i32
    %select_n3A = arith.select %eq3A_1, %jit3A, %jit3A_2 : i32
    %while3A = arith.constant 0 : i32
    %while3A_3 = arith.constant 0 : i32
    %while3A_4 = arith.subi %select_n3A, %while3A_3 : i32
    %while3A_5 = arith.addi %while3A_3, %while3A_4 : i32
    %while3A_6 = arith.constant 1 : i32
    %while3A_7 = arith.divsi %while3A_4, %while3A_6 : i32
    %while3A_8 = arith.muli %while3A_7, %while3A_6 : i32
    %while3A_9 = arith.addi %while3A_3, %while3A_8 : i32
    %while3A_10 = arith.constant 1 : i32
    scf.for %while3A_19 = %while3A_3 to %while3A_9 step %while3A_10  : i32 {
      %dma_start3A = arith.constant 0 : i32
      %dma_start3A_20 = tpu.memref_slice %arg7[%while3A_19, %dma_start3A] : memref<93x128xi32, #tpu.memory_space<vmem>> -> memref<1x128xi32, #tpu.memory_space<vmem>>
      %dma_start3A_21 = tpu.memref_squeeze %dma_start3A_20 : memref<1x128xi32, #tpu.memory_space<vmem>> -> memref<128xi32, #tpu.memory_space<vmem>>
      %dma_start3A_22 = arith.constant 0 : i32
      %dma_start3A_23 = arith.constant 0 : i32
      %dma_start3A_24 = tpu.memref_slice %arg2[%dma_start3A_22, %dma_start3A_23] : memref<10000x128xf32, #tpu.memory_space<hbm>> -> memref<10000x128xf32, #tpu.memory_space<hbm>>
      tpu.enqueue_indirect_dma source(%dma_start3A_24 : memref<10000x128xf32, #tpu.memory_space<hbm>>) target(%arg9 : memref<128x128xf32, #tpu.memory_space<vmem>>) offsets(%dma_start3A_21 : memref<128xi32, #tpu.memory_space<vmem>>) semaphore(%arg11 : memref<!tpu.dma_semaphore, #tpu.memory_space<semaphore_mem>>)
      %dma_wait3A = arith.constant 0 : i32
      %dma_wait3A_25 = tpu.memref_slice %arg7[%while3A_19, %dma_wait3A] : memref<93x128xi32, #tpu.memory_space<vmem>> -> memref<1x128xi32, #tpu.memory_space<vmem>>
      %dma_wait3A_26 = tpu.memref_squeeze %dma_wait3A_25 : memref<1x128xi32, #tpu.memory_space<vmem>> -> memref<128xi32, #tpu.memory_space<vmem>>
      %dma_wait3A_27 = arith.constant 0 : i32
      %dma_wait3A_28 = arith.constant 0 : i32
      %dma_wait3A_29 = tpu.memref_slice %arg2[%dma_wait3A_27, %dma_wait3A_28] : memref<10000x128xf32, #tpu.memory_space<hbm>> -> memref<10000x128xf32, #tpu.memory_space<hbm>>
      tpu.wait_indirect_dma semaphore(%arg11 : memref<!tpu.dma_semaphore, #tpu.memory_space<semaphore_mem>>) src(%dma_wait3A_29 : memref<10000x128xf32, #tpu.memory_space<hbm>>) dst(%arg9 : memref<128x128xf32, #tpu.memory_space<vmem>>)
      "tpu.region"() ({
        %run_scoped3A = tpu.sem_alloc : memref<!tpu.dma_semaphore, #tpu.memory_space<semaphore_mem>>
        %dma_start3A_30 = arith.constant 0 : i32
        %dma_start3A_31 = tpu.memref_slice %arg8[%while3A_19, %dma_start3A_30] : memref<93x128xi32, #tpu.memory_space<vmem>> -> memref<1x128xi32, #tpu.memory_space<vmem>>
        %dma_start3A_32 = tpu.memref_squeeze %dma_start3A_31 : memref<1x128xi32, #tpu.memory_space<vmem>> -> memref<128xi32, #tpu.memory_space<vmem>>
        %dma_start3A_33 = arith.constant 0 : i32
        %dma_start3A_34 = arith.constant 0 : i32
        %dma_start3A_35 = tpu.memref_slice %arg10[%dma_start3A_33, %dma_start3A_34] : memref<10112x128xf32, #tpu.memory_space<vmem_shared>> -> memref<10112x128xf32, #tpu.memory_space<vmem_shared>>
        tpu.enqueue_indirect_dma source(%arg9 : memref<128x128xf32, #tpu.memory_space<vmem>>) target(%dma_start3A_35 : memref<10112x128xf32, #tpu.memory_space<vmem_shared>>) offsets(%dma_start3A_32 : memref<128xi32, #tpu.memory_space<vmem>>) semaphore(%run_scoped3A : memref<!tpu.dma_semaphore, #tpu.memory_space<semaphore_mem>>) {add = true}
        %dma_wait3A_36 = arith.constant 0 : i32
        %dma_wait3A_37 = tpu.memref_slice %arg8[%while3A_19, %dma_wait3A_36] : memref<93x128xi32, #tpu.memory_space<vmem>> -> memref<1x128xi32, #tpu.memory_space<vmem>>
        %dma_wait3A_38 = tpu.memref_squeeze %dma_wait3A_37 : memref<1x128xi32, #tpu.memory_space<vmem>> -> memref<128xi32, #tpu.memory_space<vmem>>
        %dma_wait3A_39 = arith.constant 0 : i32
        %dma_wait3A_40 = arith.constant 0 : i32
        %dma_wait3A_41 = tpu.memref_slice %arg10[%dma_wait3A_39, %dma_wait3A_40] : memref<10112x128xf32, #tpu.memory_space<vmem_shared>> -> memref<10112x128xf32, #tpu.memory_space<vmem_shared>>
        tpu.wait_indirect_dma semaphore(%run_scoped3A : memref<!tpu.dma_semaphore, #tpu.memory_space<semaphore_mem>>) src(%arg9 : memref<128x128xf32, #tpu.memory_space<vmem>>) dst(%dma_wait3A_41 : memref<10112x128xf32, #tpu.memory_space<vmem_shared>>)
        tpu.yield
      }) : () -> ()
    }
    %while3A_11 = arith.constant 1 : i32
    scf.for %while3A_19 = %while3A_9 to %while3A_5 step %while3A_11  : i32 {
      %dma_start3A = arith.constant 0 : i32
      %dma_start3A_20 = tpu.memref_slice %arg7[%while3A_19, %dma_start3A] : memref<93x128xi32, #tpu.memory_space<vmem>> -> memref<1x128xi32, #tpu.memory_space<vmem>>
      %dma_start3A_21 = tpu.memref_squeeze %dma_start3A_20 : memref<1x128xi32, #tpu.memory_space<vmem>> -> memref<128xi32, #tpu.memory_space<vmem>>
      %dma_start3A_22 = arith.constant 0 : i32
      %dma_start3A_23 = arith.constant 0 : i32
      %dma_start3A_24 = tpu.memref_slice %arg2[%dma_start3A_22, %dma_start3A_23] : memref<10000x128xf32, #tpu.memory_space<hbm>> -> memref<10000x128xf32, #tpu.memory_space<hbm>>
      tpu.enqueue_indirect_dma source(%dma_start3A_24 : memref<10000x128xf32, #tpu.memory_space<hbm>>) target(%arg9 : memref<128x128xf32, #tpu.memory_space<vmem>>) offsets(%dma_start3A_21 : memref<128xi32, #tpu.memory_space<vmem>>) semaphore(%arg11 : memref<!tpu.dma_semaphore, #tpu.memory_space<semaphore_mem>>)
      %dma_wait3A = arith.constant 0 : i32
      %dma_wait3A_25 = tpu.memref_slice %arg7[%while3A_19, %dma_wait3A] : memref<93x128xi32, #tpu.memory_space<vmem>> -> memref<1x128xi32, #tpu.memory_space<vmem>>
      %dma_wait3A_26 = tpu.memref_squeeze %dma_wait3A_25 : memref<1x128xi32, #tpu.memory_space<vmem>> -> memref<128xi32, #tpu.memory_space<vmem>>
      %dma_wait3A_27 = arith.constant 0 : i32
      %dma_wait3A_28 = arith.constant 0 : i32
      %dma_wait3A_29 = tpu.memref_slice %arg2[%dma_wait3A_27, %dma_wait3A_28] : memref<10000x128xf32, #tpu.memory_space<hbm>> -> memref<10000x128xf32, #tpu.memory_space<hbm>>
      tpu.wait_indirect_dma semaphore(%arg11 : memref<!tpu.dma_semaphore, #tpu.memory_space<semaphore_mem>>) src(%dma_wait3A_29 : memref<10000x128xf32, #tpu.memory_space<hbm>>) dst(%arg9 : memref<128x128xf32, #tpu.memory_space<vmem>>)
      "tpu.region"() ({
        %run_scoped3A = tpu.sem_alloc : memref<!tpu.dma_semaphore, #tpu.memory_space<semaphore_mem>>
        %dma_start3A_30 = arith.constant 0 : i32
        %dma_start3A_31 = tpu.memref_slice %arg8[%while3A_19, %dma_start3A_30] : memref<93x128xi32, #tpu.memory_space<vmem>> -> memref<1x128xi32, #tpu.memory_space<vmem>>
        %dma_start3A_32 = tpu.memref_squeeze %dma_start3A_31 : memref<1x128xi32, #tpu.memory_space<vmem>> -> memref<128xi32, #tpu.memory_space<vmem>>
        %dma_start3A_33 = arith.constant 0 : i32
        %dma_start3A_34 = arith.constant 0 : i32
        %dma_start3A_35 = tpu.memref_slice %arg10[%dma_start3A_33, %dma_start3A_34] : memref<10112x128xf32, #tpu.memory_space<vmem_shared>> -> memref<10112x128xf32, #tpu.memory_space<vmem_shared>>
        tpu.enqueue_indirect_dma source(%arg9 : memref<128x128xf32, #tpu.memory_space<vmem>>) target(%dma_start3A_35 : memref<10112x128xf32, #tpu.memory_space<vmem_shared>>) offsets(%dma_start3A_32 : memref<128xi32, #tpu.memory_space<vmem>>) semaphore(%run_scoped3A : memref<!tpu.dma_semaphore, #tpu.memory_space<semaphore_mem>>) {add = true}
        %dma_wait3A_36 = arith.constant 0 : i32
        %dma_wait3A_37 = tpu.memref_slice %arg8[%while3A_19, %dma_wait3A_36] : memref<93x128xi32, #tpu.memory_space<vmem>> -> memref<1x128xi32, #tpu.memory_space<vmem>>
        %dma_wait3A_38 = tpu.memref_squeeze %dma_wait3A_37 : memref<1x128xi32, #tpu.memory_space<vmem>> -> memref<128xi32, #tpu.memory_space<vmem>>
        %dma_wait3A_39 = arith.constant 0 : i32
        %dma_wait3A_40 = arith.constant 0 : i32
        %dma_wait3A_41 = tpu.memref_slice %arg10[%dma_wait3A_39, %dma_wait3A_40] : memref<10112x128xf32, #tpu.memory_space<vmem_shared>> -> memref<10112x128xf32, #tpu.memory_space<vmem_shared>>
        tpu.wait_indirect_dma semaphore(%run_scoped3A : memref<!tpu.dma_semaphore, #tpu.memory_space<semaphore_mem>>) src(%arg9 : memref<128x128xf32, #tpu.memory_space<vmem>>) dst(%dma_wait3A_41 : memref<10112x128xf32, #tpu.memory_space<vmem_shared>>)
        tpu.yield
      }) : () -> ()
    }
    %barrier3A_12 = arith.constant 0 : index
    tpu.barrier barrier_id(%barrier3A_12)
    %mul3A_13 = arith.constant 632 : i32
    %mul3A_14 = arith.muli %arg1, %mul3A_13 : i32
    %mul3A_15 = arith.constant 10112 : i32
    %mul3A_16 = arith.muli %arg0, %mul3A_15 : i32
    %mul3A_17 = arith.constant 632 : i32
    %mul3A_18 = arith.muli %arg1, %mul3A_17 : i32
    %add3A = arith.addi %mul3A_16, %mul3A_18 : i32
    "tpu.region"() ({
      %run_scoped3A = tpu.sem_alloc : memref<!tpu.dma_semaphore, #tpu.memory_space<semaphore_mem>>
      %dma_start3A = arith.constant 0 : i32
      %dma_start3A_19 = tpu.memref_slice %arg6[%add3A, %dma_start3A] : memref<20224x128xf32, #tpu.memory_space<hbm>> -> memref<632x128xf32, #tpu.memory_space<hbm>>
      %dma_start3A_20 = arith.constant 0 : i32
      %dma_start3A_21 = tpu.memref_slice %arg10[%mul3A_14, %dma_start3A_20] : memref<10112x128xf32, #tpu.memory_space<vmem_shared>> -> memref<632x128xf32, #tpu.memory_space<vmem_shared>>
      tpu.enqueue_dma source(%dma_start3A_21 : memref<632x128xf32, #tpu.memory_space<vmem_shared>>) target(%dma_start3A_19 : memref<632x128xf32, #tpu.memory_space<hbm>>) target_semaphore(%run_scoped3A : memref<!tpu.dma_semaphore, #tpu.memory_space<semaphore_mem>>)
      %dma_wait3A = arith.constant 0 : i32
      %dma_wait3A_22 = tpu.memref_slice %arg6[%add3A, %dma_wait3A] : memref<20224x128xf32, #tpu.memory_space<hbm>> -> memref<632x128xf32, #tpu.memory_space<hbm>>
      %dma_wait3A_23 = arith.constant 0 : i32
      %dma_wait3A_24 = tpu.memref_slice %arg10[%mul3A_14, %dma_wait3A_23] : memref<10112x128xf32, #tpu.memory_space<vmem_shared>> -> memref<632x128xf32, #tpu.memory_space<vmem_shared>>
      tpu.wait_dma2 semaphore(%run_scoped3A : memref<!tpu.dma_semaphore, #tpu.memory_space<semaphore_mem>>) src(%dma_wait3A_24 : memref<632x128xf32, #tpu.memory_space<vmem_shared>>) dst(%dma_wait3A_22 : memref<632x128xf32, #tpu.memory_space<hbm>>)
      tpu.yield
    }) : () -> ()
    return
  }
}

module attributes {stable_mosaic.version = 14 : i64} {
  func.func @body(%arg0: i32, %arg1: memref<1000x128xf32, #tpu.memory_space<vmem>>, %arg2: memref<128x128xf32, #tpu.memory_space<vmem>>, %arg3: memref<1x128xf32, #tpu.memory_space<vmem>>, %arg4: memref<2x1000x16xf32, #tpu.memory_space<vmem>>, %arg5: memref<1000x128xf32, #tpu.memory_space<vmem>>, %arg6: memref<1000x128xf32, #tpu.memory_space<vmem>>) attributes {dimension_semantics = [#tpu.dimension_semantics<arbitrary>], iteration_bounds = array<i64: 10>, scalar_prefetch = 0 : i64, scratch_operands = 0 : i64, tpu.core_type = #tpu.core_type<tc>, window_params = [{transform_indices = @transform_0, window_bounds = array<i64: 1000, 128>}, {pipeline_mode = #tpu.pipeline_mode<synchronous>, transform_indices = @transform_1, window_bounds = array<i64: 128, 128>}, {pipeline_mode = #tpu.pipeline_mode<synchronous>, transform_indices = @transform_2, window_bounds = array<i64: 1, 128>}, {transform_indices = @transform_3, window_bounds = array<i64: 2, 1000, 16>}, {transform_indices = @transform_4, window_bounds = array<i64: 1000, 128>}, {transform_indices = @transform_5, window_bounds = array<i64: 1000, 128>}]} {
    %get3A = arith.constant 0 : index
    %get3A_0 = arith.constant 0 : index
    %get3A_1 = vector.load %arg1[%get3A, %get3A_0] : memref<1000x128xf32, #tpu.memory_space<vmem>>, vector<1000x128xf32>
    %get3A_2 = arith.constant 0 : index
    %get3A_3 = arith.constant 0 : index
    %get3A_4 = vector.load %arg2[%get3A_2, %get3A_3] : memref<128x128xf32, #tpu.memory_space<vmem>>, vector<128x128xf32>
    %dot_general3A = arith.constant dense<0.000000e+00> : vector<1000x128xf32>
    %dot_general3A_5 = tpu.matmul %get3A_1, %get3A_4, %dot_general3A {dimension_numbers = #tpu.dot_dimension_numbers<[1], [0], [0], [1], [0, 0, 1, 1], [], []>, transpose_lhs_hint = false} : vector<1000x128xf32>, vector<128x128xf32>, vector<1000x128xf32> -> vector<1000x128xf32>
    %get3A_6 = arith.constant 0 : index
    %get3A_7 = arith.constant 0 : index
    %get3A_8 = vector.load %arg3[%get3A_6, %get3A_7] : memref<1x128xf32, #tpu.memory_space<vmem>>, vector<1x128xf32>
    %add3A = vector.broadcast %get3A_8 : vector<1x128xf32> to vector<1000x128xf32>
    %add3A_9 = arith.addf %dot_general3A_5, %add3A : vector<1000x128xf32>
    %max3A = arith.constant 0.000000e+00 : f32
    %max3A_10 = vector.broadcast %max3A : f32 to vector<1000x128xf32>
    %max3A_11 = arith.maximumf %add3A_9, %max3A_10 : vector<1000x128xf32>
    %get3A_12 = arith.constant 0 : index
    %get3A_13 = arith.constant 0 : index
    %get3A_14 = arith.constant 0 : index
    %get3A_15 = vector.load %arg4[%get3A_12, %get3A_13, %get3A_14] : memref<2x1000x16xf32, #tpu.memory_space<vmem>>, vector<1x1000x1xf32>
    %get3A_16 = vector.shape_cast %get3A_15 : vector<1x1000x1xf32> to vector<1000x1xf32>
    %get3A_17 = arith.constant 1 : index
    %get3A_18 = arith.constant 0 : index
    %get3A_19 = arith.constant 0 : index
    %get3A_20 = vector.load %arg4[%get3A_17, %get3A_18, %get3A_19] : memref<2x1000x16xf32, #tpu.memory_space<vmem>>, vector<1x1000x1xf32>
    %get3A_21 = vector.shape_cast %get3A_20 : vector<1x1000x1xf32> to vector<1000x1xf32>
    %add3A_22 = arith.addf %get3A_16, %get3A_21 : vector<1000x1xf32>
    %gt3A = arith.constant 0.000000e+00 : f32
    %gt3A_23 = vector.broadcast %gt3A : f32 to vector<1000x1xf32>
    %gt3A_24 = arith.cmpf ogt, %add3A_22, %gt3A_23 : vector<1000x1xf32>
    %max3A_25 = arith.constant 1.000000e+00 : f32
    %max3A_26 = vector.broadcast %max3A_25 : f32 to vector<1000x1xf32>
    %max3A_27 = arith.maximumf %add3A_22, %max3A_26 : vector<1000x1xf32>
    %rsqrt3A = math.rsqrt %max3A_27 : vector<1000x1xf32>
    %jit3A = arith.constant 0.000000e+00 : f32
    %broadcast_in_dim3A = vector.broadcast %jit3A : f32 to vector<1000x1xf32>
    %select_n3A = arith.select %gt3A_24, %rsqrt3A, %broadcast_in_dim3A : vector<1000x1xi1>, vector<1000x1xf32>
    %swap3A = arith.constant 0 : index
    %swap3A_28 = arith.constant 0 : index
    %swap3A_29 = vector.load %arg5[%swap3A, %swap3A_28] : memref<1000x128xf32, #tpu.memory_space<vmem>>, vector<1000x128xf32>
    tpu.vector_store %arg5[%swap3A, %swap3A_28], %max3A_11 {strides = array<i32>} : memref<1000x128xf32, #tpu.memory_space<vmem>>, vector<1000x128xf32>,
    %mul3A = vector.broadcast %select_n3A : vector<1000x1xf32> to vector<1000x128xf32>
    %mul3A_30 = arith.mulf %max3A_11, %mul3A : vector<1000x128xf32>
    %swap3A_31 = arith.constant 0 : index
    %swap3A_32 = arith.constant 0 : index
    %swap3A_33 = vector.load %arg6[%swap3A_31, %swap3A_32] : memref<1000x128xf32, #tpu.memory_space<vmem>>, vector<1000x128xf32>
    tpu.vector_store %arg6[%swap3A_31, %swap3A_32], %mul3A_30 {strides = array<i32>} : memref<1000x128xf32, #tpu.memory_space<vmem>>, vector<1000x128xf32>,
    return
  }
  func.func @transform_0(%arg0: i32) -> (i32, i32) {
    %c0_i32 = arith.constant 0 : i32
    %c0_i32_0 = arith.constant 0 : i32
    return %arg0, %c0_i32 : i32, i32
  }
  func.func @transform_1(%arg0: i32) -> (i32, i32) {
    %c0_i32 = arith.constant 0 : i32
    %c0_i32_0 = arith.constant 0 : i32
    %c0_i32_1 = arith.constant 0 : i32
    return %c0_i32, %c0_i32_0 : i32, i32
  }
  func.func @transform_2(%arg0: i32) -> (i32, i32) {
    %c0_i32 = arith.constant 0 : i32
    %c0_i32_0 = arith.constant 0 : i32
    %c0_i32_1 = arith.constant 0 : i32
    return %c0_i32, %c0_i32_0 : i32, i32
  }
  func.func @transform_3(%arg0: i32) -> (i32, i32, i32) {
    %c0_i32 = arith.constant 0 : i32
    %c0_i32_0 = arith.constant 0 : i32
    %c0_i32_1 = arith.constant 0 : i32
    return %c0_i32, %arg0, %c0_i32_0 : i32, i32, i32
  }
  func.func @transform_4(%arg0: i32) -> (i32, i32) {
    %c0_i32 = arith.constant 0 : i32
    %c0_i32_0 = arith.constant 0 : i32
    return %arg0, %c0_i32 : i32, i32
  }
  func.func @transform_5(%arg0: i32) -> (i32, i32) {
    %c0_i32 = arith.constant 0 : i32
    %c0_i32_0 = arith.constant 0 : i32
    return %arg0, %c0_i32 : i32, i32
  }
}

module attributes {stable_mosaic.version = 14 : i64} {
  func.func @body(%arg0: i32, %arg1: memref<2x1000x128xf32, #tpu.memory_space<vmem>>, %arg2: memref<2x1000x16xf32, #tpu.memory_space<vmem>>, %arg3: memref<1000x128xf32, #tpu.memory_space<vmem>>) attributes {dimension_semantics = [#tpu.dimension_semantics<arbitrary>], iteration_bounds = array<i64: 10>, scalar_prefetch = 0 : i64, scratch_operands = 0 : i64, tpu.core_type = #tpu.core_type<tc>, window_params = [{transform_indices = @transform_0, window_bounds = array<i64: 2, 1000, 128>}, {transform_indices = @transform_1, window_bounds = array<i64: 2, 1000, 16>}, {transform_indices = @transform_2, window_bounds = array<i64: 1000, 128>}]} {
    %get3A = arith.constant 0 : index
    %get3A_0 = arith.constant 0 : index
    %get3A_1 = arith.constant 0 : index
    %get3A_2 = vector.load %arg2[%get3A, %get3A_0, %get3A_1] : memref<2x1000x16xf32, #tpu.memory_space<vmem>>, vector<1x1000x1xf32>
    %get3A_3 = vector.shape_cast %get3A_2 : vector<1x1000x1xf32> to vector<1000x1xf32>
    %get3A_4 = arith.constant 1 : index
    %get3A_5 = arith.constant 0 : index
    %get3A_6 = arith.constant 0 : index
    %get3A_7 = vector.load %arg2[%get3A_4, %get3A_5, %get3A_6] : memref<2x1000x16xf32, #tpu.memory_space<vmem>>, vector<1x1000x1xf32>
    %get3A_8 = vector.shape_cast %get3A_7 : vector<1x1000x1xf32> to vector<1000x1xf32>
    %add3A = arith.addf %get3A_3, %get3A_8 : vector<1000x1xf32>
    %gt3A = arith.constant 0.000000e+00 : f32
    %gt3A_9 = vector.broadcast %gt3A : f32 to vector<1000x1xf32>
    %gt3A_10 = arith.cmpf ogt, %add3A, %gt3A_9 : vector<1000x1xf32>
    %max3A = arith.constant 1.000000e+00 : f32
    %max3A_11 = vector.broadcast %max3A : f32 to vector<1000x1xf32>
    %max3A_12 = arith.maximumf %add3A, %max3A_11 : vector<1000x1xf32>
    %rsqrt3A = math.rsqrt %max3A_12 : vector<1000x1xf32>
    %jit3A = arith.constant 0.000000e+00 : f32
    %broadcast_in_dim3A = vector.broadcast %jit3A : f32 to vector<1000x1xf32>
    %select_n3A = arith.select %gt3A_10, %rsqrt3A, %broadcast_in_dim3A : vector<1000x1xi1>, vector<1000x1xf32>
    %get3A_13 = arith.constant 0 : index
    %get3A_14 = arith.constant 0 : index
    %get3A_15 = arith.constant 0 : index
    %get3A_16 = vector.load %arg1[%get3A_13, %get3A_14, %get3A_15] : memref<2x1000x128xf32, #tpu.memory_space<vmem>>, vector<1x1000x128xf32>
    %get3A_17 = vector.shape_cast %get3A_16 : vector<1x1000x128xf32> to vector<1000x128xf32>
    %get3A_18 = arith.constant 1 : index
    %get3A_19 = arith.constant 0 : index
    %get3A_20 = arith.constant 0 : index
    %get3A_21 = vector.load %arg1[%get3A_18, %get3A_19, %get3A_20] : memref<2x1000x128xf32, #tpu.memory_space<vmem>>, vector<1x1000x128xf32>
    %get3A_22 = vector.shape_cast %get3A_21 : vector<1x1000x128xf32> to vector<1000x128xf32>
    %add3A_23 = arith.addf %get3A_17, %get3A_22 : vector<1000x128xf32>
    %mul3A = arith.mulf %select_n3A, %select_n3A : vector<1000x1xf32>
    %mul3A_24 = vector.broadcast %mul3A : vector<1000x1xf32> to vector<1000x128xf32>
    %mul3A_25 = arith.mulf %add3A_23, %mul3A_24 : vector<1000x128xf32>
    %swap3A = arith.constant 0 : index
    %swap3A_26 = arith.constant 0 : index
    %swap3A_27 = vector.load %arg3[%swap3A, %swap3A_26] : memref<1000x128xf32, #tpu.memory_space<vmem>>, vector<1000x128xf32>
    tpu.vector_store %arg3[%swap3A, %swap3A_26], %mul3A_25 {strides = array<i32>} : memref<1000x128xf32, #tpu.memory_space<vmem>>, vector<1000x128xf32>,
    return
  }
  func.func @transform_0(%arg0: i32) -> (i32, i32, i32) {
    %c0_i32 = arith.constant 0 : i32
    %c0_i32_0 = arith.constant 0 : i32
    %c0_i32_1 = arith.constant 0 : i32
    return %c0_i32, %arg0, %c0_i32_0 : i32, i32, i32
  }
  func.func @transform_1(%arg0: i32) -> (i32, i32, i32) {
    %c0_i32 = arith.constant 0 : i32
    %c0_i32_0 = arith.constant 0 : i32
    %c0_i32_1 = arith.constant 0 : i32
    return %c0_i32, %arg0, %c0_i32_0 : i32, i32, i32
  }
  func.func @transform_2(%arg0: i32) -> (i32, i32) {
    %c0_i32 = arith.constant 0 : i32
    %c0_i32_0 = arith.constant 0 : i32
    return %arg0, %c0_i32 : i32, i32
  }
}

module attributes {stable_mosaic.version = 14 : i64} {
  func.func @body(%arg0: i32, %arg1: memref<1000x128xf32, #tpu.memory_space<vmem>>, %arg2: memref<2x1000x128xf32, #tpu.memory_space<vmem>>, %arg3: memref<2x1000x128xf32, #tpu.memory_space<vmem>>, %arg4: memref<2x1000x128xf32, #tpu.memory_space<vmem>>, %arg5: memref<2x1000x16xf32, #tpu.memory_space<vmem>>, %arg6: memref<4x128x128xf32, #tpu.memory_space<vmem>>, %arg7: memref<1x128xf32, #tpu.memory_space<vmem>>, %arg8: memref<1x128xf32, #tpu.memory_space<vmem>>, %arg9: memref<1x128xf32, #tpu.memory_space<vmem>>, %arg10: memref<1000x128xf32, #tpu.memory_space<vmem>>, %arg11: memref<1000x128xf32, #tpu.memory_space<vmem>>) attributes {dimension_semantics = [#tpu.dimension_semantics<arbitrary>], iteration_bounds = array<i64: 10>, scalar_prefetch = 0 : i64, scratch_operands = 0 : i64, tpu.core_type = #tpu.core_type<tc>, window_params = [{transform_indices = @transform_0, window_bounds = array<i64: 1000, 128>}, {transform_indices = @transform_1, window_bounds = array<i64: 2, 1000, 128>}, {transform_indices = @transform_2, window_bounds = array<i64: 2, 1000, 128>}, {transform_indices = @transform_3, window_bounds = array<i64: 2, 1000, 128>}, {transform_indices = @transform_4, window_bounds = array<i64: 2, 1000, 16>}, {pipeline_mode = #tpu.pipeline_mode<synchronous>, transform_indices = @transform_5, window_bounds = array<i64: 4, 128, 128>}, {pipeline_mode = #tpu.pipeline_mode<synchronous>, transform_indices = @transform_6, window_bounds = array<i64: 1, 128>}, {pipeline_mode = #tpu.pipeline_mode<synchronous>, transform_indices = @transform_7, window_bounds = array<i64: 1, 128>}, {pipeline_mode = #tpu.pipeline_mode<synchronous>, transform_indices = @transform_8, window_bounds = array<i64: 1, 128>}, {transform_indices = @transform_9, window_bounds = array<i64: 1000, 128>}, {transform_indices = @transform_10, window_bounds = array<i64: 1000, 128>}]} {
    %get3A = arith.constant 0 : index
    %get3A_0 = arith.constant 0 : index
    %get3A_1 = arith.constant 0 : index
    %get3A_2 = vector.load %arg5[%get3A, %get3A_0, %get3A_1] : memref<2x1000x16xf32, #tpu.memory_space<vmem>>, vector<1x1000x1xf32>
    %get3A_3 = vector.shape_cast %get3A_2 : vector<1x1000x1xf32> to vector<1000x1xf32>
    %get3A_4 = arith.constant 1 : index
    %get3A_5 = arith.constant 0 : index
    %get3A_6 = arith.constant 0 : index
    %get3A_7 = vector.load %arg5[%get3A_4, %get3A_5, %get3A_6] : memref<2x1000x16xf32, #tpu.memory_space<vmem>>, vector<1x1000x1xf32>
    %get3A_8 = vector.shape_cast %get3A_7 : vector<1x1000x1xf32> to vector<1000x1xf32>
    %add3A = arith.addf %get3A_3, %get3A_8 : vector<1000x1xf32>
    %gt3A = arith.constant 0.000000e+00 : f32
    %gt3A_9 = vector.broadcast %gt3A : f32 to vector<1000x1xf32>
    %gt3A_10 = arith.cmpf ogt, %add3A, %gt3A_9 : vector<1000x1xf32>
    %max3A = arith.constant 1.000000e+00 : f32
    %max3A_11 = vector.broadcast %max3A : f32 to vector<1000x1xf32>
    %max3A_12 = arith.maximumf %add3A, %max3A_11 : vector<1000x1xf32>
    %rsqrt3A = math.rsqrt %max3A_12 : vector<1000x1xf32>
    %jit3A = arith.constant 0.000000e+00 : f32
    %broadcast_in_dim3A = vector.broadcast %jit3A : f32 to vector<1000x1xf32>
    %select_n3A = arith.select %gt3A_10, %rsqrt3A, %broadcast_in_dim3A : vector<1000x1xi1>, vector<1000x1xf32>
    %get3A_13 = arith.constant 0 : index
    %get3A_14 = arith.constant 0 : index
    %get3A_15 = vector.load %arg1[%get3A_13, %get3A_14] : memref<1000x128xf32, #tpu.memory_space<vmem>>, vector<1000x128xf32>
    %get3A_16 = arith.constant 0 : index
    %get3A_17 = arith.constant 0 : index
    %get3A_18 = arith.constant 0 : index
    %get3A_19 = vector.load %arg6[%get3A_16, %get3A_17, %get3A_18] : memref<4x128x128xf32, #tpu.memory_space<vmem>>, vector<1x128x128xf32>
    %get3A_20 = vector.shape_cast %get3A_19 : vector<1x128x128xf32> to vector<128x128xf32>
    %dot_general3A = arith.constant dense<0.000000e+00> : vector<1000x128xf32>
    %dot_general3A_21 = tpu.matmul %get3A_15, %get3A_20, %dot_general3A {dimension_numbers = #tpu.dot_dimension_numbers<[1], [0], [0], [1], [0, 0, 1, 1], [], []>, transpose_lhs_hint = false} : vector<1000x128xf32>, vector<128x128xf32>, vector<1000x128xf32> -> vector<1000x128xf32>
    %get3A_22 = arith.constant 0 : index
    %get3A_23 = arith.constant 0 : index
    %get3A_24 = arith.constant 0 : index
    %get3A_25 = vector.load %arg2[%get3A_22, %get3A_23, %get3A_24] : memref<2x1000x128xf32, #tpu.memory_space<vmem>>, vector<1x1000x128xf32>
    %get3A_26 = vector.shape_cast %get3A_25 : vector<1x1000x128xf32> to vector<1000x128xf32>
    %get3A_27 = arith.constant 1 : index
    %get3A_28 = arith.constant 0 : index
    %get3A_29 = arith.constant 0 : index
    %get3A_30 = vector.load %arg2[%get3A_27, %get3A_28, %get3A_29] : memref<2x1000x128xf32, #tpu.memory_space<vmem>>, vector<1x1000x128xf32>
    %get3A_31 = vector.shape_cast %get3A_30 : vector<1x1000x128xf32> to vector<1000x128xf32>
    %add3A_32 = arith.addf %get3A_26, %get3A_31 : vector<1000x128xf32>
    %mul3A = vector.broadcast %select_n3A : vector<1000x1xf32> to vector<1000x128xf32>
    %mul3A_33 = arith.mulf %add3A_32, %mul3A : vector<1000x128xf32>
    %get3A_34 = arith.constant 1 : index
    %get3A_35 = arith.constant 0 : index
    %get3A_36 = arith.constant 0 : index
    %get3A_37 = vector.load %arg6[%get3A_34, %get3A_35, %get3A_36] : memref<4x128x128xf32, #tpu.memory_space<vmem>>, vector<1x128x128xf32>
    %get3A_38 = vector.shape_cast %get3A_37 : vector<1x128x128xf32> to vector<128x128xf32>
    %dot_general3A_39 = arith.constant dense<0.000000e+00> : vector<1000x128xf32>
    %dot_general3A_40 = tpu.matmul %mul3A_33, %get3A_38, %dot_general3A_39 {dimension_numbers = #tpu.dot_dimension_numbers<[1], [0], [0], [1], [0, 0, 1, 1], [], []>, transpose_lhs_hint = false} : vector<1000x128xf32>, vector<128x128xf32>, vector<1000x128xf32> -> vector<1000x128xf32>
    %add3A_41 = arith.addf %dot_general3A_21, %dot_general3A_40 : vector<1000x128xf32>
    %get3A_42 = arith.constant 0 : index
    %get3A_43 = arith.constant 0 : index
    %get3A_44 = arith.constant 0 : index
    %get3A_45 = vector.load %arg3[%get3A_42, %get3A_43, %get3A_44] : memref<2x1000x128xf32, #tpu.memory_space<vmem>>, vector<1x1000x128xf32>
    %get3A_46 = vector.shape_cast %get3A_45 : vector<1x1000x128xf32> to vector<1000x128xf32>
    %get3A_47 = arith.constant 1 : index
    %get3A_48 = arith.constant 0 : index
    %get3A_49 = arith.constant 0 : index
    %get3A_50 = vector.load %arg3[%get3A_47, %get3A_48, %get3A_49] : memref<2x1000x128xf32, #tpu.memory_space<vmem>>, vector<1x1000x128xf32>
    %get3A_51 = vector.shape_cast %get3A_50 : vector<1x1000x128xf32> to vector<1000x128xf32>
    %add3A_52 = arith.addf %get3A_46, %get3A_51 : vector<1000x128xf32>
    %mul3A_53 = vector.broadcast %select_n3A : vector<1000x1xf32> to vector<1000x128xf32>
    %mul3A_54 = arith.mulf %add3A_52, %mul3A_53 : vector<1000x128xf32>
    %get3A_55 = arith.constant 2 : index
    %get3A_56 = arith.constant 0 : index
    %get3A_57 = arith.constant 0 : index
    %get3A_58 = vector.load %arg6[%get3A_55, %get3A_56, %get3A_57] : memref<4x128x128xf32, #tpu.memory_space<vmem>>, vector<1x128x128xf32>
    %get3A_59 = vector.shape_cast %get3A_58 : vector<1x128x128xf32> to vector<128x128xf32>
    %dot_general3A_60 = arith.constant dense<0.000000e+00> : vector<1000x128xf32>
    %dot_general3A_61 = tpu.matmul %mul3A_54, %get3A_59, %dot_general3A_60 {dimension_numbers = #tpu.dot_dimension_numbers<[1], [0], [0], [1], [0, 0, 1, 1], [], []>, transpose_lhs_hint = false} : vector<1000x128xf32>, vector<128x128xf32>, vector<1000x128xf32> -> vector<1000x128xf32>
    %add3A_62 = arith.addf %add3A_41, %dot_general3A_61 : vector<1000x128xf32>
    %get3A_63 = arith.constant 0 : index
    %get3A_64 = arith.constant 0 : index
    %get3A_65 = arith.constant 0 : index
    %get3A_66 = vector.load %arg4[%get3A_63, %get3A_64, %get3A_65] : memref<2x1000x128xf32, #tpu.memory_space<vmem>>, vector<1x1000x128xf32>
    %get3A_67 = vector.shape_cast %get3A_66 : vector<1x1000x128xf32> to vector<1000x128xf32>
    %get3A_68 = arith.constant 1 : index
    %get3A_69 = arith.constant 0 : index
    %get3A_70 = arith.constant 0 : index
    %get3A_71 = vector.load %arg4[%get3A_68, %get3A_69, %get3A_70] : memref<2x1000x128xf32, #tpu.memory_space<vmem>>, vector<1x1000x128xf32>
    %get3A_72 = vector.shape_cast %get3A_71 : vector<1x1000x128xf32> to vector<1000x128xf32>
    %add3A_73 = arith.addf %get3A_67, %get3A_72 : vector<1000x128xf32>
    %mul3A_74 = vector.broadcast %select_n3A : vector<1000x1xf32> to vector<1000x128xf32>
    %mul3A_75 = arith.mulf %add3A_73, %mul3A_74 : vector<1000x128xf32>
    %get3A_76 = arith.constant 3 : index
    %get3A_77 = arith.constant 0 : index
    %get3A_78 = arith.constant 0 : index
    %get3A_79 = vector.load %arg6[%get3A_76, %get3A_77, %get3A_78] : memref<4x128x128xf32, #tpu.memory_space<vmem>>, vector<1x128x128xf32>
    %get3A_80 = vector.shape_cast %get3A_79 : vector<1x128x128xf32> to vector<128x128xf32>
    %dot_general3A_81 = arith.constant dense<0.000000e+00> : vector<1000x128xf32>
    %dot_general3A_82 = tpu.matmul %mul3A_75, %get3A_80, %dot_general3A_81 {dimension_numbers = #tpu.dot_dimension_numbers<[1], [0], [0], [1], [0, 0, 1, 1], [], []>, transpose_lhs_hint = false} : vector<1000x128xf32>, vector<128x128xf32>, vector<1000x128xf32> -> vector<1000x128xf32>
    %add3A_83 = arith.addf %add3A_62, %dot_general3A_82 : vector<1000x128xf32>
    %get3A_84 = arith.constant 0 : index
    %get3A_85 = arith.constant 0 : index
    %get3A_86 = vector.load %arg7[%get3A_84, %get3A_85] : memref<1x128xf32, #tpu.memory_space<vmem>>, vector<1x128xf32>
    %add3A_87 = vector.broadcast %get3A_86 : vector<1x128xf32> to vector<1000x128xf32>
    %add3A_88 = arith.addf %add3A_83, %add3A_87 : vector<1000x128xf32>
    %max3A_89 = arith.constant 0.000000e+00 : f32
    %max3A_90 = vector.broadcast %max3A_89 : f32 to vector<1000x128xf32>
    %max3A_91 = arith.maximumf %add3A_88, %max3A_90 : vector<1000x128xf32>
    %reduce_sum3A = arith.constant dense<0.000000e+00> : vector<1000xf32>
    %reduce_sum3A_92 = vector.multi_reduction <add>, %max3A_91, %reduce_sum3A [1] : vector<1000x128xf32> to vector<1000xf32>
    %broadcast_in_dim3A_93 = vector.shape_cast %reduce_sum3A_92 : vector<1000xf32> to vector<1000x1xf32>
    %div3A = arith.constant 1.280000e+02 : f32
    %div3A_94 = vector.broadcast %div3A : f32 to vector<1000x1xf32>
    %div3A_95 = arith.divf %broadcast_in_dim3A_93, %div3A_94 : vector<1000x1xf32>
    %sub3A = vector.broadcast %div3A_95 : vector<1000x1xf32> to vector<1000x128xf32>
    %sub3A_96 = arith.subf %max3A_91, %sub3A : vector<1000x128xf32>
    %integer_pow3A = arith.mulf %sub3A_96, %sub3A_96 : vector<1000x128xf32>
    %reduce_sum3A_97 = arith.constant dense<0.000000e+00> : vector<1000xf32>
    %reduce_sum3A_98 = vector.multi_reduction <add>, %integer_pow3A, %reduce_sum3A_97 [1] : vector<1000x128xf32> to vector<1000xf32>
    %broadcast_in_dim3A_99 = vector.shape_cast %reduce_sum3A_98 : vector<1000xf32> to vector<1000x1xf32>
    %div3A_100 = arith.constant 1.280000e+02 : f32
    %div3A_101 = vector.broadcast %div3A_100 : f32 to vector<1000x1xf32>
    %div3A_102 = arith.divf %broadcast_in_dim3A_99, %div3A_101 : vector<1000x1xf32>
    %sub3A_103 = vector.broadcast %div3A_95 : vector<1000x1xf32> to vector<1000x128xf32>
    %sub3A_104 = arith.subf %max3A_91, %sub3A_103 : vector<1000x128xf32>
    %add3A_105 = arith.constant 9.99999974E-6 : f32
    %add3A_106 = vector.broadcast %add3A_105 : f32 to vector<1000x1xf32>
    %add3A_107 = arith.addf %div3A_102, %add3A_106 : vector<1000x1xf32>
    %sqrt3A = math.sqrt %add3A_107 : vector<1000x1xf32>
    %div3A_108 = vector.broadcast %sqrt3A : vector<1000x1xf32> to vector<1000x128xf32>
    %div3A_109 = arith.divf %sub3A_104, %div3A_108 : vector<1000x128xf32>
    %get3A_110 = arith.constant 0 : index
    %get3A_111 = arith.constant 0 : index
    %get3A_112 = vector.load %arg8[%get3A_110, %get3A_111] : memref<1x128xf32, #tpu.memory_space<vmem>>, vector<1x128xf32>
    %mul3A_113 = vector.broadcast %get3A_112 : vector<1x128xf32> to vector<1000x128xf32>
    %mul3A_114 = arith.mulf %div3A_109, %mul3A_113 : vector<1000x128xf32>
    %get3A_115 = arith.constant 0 : index
    %get3A_116 = arith.constant 0 : index
    %get3A_117 = vector.load %arg9[%get3A_115, %get3A_116] : memref<1x128xf32, #tpu.memory_space<vmem>>, vector<1x128xf32>
    %add3A_118 = vector.broadcast %get3A_117 : vector<1x128xf32> to vector<1000x128xf32>
    %add3A_119 = arith.addf %mul3A_114, %add3A_118 : vector<1000x128xf32>
    %swap3A = arith.constant 0 : index
    %swap3A_120 = arith.constant 0 : index
    %swap3A_121 = vector.load %arg10[%swap3A, %swap3A_120] : memref<1000x128xf32, #tpu.memory_space<vmem>>, vector<1000x128xf32>
    tpu.vector_store %arg10[%swap3A, %swap3A_120], %add3A_119 {strides = array<i32>} : memref<1000x128xf32, #tpu.memory_space<vmem>>, vector<1000x128xf32>,
    %mul3A_122 = vector.broadcast %select_n3A : vector<1000x1xf32> to vector<1000x128xf32>
    %mul3A_123 = arith.mulf %add3A_119, %mul3A_122 : vector<1000x128xf32>
    %swap3A_124 = arith.constant 0 : index
    %swap3A_125 = arith.constant 0 : index
    %swap3A_126 = vector.load %arg11[%swap3A_124, %swap3A_125] : memref<1000x128xf32, #tpu.memory_space<vmem>>, vector<1000x128xf32>
    tpu.vector_store %arg11[%swap3A_124, %swap3A_125], %mul3A_123 {strides = array<i32>} : memref<1000x128xf32, #tpu.memory_space<vmem>>, vector<1000x128xf32>,
    return
  }
  func.func @transform_0(%arg0: i32) -> (i32, i32) {
    %c0_i32 = arith.constant 0 : i32
    %c0_i32_0 = arith.constant 0 : i32
    return %arg0, %c0_i32 : i32, i32
  }
  func.func @transform_1(%arg0: i32) -> (i32, i32, i32) {
    %c0_i32 = arith.constant 0 : i32
    %c0_i32_0 = arith.constant 0 : i32
    %c0_i32_1 = arith.constant 0 : i32
    return %c0_i32, %arg0, %c0_i32_0 : i32, i32, i32
  }
  func.func @transform_2(%arg0: i32) -> (i32, i32, i32) {
    %c0_i32 = arith.constant 0 : i32
    %c0_i32_0 = arith.constant 0 : i32
    %c0_i32_1 = arith.constant 0 : i32
    return %c0_i32, %arg0, %c0_i32_0 : i32, i32, i32
  }
  func.func @transform_3(%arg0: i32) -> (i32, i32, i32) {
    %c0_i32 = arith.constant 0 : i32
    %c0_i32_0 = arith.constant 0 : i32
    %c0_i32_1 = arith.constant 0 : i32
    return %c0_i32, %arg0, %c0_i32_0 : i32, i32, i32
  }
  func.func @transform_4(%arg0: i32) -> (i32, i32, i32) {
    %c0_i32 = arith.constant 0 : i32
    %c0_i32_0 = arith.constant 0 : i32
    %c0_i32_1 = arith.constant 0 : i32
    return %c0_i32, %arg0, %c0_i32_0 : i32, i32, i32
  }
  func.func @transform_5(%arg0: i32) -> (i32, i32, i32) {
    %c0_i32 = arith.constant 0 : i32
    %c0_i32_0 = arith.constant 0 : i32
    %c0_i32_1 = arith.constant 0 : i32
    %c0_i32_2 = arith.constant 0 : i32
    return %c0_i32, %c0_i32_0, %c0_i32_1 : i32, i32, i32
  }
  func.func @transform_6(%arg0: i32) -> (i32, i32) {
    %c0_i32 = arith.constant 0 : i32
    %c0_i32_0 = arith.constant 0 : i32
    %c0_i32_1 = arith.constant 0 : i32
    return %c0_i32, %c0_i32_0 : i32, i32
  }
  func.func @transform_7(%arg0: i32) -> (i32, i32) {
    %c0_i32 = arith.constant 0 : i32
    %c0_i32_0 = arith.constant 0 : i32
    %c0_i32_1 = arith.constant 0 : i32
    return %c0_i32, %c0_i32_0 : i32, i32
  }
  func.func @transform_8(%arg0: i32) -> (i32, i32) {
    %c0_i32 = arith.constant 0 : i32
    %c0_i32_0 = arith.constant 0 : i32
    %c0_i32_1 = arith.constant 0 : i32
    return %c0_i32, %c0_i32_0 : i32, i32
  }
  func.func @transform_9(%arg0: i32) -> (i32, i32) {
    %c0_i32 = arith.constant 0 : i32
    %c0_i32_0 = arith.constant 0 : i32
    return %arg0, %c0_i32 : i32, i32
  }
  func.func @transform_10(%arg0: i32) -> (i32, i32) {
    %c0_i32 = arith.constant 0 : i32
    %c0_i32_0 = arith.constant 0 : i32
    return %arg0, %c0_i32 : i32, i32
  }
}

module attributes {stable_mosaic.version = 14 : i64} {
  func.func @body(%arg0: i32, %arg1: memref<1000x128xf32, #tpu.memory_space<vmem>>, %arg2: memref<2x1000x128xf32, #tpu.memory_space<vmem>>, %arg3: memref<2x1000x128xf32, #tpu.memory_space<vmem>>, %arg4: memref<2x1000x128xf32, #tpu.memory_space<vmem>>, %arg5: memref<2x1000x16xf32, #tpu.memory_space<vmem>>, %arg6: memref<4x128x128xf32, #tpu.memory_space<vmem>>, %arg7: memref<1x128xf32, #tpu.memory_space<vmem>>, %arg8: memref<1x128xf32, #tpu.memory_space<vmem>>, %arg9: memref<1x128xf32, #tpu.memory_space<vmem>>, %arg10: memref<128x128xf32, #tpu.memory_space<vmem>>, %arg11: memref<1x128xf32, #tpu.memory_space<vmem>>, %arg12: memref<128x1xf32, #tpu.memory_space<vmem>>, %arg13: memref<1x1xf32, #tpu.memory_space<vmem>>, %arg14: memref<1000x1xf32, #tpu.memory_space<vmem>>) attributes {dimension_semantics = [#tpu.dimension_semantics<arbitrary>], iteration_bounds = array<i64: 10>, scalar_prefetch = 0 : i64, scratch_operands = 0 : i64, tpu.core_type = #tpu.core_type<tc>, window_params = [{transform_indices = @transform_0, window_bounds = array<i64: 1000, 128>}, {transform_indices = @transform_1, window_bounds = array<i64: 2, 1000, 128>}, {transform_indices = @transform_2, window_bounds = array<i64: 2, 1000, 128>}, {transform_indices = @transform_3, window_bounds = array<i64: 2, 1000, 128>}, {transform_indices = @transform_4, window_bounds = array<i64: 2, 1000, 16>}, {pipeline_mode = #tpu.pipeline_mode<synchronous>, transform_indices = @transform_5, window_bounds = array<i64: 4, 128, 128>}, {pipeline_mode = #tpu.pipeline_mode<synchronous>, transform_indices = @transform_6, window_bounds = array<i64: 1, 128>}, {pipeline_mode = #tpu.pipeline_mode<synchronous>, transform_indices = @transform_7, window_bounds = array<i64: 1, 128>}, {pipeline_mode = #tpu.pipeline_mode<synchronous>, transform_indices = @transform_8, window_bounds = array<i64: 1, 128>}, {pipeline_mode = #tpu.pipeline_mode<synchronous>, transform_indices = @transform_9, window_bounds = array<i64: 128, 128>}, {pipeline_mode = #tpu.pipeline_mode<synchronous>, transform_indices = @transform_10, window_bounds = array<i64: 1, 128>}, {pipeline_mode = #tpu.pipeline_mode<synchronous>, transform_indices = @transform_11, window_bounds = array<i64: 128, 1>}, {pipeline_mode = #tpu.pipeline_mode<synchronous>, transform_indices = @transform_12, window_bounds = array<i64: 1, 1>}, {transform_indices = @transform_13, window_bounds = array<i64: 1000, 1>}]} {
    %get3A = arith.constant 0 : index
    %get3A_0 = arith.constant 0 : index
    %get3A_1 = arith.constant 0 : index
    %get3A_2 = vector.load %arg5[%get3A, %get3A_0, %get3A_1] : memref<2x1000x16xf32, #tpu.memory_space<vmem>>, vector<1x1000x1xf32>
    %get3A_3 = vector.shape_cast %get3A_2 : vector<1x1000x1xf32> to vector<1000x1xf32>
    %get3A_4 = arith.constant 1 : index
    %get3A_5 = arith.constant 0 : index
    %get3A_6 = arith.constant 0 : index
    %get3A_7 = vector.load %arg5[%get3A_4, %get3A_5, %get3A_6] : memref<2x1000x16xf32, #tpu.memory_space<vmem>>, vector<1x1000x1xf32>
    %get3A_8 = vector.shape_cast %get3A_7 : vector<1x1000x1xf32> to vector<1000x1xf32>
    %add3A = arith.addf %get3A_3, %get3A_8 : vector<1000x1xf32>
    %gt3A = arith.constant 0.000000e+00 : f32
    %gt3A_9 = vector.broadcast %gt3A : f32 to vector<1000x1xf32>
    %gt3A_10 = arith.cmpf ogt, %add3A, %gt3A_9 : vector<1000x1xf32>
    %max3A = arith.constant 1.000000e+00 : f32
    %max3A_11 = vector.broadcast %max3A : f32 to vector<1000x1xf32>
    %max3A_12 = arith.maximumf %add3A, %max3A_11 : vector<1000x1xf32>
    %rsqrt3A = math.rsqrt %max3A_12 : vector<1000x1xf32>
    %jit3A = arith.constant 0.000000e+00 : f32
    %broadcast_in_dim3A = vector.broadcast %jit3A : f32 to vector<1000x1xf32>
    %select_n3A = arith.select %gt3A_10, %rsqrt3A, %broadcast_in_dim3A : vector<1000x1xi1>, vector<1000x1xf32>
    %get3A_13 = arith.constant 0 : index
    %get3A_14 = arith.constant 0 : index
    %get3A_15 = vector.load %arg1[%get3A_13, %get3A_14] : memref<1000x128xf32, #tpu.memory_space<vmem>>, vector<1000x128xf32>
    %get3A_16 = arith.constant 0 : index
    %get3A_17 = arith.constant 0 : index
    %get3A_18 = arith.constant 0 : index
    %get3A_19 = vector.load %arg6[%get3A_16, %get3A_17, %get3A_18] : memref<4x128x128xf32, #tpu.memory_space<vmem>>, vector<1x128x128xf32>
    %get3A_20 = vector.shape_cast %get3A_19 : vector<1x128x128xf32> to vector<128x128xf32>
    %dot_general3A = arith.constant dense<0.000000e+00> : vector<1000x128xf32>
    %dot_general3A_21 = tpu.matmul %get3A_15, %get3A_20, %dot_general3A {dimension_numbers = #tpu.dot_dimension_numbers<[1], [0], [0], [1], [0, 0, 1, 1], [], []>, transpose_lhs_hint = false} : vector<1000x128xf32>, vector<128x128xf32>, vector<1000x128xf32> -> vector<1000x128xf32>
    %get3A_22 = arith.constant 0 : index
    %get3A_23 = arith.constant 0 : index
    %get3A_24 = arith.constant 0 : index
    %get3A_25 = vector.load %arg2[%get3A_22, %get3A_23, %get3A_24] : memref<2x1000x128xf32, #tpu.memory_space<vmem>>, vector<1x1000x128xf32>
    %get3A_26 = vector.shape_cast %get3A_25 : vector<1x1000x128xf32> to vector<1000x128xf32>
    %get3A_27 = arith.constant 1 : index
    %get3A_28 = arith.constant 0 : index
    %get3A_29 = arith.constant 0 : index
    %get3A_30 = vector.load %arg2[%get3A_27, %get3A_28, %get3A_29] : memref<2x1000x128xf32, #tpu.memory_space<vmem>>, vector<1x1000x128xf32>
    %get3A_31 = vector.shape_cast %get3A_30 : vector<1x1000x128xf32> to vector<1000x128xf32>
    %add3A_32 = arith.addf %get3A_26, %get3A_31 : vector<1000x128xf32>
    %mul3A = vector.broadcast %select_n3A : vector<1000x1xf32> to vector<1000x128xf32>
    %mul3A_33 = arith.mulf %add3A_32, %mul3A : vector<1000x128xf32>
    %get3A_34 = arith.constant 1 : index
    %get3A_35 = arith.constant 0 : index
    %get3A_36 = arith.constant 0 : index
    %get3A_37 = vector.load %arg6[%get3A_34, %get3A_35, %get3A_36] : memref<4x128x128xf32, #tpu.memory_space<vmem>>, vector<1x128x128xf32>
    %get3A_38 = vector.shape_cast %get3A_37 : vector<1x128x128xf32> to vector<128x128xf32>
    %dot_general3A_39 = arith.constant dense<0.000000e+00> : vector<1000x128xf32>
    %dot_general3A_40 = tpu.matmul %mul3A_33, %get3A_38, %dot_general3A_39 {dimension_numbers = #tpu.dot_dimension_numbers<[1], [0], [0], [1], [0, 0, 1, 1], [], []>, transpose_lhs_hint = false} : vector<1000x128xf32>, vector<128x128xf32>, vector<1000x128xf32> -> vector<1000x128xf32>
    %add3A_41 = arith.addf %dot_general3A_21, %dot_general3A_40 : vector<1000x128xf32>
    %get3A_42 = arith.constant 0 : index
    %get3A_43 = arith.constant 0 : index
    %get3A_44 = arith.constant 0 : index
    %get3A_45 = vector.load %arg3[%get3A_42, %get3A_43, %get3A_44] : memref<2x1000x128xf32, #tpu.memory_space<vmem>>, vector<1x1000x128xf32>
    %get3A_46 = vector.shape_cast %get3A_45 : vector<1x1000x128xf32> to vector<1000x128xf32>
    %get3A_47 = arith.constant 1 : index
    %get3A_48 = arith.constant 0 : index
    %get3A_49 = arith.constant 0 : index
    %get3A_50 = vector.load %arg3[%get3A_47, %get3A_48, %get3A_49] : memref<2x1000x128xf32, #tpu.memory_space<vmem>>, vector<1x1000x128xf32>
    %get3A_51 = vector.shape_cast %get3A_50 : vector<1x1000x128xf32> to vector<1000x128xf32>
    %add3A_52 = arith.addf %get3A_46, %get3A_51 : vector<1000x128xf32>
    %mul3A_53 = vector.broadcast %select_n3A : vector<1000x1xf32> to vector<1000x128xf32>
    %mul3A_54 = arith.mulf %add3A_52, %mul3A_53 : vector<1000x128xf32>
    %get3A_55 = arith.constant 2 : index
    %get3A_56 = arith.constant 0 : index
    %get3A_57 = arith.constant 0 : index
    %get3A_58 = vector.load %arg6[%get3A_55, %get3A_56, %get3A_57] : memref<4x128x128xf32, #tpu.memory_space<vmem>>, vector<1x128x128xf32>
    %get3A_59 = vector.shape_cast %get3A_58 : vector<1x128x128xf32> to vector<128x128xf32>
    %dot_general3A_60 = arith.constant dense<0.000000e+00> : vector<1000x128xf32>
    %dot_general3A_61 = tpu.matmul %mul3A_54, %get3A_59, %dot_general3A_60 {dimension_numbers = #tpu.dot_dimension_numbers<[1], [0], [0], [1], [0, 0, 1, 1], [], []>, transpose_lhs_hint = false} : vector<1000x128xf32>, vector<128x128xf32>, vector<1000x128xf32> -> vector<1000x128xf32>
    %add3A_62 = arith.addf %add3A_41, %dot_general3A_61 : vector<1000x128xf32>
    %get3A_63 = arith.constant 0 : index
    %get3A_64 = arith.constant 0 : index
    %get3A_65 = arith.constant 0 : index
    %get3A_66 = vector.load %arg4[%get3A_63, %get3A_64, %get3A_65] : memref<2x1000x128xf32, #tpu.memory_space<vmem>>, vector<1x1000x128xf32>
    %get3A_67 = vector.shape_cast %get3A_66 : vector<1x1000x128xf32> to vector<1000x128xf32>
    %get3A_68 = arith.constant 1 : index
    %get3A_69 = arith.constant 0 : index
    %get3A_70 = arith.constant 0 : index
    %get3A_71 = vector.load %arg4[%get3A_68, %get3A_69, %get3A_70] : memref<2x1000x128xf32, #tpu.memory_space<vmem>>, vector<1x1000x128xf32>
    %get3A_72 = vector.shape_cast %get3A_71 : vector<1x1000x128xf32> to vector<1000x128xf32>
    %add3A_73 = arith.addf %get3A_67, %get3A_72 : vector<1000x128xf32>
    %mul3A_74 = vector.broadcast %select_n3A : vector<1000x1xf32> to vector<1000x128xf32>
    %mul3A_75 = arith.mulf %add3A_73, %mul3A_74 : vector<1000x128xf32>
    %get3A_76 = arith.constant 3 : index
    %get3A_77 = arith.constant 0 : index
    %get3A_78 = arith.constant 0 : index
    %get3A_79 = vector.load %arg6[%get3A_76, %get3A_77, %get3A_78] : memref<4x128x128xf32, #tpu.memory_space<vmem>>, vector<1x128x128xf32>
    %get3A_80 = vector.shape_cast %get3A_79 : vector<1x128x128xf32> to vector<128x128xf32>
    %dot_general3A_81 = arith.constant dense<0.000000e+00> : vector<1000x128xf32>
    %dot_general3A_82 = tpu.matmul %mul3A_75, %get3A_80, %dot_general3A_81 {dimension_numbers = #tpu.dot_dimension_numbers<[1], [0], [0], [1], [0, 0, 1, 1], [], []>, transpose_lhs_hint = false} : vector<1000x128xf32>, vector<128x128xf32>, vector<1000x128xf32> -> vector<1000x128xf32>
    %add3A_83 = arith.addf %add3A_62, %dot_general3A_82 : vector<1000x128xf32>
    %get3A_84 = arith.constant 0 : index
    %get3A_85 = arith.constant 0 : index
    %get3A_86 = vector.load %arg7[%get3A_84, %get3A_85] : memref<1x128xf32, #tpu.memory_space<vmem>>, vector<1x128xf32>
    %add3A_87 = vector.broadcast %get3A_86 : vector<1x128xf32> to vector<1000x128xf32>
    %add3A_88 = arith.addf %add3A_83, %add3A_87 : vector<1000x128xf32>
    %max3A_89 = arith.constant 0.000000e+00 : f32
    %max3A_90 = vector.broadcast %max3A_89 : f32 to vector<1000x128xf32>
    %max3A_91 = arith.maximumf %add3A_88, %max3A_90 : vector<1000x128xf32>
    %reduce_sum3A = arith.constant dense<0.000000e+00> : vector<1000xf32>
    %reduce_sum3A_92 = vector.multi_reduction <add>, %max3A_91, %reduce_sum3A [1] : vector<1000x128xf32> to vector<1000xf32>
    %broadcast_in_dim3A_93 = vector.shape_cast %reduce_sum3A_92 : vector<1000xf32> to vector<1000x1xf32>
    %div3A = arith.constant 1.280000e+02 : f32
    %div3A_94 = vector.broadcast %div3A : f32 to vector<1000x1xf32>
    %div3A_95 = arith.divf %broadcast_in_dim3A_93, %div3A_94 : vector<1000x1xf32>
    %sub3A = vector.broadcast %div3A_95 : vector<1000x1xf32> to vector<1000x128xf32>
    %sub3A_96 = arith.subf %max3A_91, %sub3A : vector<1000x128xf32>
    %integer_pow3A = arith.mulf %sub3A_96, %sub3A_96 : vector<1000x128xf32>
    %reduce_sum3A_97 = arith.constant dense<0.000000e+00> : vector<1000xf32>
    %reduce_sum3A_98 = vector.multi_reduction <add>, %integer_pow3A, %reduce_sum3A_97 [1] : vector<1000x128xf32> to vector<1000xf32>
    %broadcast_in_dim3A_99 = vector.shape_cast %reduce_sum3A_98 : vector<1000xf32> to vector<1000x1xf32>
    %div3A_100 = arith.constant 1.280000e+02 : f32
    %div3A_101 = vector.broadcast %div3A_100 : f32 to vector<1000x1xf32>
    %div3A_102 = arith.divf %broadcast_in_dim3A_99, %div3A_101 : vector<1000x1xf32>
    %sub3A_103 = vector.broadcast %div3A_95 : vector<1000x1xf32> to vector<1000x128xf32>
    %sub3A_104 = arith.subf %max3A_91, %sub3A_103 : vector<1000x128xf32>
    %add3A_105 = arith.constant 9.99999974E-6 : f32
    %add3A_106 = vector.broadcast %add3A_105 : f32 to vector<1000x1xf32>
    %add3A_107 = arith.addf %div3A_102, %add3A_106 : vector<1000x1xf32>
    %sqrt3A = math.sqrt %add3A_107 : vector<1000x1xf32>
    %div3A_108 = vector.broadcast %sqrt3A : vector<1000x1xf32> to vector<1000x128xf32>
    %div3A_109 = arith.divf %sub3A_104, %div3A_108 : vector<1000x128xf32>
    %get3A_110 = arith.constant 0 : index
    %get3A_111 = arith.constant 0 : index
    %get3A_112 = vector.load %arg8[%get3A_110, %get3A_111] : memref<1x128xf32, #tpu.memory_space<vmem>>, vector<1x128xf32>
    %mul3A_113 = vector.broadcast %get3A_112 : vector<1x128xf32> to vector<1000x128xf32>
    %mul3A_114 = arith.mulf %div3A_109, %mul3A_113 : vector<1000x128xf32>
    %get3A_115 = arith.constant 0 : index
    %get3A_116 = arith.constant 0 : index
    %get3A_117 = vector.load %arg9[%get3A_115, %get3A_116] : memref<1x128xf32, #tpu.memory_space<vmem>>, vector<1x128xf32>
    %add3A_118 = vector.broadcast %get3A_117 : vector<1x128xf32> to vector<1000x128xf32>
    %add3A_119 = arith.addf %mul3A_114, %add3A_118 : vector<1000x128xf32>
    %get3A_120 = arith.constant 0 : index
    %get3A_121 = arith.constant 0 : index
    %get3A_122 = vector.load %arg10[%get3A_120, %get3A_121] : memref<128x128xf32, #tpu.memory_space<vmem>>, vector<128x128xf32>
    %dot_general3A_123 = arith.constant dense<0.000000e+00> : vector<1000x128xf32>
    %dot_general3A_124 = tpu.matmul %add3A_119, %get3A_122, %dot_general3A_123 {dimension_numbers = #tpu.dot_dimension_numbers<[1], [0], [0], [1], [0, 0, 1, 1], [], []>, transpose_lhs_hint = false} : vector<1000x128xf32>, vector<128x128xf32>, vector<1000x128xf32> -> vector<1000x128xf32>
    %get3A_125 = arith.constant 0 : index
    %get3A_126 = arith.constant 0 : index
    %get3A_127 = vector.load %arg11[%get3A_125, %get3A_126] : memref<1x128xf32, #tpu.memory_space<vmem>>, vector<1x128xf32>
    %add3A_128 = vector.broadcast %get3A_127 : vector<1x128xf32> to vector<1000x128xf32>
    %add3A_129 = arith.addf %dot_general3A_124, %add3A_128 : vector<1000x128xf32>
    %max3A_130 = arith.constant 0.000000e+00 : f32
    %max3A_131 = vector.broadcast %max3A_130 : f32 to vector<1000x128xf32>
    %max3A_132 = arith.maximumf %add3A_129, %max3A_131 : vector<1000x128xf32>
    %get3A_133 = arith.constant 0 : index
    %get3A_134 = arith.constant 0 : index
    %get3A_135 = vector.load %arg12[%get3A_133, %get3A_134] : memref<128x1xf32, #tpu.memory_space<vmem>>, vector<128x1xf32>
    %dot_general3A_136 = arith.constant dense<0.000000e+00> : vector<1000x1xf32>
    %dot_general3A_137 = tpu.matmul %max3A_132, %get3A_135, %dot_general3A_136 {dimension_numbers = #tpu.dot_dimension_numbers<[1], [0], [0], [1], [0, 0, 1, 1], [], []>, transpose_lhs_hint = false} : vector<1000x128xf32>, vector<128x1xf32>, vector<1000x1xf32> -> vector<1000x1xf32>
    %get3A_138 = arith.constant 0 : index
    %get3A_139 = arith.constant 0 : index
    %get3A_140 = vector.load %arg13[%get3A_138, %get3A_139] : memref<1x1xf32, #tpu.memory_space<vmem>>, vector<1x1xf32>
    %add3A_141 = vector.broadcast %get3A_140 : vector<1x1xf32> to vector<1000x1xf32>
    %add3A_142 = arith.addf %dot_general3A_137, %add3A_141 : vector<1000x1xf32>
    %swap3A = arith.constant 0 : index
    %swap3A_143 = arith.constant 0 : index
    %swap3A_144 = vector.load %arg14[%swap3A, %swap3A_143] : memref<1000x1xf32, #tpu.memory_space<vmem>>, vector<1000x1xf32>
    tpu.vector_store %arg14[%swap3A, %swap3A_143], %add3A_142 {strides = array<i32>} : memref<1000x1xf32, #tpu.memory_space<vmem>>, vector<1000x1xf32>,
    return
  }
  func.func @transform_0(%arg0: i32) -> (i32, i32) {
    %c0_i32 = arith.constant 0 : i32
    %c0_i32_0 = arith.constant 0 : i32
    return %arg0, %c0_i32 : i32, i32
  }
  func.func @transform_1(%arg0: i32) -> (i32, i32, i32) {
    %c0_i32 = arith.constant 0 : i32
    %c0_i32_0 = arith.constant 0 : i32
    %c0_i32_1 = arith.constant 0 : i32
    return %c0_i32, %arg0, %c0_i32_0 : i32, i32, i32
  }
  func.func @transform_2(%arg0: i32) -> (i32, i32, i32) {
    %c0_i32 = arith.constant 0 : i32
    %c0_i32_0 = arith.constant 0 : i32
    %c0_i32_1 = arith.constant 0 : i32
    return %c0_i32, %arg0, %c0_i32_0 : i32, i32, i32
  }
  func.func @transform_3(%arg0: i32) -> (i32, i32, i32) {
    %c0_i32 = arith.constant 0 : i32
    %c0_i32_0 = arith.constant 0 : i32
    %c0_i32_1 = arith.constant 0 : i32
    return %c0_i32, %arg0, %c0_i32_0 : i32, i32, i32
  }
  func.func @transform_4(%arg0: i32) -> (i32, i32, i32) {
    %c0_i32 = arith.constant 0 : i32
    %c0_i32_0 = arith.constant 0 : i32
    %c0_i32_1 = arith.constant 0 : i32
    return %c0_i32, %arg0, %c0_i32_0 : i32, i32, i32
  }
  func.func @transform_5(%arg0: i32) -> (i32, i32, i32) {
    %c0_i32 = arith.constant 0 : i32
    %c0_i32_0 = arith.constant 0 : i32
    %c0_i32_1 = arith.constant 0 : i32
    %c0_i32_2 = arith.constant 0 : i32
    return %c0_i32, %c0_i32_0, %c0_i32_1 : i32, i32, i32
  }
  func.func @transform_6(%arg0: i32) -> (i32, i32) {
    %c0_i32 = arith.constant 0 : i32
    %c0_i32_0 = arith.constant 0 : i32
    %c0_i32_1 = arith.constant 0 : i32
    return %c0_i32, %c0_i32_0 : i32, i32
  }
  func.func @transform_7(%arg0: i32) -> (i32, i32) {
    %c0_i32 = arith.constant 0 : i32
    %c0_i32_0 = arith.constant 0 : i32
    %c0_i32_1 = arith.constant 0 : i32
    return %c0_i32, %c0_i32_0 : i32, i32
  }
  func.func @transform_8(%arg0: i32) -> (i32, i32) {
    %c0_i32 = arith.constant 0 : i32
    %c0_i32_0 = arith.constant 0 : i32
    %c0_i32_1 = arith.constant 0 : i32
    return %c0_i32, %c0_i32_0 : i32, i32
  }
  func.func @transform_9(%arg0: i32) -> (i32, i32) {
    %c0_i32 = arith.constant 0 : i32
    %c0_i32_0 = arith.constant 0 : i32
    %c0_i32_1 = arith.constant 0 : i32
    return %c0_i32, %c0_i32_0 : i32, i32
  }
  func.func @transform_10(%arg0: i32) -> (i32, i32) {
    %c0_i32 = arith.constant 0 : i32
    %c0_i32_0 = arith.constant 0 : i32
    %c0_i32_1 = arith.constant 0 : i32
    return %c0_i32, %c0_i32_0 : i32, i32
  }
  func.func @transform_11(%arg0: i32) -> (i32, i32) {
    %c0_i32 = arith.constant 0 : i32
    %c0_i32_0 = arith.constant 0 : i32
    %c0_i32_1 = arith.constant 0 : i32
    return %c0_i32, %c0_i32_0 : i32, i32
  }
  func.func @transform_12(%arg0: i32) -> (i32, i32) {
    %c0_i32 = arith.constant 0 : i32
    %c0_i32_0 = arith.constant 0 : i32
    %c0_i32_1 = arith.constant 0 : i32
    return %c0_i32, %c0_i32_0 : i32, i32
  }
  func.func @transform_13(%arg0: i32) -> (i32, i32) {
    %c0_i32 = arith.constant 0 : i32
    %c0_i32_0 = arith.constant 0 : i32
    return %arg0, %c0_i32 : i32, i32
  }
}

</mosaic_0001>

<sc_bundles>
// kernel: kernel.16.cloned.1.call-start
scs
__scs_entry_jumppad:
0x0: {  	(pc) =	sbr.rel $0x88, $3  }
0x1: {  	(tag) =	ssettag $0x0;
	lr =	simm.s32 $0x1  }
0x2: {  	[smem:$0x3F91] =	sst lr;
	_ =	strace $0xD0000000  }
0x3: {  	_ = 	snop  }
0x4: {  	_ = 	snop  }
0x5: {  	_ = 	snop  }
0x6: {  	_ = 	snop  }
0x7: {  	_ = 	snop  }
__scs_overlays_trampoline_lowered:
0x8: {  	[smem:$0x3FA0] =	sst s0  }
0x9: {  	[smem:$0x3FA1] =	sst s1  }
0xa: {  	[smem:$0x3FA2] =	sst s2  }
0xb: {  	[smem:$0x3FA3] =	sst s3  }
0xc: {  	[smem:$0x3FA4] =	sst s4  }
0xd: {  	[smem:$0x3FA5] =	sst s5  }
0xe: {  	[smem:$0x3FA6] =	sst s6  }
0xf: {  	[smem:$0x3FA7] =	sst s7  }
0x10: {  	[smem:$0x3FA8] =	sst s8  }
0x11: {  	[smem:$0x3FA9] =	sst s9;
	s0 =	simm.s32 @!p0 $0x0  }
0x12: {  	s1 =	sld [smem:$0x3F8F];
	s0 =	simm.s32 @p0 $0x1  }
0x13: {  	[smem:$0x3FAA] =	sst s0;
	s0 =	simm.s32 @!p1 $0x0  }
0x14: {  	s2 =	sld [smem:$0x3F8E];
	s0 =	simm.s32 @p1 $0x1  }
0x15: {  	[smem:$0x3FAB] =	sst s0;
	s0 =	simm.s32 @!p2 $0x0  }
0x16: {  	s3 =	sld [smem:$0x3FDB];
	s0 =	simm.s32 @p2 $0x1  }
0x17: {  	s4 =	simm.s32 $0x1BF5;
	[smem:$0x3FAD] =	sst s0  }
0x18: {  	s0 =	sld [smem:$0x3F90];
	_ =	swait.ge [sflag:s4], $0x0  }
0x19: {  	s7 =	sld [smem:$0x3F91]  }
0x1a: {  	s8 =	sadd.s32 $0xFFFFE003, lr  }
0x1b: {  	s9 =	sadd.s32 $0xFFFFFEF7, lr;
	s5 =	simm.s32 $0xFFFFFFFF;
	p2 =	slt.u32 s8, $0xFFFFF086  }
0x1c: {  	p1 =	slt.u32 s9, $0xF7A;
	s5 =	simm.s32 @!p2 $0x0  }
0x1d: {  	s5 =	simm.s32 @p1 $0x1;
	p0 =	seq.s32 s7, s2  }
0x1e: {  	s7 =	smul.u32 @!p0 $0xF7A, s2;
	p2 =	seq.s32 @!p0 s5, $0x0  }
0x1f: {  	s9 =	smul.u32 $0xF7A, s1;
	s8 =	simm.s32 @!p0 $0x1BF5;
	p2 =	por !p2, p0  }
0x20: {  	[sflag:s8] =	ssyncset.s32 @!p0 $0xFFFFF086;
	s6 =	sadd.s32 @!p0 s3, s7;
	s7 =	simm.s32 @!p0 $0x108  }
0x21: {  	s3 =	sadd.s32 s3, s9;
	s6 =	sadd.s32 @!p0 $0x88, s6;
	s7 =	simm.s32 @p2 $0x1082  }
0x22: {  	[simem:s7], [sflag:s8] =	dma.local @!p0 [hbm:s6], $0xF7A  }
0x23: {  	s9 =	sor.u32 $0xD0000000, s2;
	s6 =	simm.s32 $0x108;
	_ =	swait.ge @!p0 [sflag:s8], $0x0  }
0x24: {  	s3 =	sadd.s32 $0x88, s3;
	s6 =	simm.s32 @!p1 $0x1082;
	[sflag:s4] =	ssyncset.s32 $0xFFFFF086  }
0x25: {  	[simem:s6], [sflag:s4] =	dma.local [hbm:s3], $0xF7A  }
0x26: {  	[smem:$0x3F91] =	sst s1;
	(tag) =	ssettag s2;
	_ =	strace s9  }
0x27: {  	s1 =	sld [smem:$0x3FA1]  }
0x28: {  	s2 =	sld [smem:$0x3FA2]  }
0x29: {  	s4 =	sld [smem:$0x3FA4]  }
0x2a: {  	p0 =	seq.s32 s5, $0x0;
	s5 =	sld [smem:$0x3FA5]  }
0x2b: {  	s6 =	sld [smem:$0x3FA6]  }
0x2c: {  	s7 =	sld [smem:$0x3FA7]  }
0x2d: {  	s3 =	simm.s32 $0x108;
	s8 =	sld [smem:$0x3FA8]  }
0x2e: {  	s3 =	simm.s32 @!p0 $0x1082;
	s9 =	sld [smem:$0x3FA9]  }
0x2f: {  	lr =	sadd.s32 s0, s3;
	s0 =	sld [smem:$0x3FA0]  }
0x30: {  	s3 =	sld [smem:$0x3FA3]  }
0x31: {  	[smem:$0x3FAC] =	sst s10  }
0x32: {  	s10 =	sld [smem:$0x3FAA];
	_ =	sdelay $0x3  }
0x33: {  	p0 =	seq.s32 s10, $0x1;
	s10 =	sld [smem:$0x3FAC];
	_ =	sdelay $0x3  }
0x34: {  	[smem:$0x3FAC] =	sst s10  }
0x35: {  	s10 =	sld [smem:$0x3FAB];
	_ =	sdelay $0x3  }
0x36: {  	p1 =	seq.s32 s10, $0x1;
	s10 =	sld [smem:$0x3FAC];
	_ =	sdelay $0x3  }
0x37: {  	[smem:$0x3FAC] =	sst s10  }
0x38: {  	s10 =	sld [smem:$0x3FAD]  }
0x39: {  	_ = 	snop;
	(pc) =	sbr.ind lr, $3  }
0x3a: {  	_ = 	snop  }
0x3b: {  	_ = 	snop  }
0x3c: {  	p2 =	seq.s32 s10, $0x1;
	s10 =	sld [smem:$0x3FAC]  }
0x3d: {  	_ =	shalt  }
0x3e: {  	_ =	shalt  }
0x3f: {  	_ =	shalt  }
0x40: {  	_ =	shalt  }
0x41: {  	_ =	shalt  }
0x42: {  	_ =	shalt  }
0x43: {  	_ =	shalt  }
0x44: {  	_ =	shalt  }
0x45: {  	_ =	shalt  }
0x46: {  	_ =	shalt  }
0x47: {  	_ =	shalt  }
0x48: {  	_ =	shalt  }
0x49: {  	_ =	shalt  }
0x4a: {  	_ =	shalt  }
0x4b: {  	_ =	shalt  }
0x4c: {  	_ =	shalt  }
0x4d: {  	_ =	shalt  }
0x4e: {  	_ =	shalt  }
0x4f: {  	_ =	shalt  }
0x50: {  	_ =	shalt  }
0x51: {  	_ =	shalt  }
0x52: {  	_ =	shalt  }
0x53: {  	_ =	shalt  }
0x54: {  	_ =	shalt  }
0x55: {  	_ =	shalt  }
0x56: {  	_ =	shalt  }
0x57: {  	_ =	shalt  }
0x58: {  	_ =	shalt  }
0x59: {  	_ =	shalt  }
0x5a: {  	_ =	shalt  }
0x5b: {  	_ =	shalt  }
0x5c: {  	_ =	shalt  }
0x5d: {  	_ =	shalt  }
0x5e: {  	_ =	shalt  }
0x5f: {  	_ =	shalt  }
0x60: {  	_ =	shalt  }
0x61: {  	_ =	shalt  }
0x62: {  	_ =	shalt  }
0x63: {  	_ =	shalt  }
0x64: {  	_ =	shalt  }
0x65: {  	_ =	shalt  }
0x66: {  	_ =	shalt  }
0x67: {  	_ =	shalt  }
0x68: {  	_ =	shalt  }
0x69: {  	_ =	shalt  }
0x6a: {  	_ =	shalt  }
0x6b: {  	_ =	shalt  }
0x6c: {  	_ =	shalt  }
0x6d: {  	_ =	shalt  }
0x6e: {  	_ =	shalt  }
0x6f: {  	_ =	shalt  }
0x70: {  	_ =	shalt  }
0x71: {  	_ =	shalt  }
0x72: {  	_ =	shalt  }
0x73: {  	_ =	shalt  }
0x74: {  	_ =	shalt  }
0x75: {  	_ =	shalt  }
0x76: {  	_ =	shalt  }
0x77: {  	_ =	shalt  }
0x78: {  	_ =	shalt  }
0x79: {  	_ =	shalt  }
0x7a: {  	_ =	shalt  }
0x7b: {  	_ =	shalt  }
0x7c: {  	_ =	shalt  }
0x7d: {  	_ =	shalt  }
0x7e: {  	_ =	shalt  }
0x7f: {  	_ =	shalt  }
0x80: {  	_ =	shalt  }
0x81: {  	_ =	shalt  }
0x82: {  	_ =	shalt  }
0x83: {  	_ =	shalt  }
0x84: {  	_ =	shalt  }
0x85: {  	_ =	shalt  }
0x86: {  	_ =	shalt  }
0x87: {  	_ =	shalt  }
.Lfunc_end0:
.L_simem_size_0:
called_computation_lowered:
.L_overlay_start_0:
0x88: {  	s2 =	sld [smem:$0x3FD9]  }
0x89: {  	s3 =	sld [smem:$0x3FFE];
	_ =	sdelay $0x1  }
0x8a: {  	s1 =	srdreg.scid  }
0x8b: {  	s0 =	sand.u32 $0x1, s1  }
0x8c: {  	s16 =	sshll.u32 s0, $0xA;
	s2 =	sadd.s32 s3, s2  }
0x8d: {  	s2 =	sadd.s32 s2, s16  }
0x8e: {  	[smem:$0x3FB8] =	sst s2  }
0x8f: {  	_ = 	snop  }
0x90: {  	(tm) =	ssettm $0x1  }
0x91: {  	s17 =	sld [smem:$0x3FFB];
	_ =	sdelay $0x3  }
0x92: {  	_ =	strace s17  }
0x93: {  	s2 =	sld [smem:$0x3FFC];
	_ =	sdelay $0x3  }
0x94: {  	_ =	strace s2  }
0x95: {  	s2 =	sld [smem:$0x3FFD];
	_ =	sdelay $0x3  }
0x96: {  	_ =	strace s2  }
0x97: {  	_ =	strace $0x8FFFFFFF  }
0x98: {  	s18 =	sld [smem:$0x3FDB];
	_ =	sdelay $0x1  }
0x99: {  	s19 =	simm.s32 $_scs_section_size  }
0x9a: {  	s4 =	simm.s32 $_size__tile_overlayer_lowered;
	s5 =	simm.s32 $_tile_overlayer_lowered  }
0x9b: {  	s22 =	simm.s32 $0x1BFF;
	s21 =	sshll.u32 s5, $0x1;
	s2 =	sadd.s32 s19, s18  }
0x9c: {  	s6 =	simm.s32 $0x0;
	s20 =	sshll.u32 s4, $0x1;
	s4 =	sadd.s32 s21, s2  }
0x9d: {  	[timem:s6], [sflag:s22] =	dma.local [hbm:s4], s20  }
0x9e: {  	_ =	swait.ge [sflag:s22], s20  }
0x9f: {  	s3 =	ssub.s32 $0x0, s20;
	[sflag:s22] =	ssyncset.done $0x0  }
0xa0: {  	[sflag:s22] =	ssyncadd.s32 s3;
	_ =	sdelay $0x1  }
0xa1: {  	s23 =	simm.s32 $0x1B8B  }
0xa2: {  	_ =	swait.ge [sflag:s23], $0x1  }
0xa3: {  	[sflag:s23] =	ssyncset.done $0x0  }
0xa4: {  	s25 =	simm.s32 $0x1B8E;
	s24 =	sld [smem:$0x3FFE];
	[sflag:s23] =	ssyncadd.s32 $0xFFFFFFFF  }
0xa5: {  	s26 =	simm.s32 $execute0_lowered;
	[smem:$0x3FD2] =	sst s25  }
0xa6: {  	s4 =	sshll.u32 s26, $0x1;
	_ =	strace $0x80000046;
	[dreg:$0x1] =	wrdreg $0xFFFFFFFF  }
0xa7: {  	s28 =	simm.s32 $_size_execute0_lowered;
	s2 =	sadd.s32 s2, s4;
	[dreg:$0x0] =	wrdreg $0x0  }
0xa8: {  	s4 =	sshll.u32 s28, $0x1;
	[dreg:$0x2] =	wrdreg s2  }
0xa9: {  	[dreg:$0x3] =	wrdreg s4  }
0xaa: {  	[dreg:$0x4] =	wrdreg $0xC0  }
0xab: {  	_ =	task [dreg:s6], $0x5FFFF  }
0xac: {  	[dreg:$0x1] =	wrdreg $0xFFFFFFFF  }
0xad: {  	[dreg:$0x0] =	wrdreg $0x60  }
0xae: {  	[dreg:$0x2] =	wrdreg s24  }
0xaf: {  	[dreg:$0x3] =	wrdreg $0xA0000  }
0xb0: {  	[dreg:$0x4] =	wrdreg $0x9  }
0xb1: {  	_ =	task.clear_ibuf [dreg:s6], $0x5FFFF;
	_ =	strace $0x90000046  }
0xb2: {  	s29 =	simm.s32 $0x9;
	_ =	strace $0x80000048  }
0xb3: {  	_ =	swait.ge [sflag:s29], $0x1  }
0xb4: {  	[sflag:s29] =	ssyncadd.s32 $0xFFFFFFFF  }
0xb5: {  	_ =	strace $0x90000048  }
0xb6: {  	_ =	sfence  }
0xb7: {  	s30 =	sld [smem:$0x0];
	_ =	sdelay $0x2  }
0xb8: {  	s31 =	sshll.u32 s1, $0xD;
	s1 =	sshrl.u32 s1, $0x2  }
0xb9: {  	s3 =	sand.u32 $0x4000, s31;
	s1 =	sadd.s32 s1, s30  }
0xba: {  	s0 =	sor.u32 s3, s0;
	s1 =	sshll.u32 s1, $0x11  }
0xbb: {  	s0 =	sor.u32 s1, s0  }
0xbc: {  	s0 =	sadd.s32 $0x8F2B, s0  }
0xbd: {  	[sflag:s0] =	ssyncadd.remote.s32 $0x1  }
0xbe: {  	_ =	sfence.sel $0xFFFF  }
0xbf: {  	[dreg:$0x0] =	wrdreg $0xFFFFFFFF;
	(pc) =	sbr.abs _section_cstart, $3  }
0xc0: {  	[dreg:$0x1] =	wrdreg $0xFFFFFFFF  }
0xc1: {  	_ =	task.clear_ibuf [dreg:s6], $0x2FFFF;
	_ =	strace $0x9FFFFFFF  }
0xc2: {  	(tm) =	ssettm $0x7FFFFFFF  }
0xc3: {  	_ =	shalt  }
tec
execute0_lowered:
.L_overlay_start_1:
0x0: {  	(tag) =	ssettag $0x1  }
0x1: {  	s6 =	rddreg [dreg:$0x0]  }
0x2: {  	s0 =	srdreg.scid;
	s2 =	rddreg [dreg:$0x1]  }
0x3: {  	s1 =	rddreg [dreg:$0x2];
	s8 =	sand.u32 $0x1, s0  }
0x4: {  	s3 =	simm.s32 $0x0;
	s0 =	stileid.u32;
	s4 =	smul.u32 $0x30000, s8  }
0x5: {  	s15 =	simm.s32 $0x6000;
	s16 =	simm.s32 $0x1;
	s5 =	smul.u32 $0x3000, s0  }
0x6: {  	s17 =	simm.s32 $0x0;
	[smem:$0x7FF] =	sst s3;
	s7 =	smul.u32 $0x2780, s0  }
0x7: {  	s9 =	smul.u32 $0x27800, s8;
	_ =	strace $0x80000047;
	s28 =	ssub.s32 $0x2, s8  }
0x8: {  	s12 =	smul.u32 $0x4F000, s0;
	p0 =	seq.s32 s8, $0x0;
	s8 =	simm.s32 $0x40  }
0x9: {  	s31 =	sshll.u32 s0, $0x6;
	s29 =	sshrl.u32 s28, $0x1;
	s8 =	simm.s32 @!p0 $0x5D  }
0xa: {  	s4 =	sadd.s32 s5, s4;
	s7 =	sadd.s32 s7, s9;
	s13 =	ssub.s32 s28, s29  }
0xb: {  	s30 =	sshrl.u32 s12, $0x2;
	s12 =	sor.u32 $0x1C02, s31;
	s5 =	sshrl.u32 s4, $0x3  }
0xc: {  	s4 =	sadd.s32 $0x20600, s6;
	s11 =	sadd.s32 s7, s6;
	s14 =	sadd.s32 s30, s2  }
0xd: {  	s10 =	sadd.s32 s5, s6;
	s5 =	sadd.s32 $0x1DE00, s6;
	s9 =	sadd.s32 $0x47800, s11  }
0xe: {  	s11 =	simm.s32 $0x2;
	s6 =	sadd.s32 $0x5E00, s10;
	s7 =	sadd.s32 $0x11E00, s10  }
0xf: {  	s10 =	smax.u32 s13, $0x1;
	s13 =	sshrl.u32 s14, $0x3;
	s14 =	simm.s32 $0x80  }
.LBB2_1:
0x10: {  	[tilespmem:s3], [sflag:$0x2] =	stream.linear.gather [hbm4b:s6+s3], $0x2E80, $0x38;
	[tilespmem:$0x1DC00] =	vst v63  }
0x11: {  	_ =	swait.ge [sflag:s11], $0x2E80  }
0x12: {  	[sflag:s11] =	ssyncset.done $0x0  }
0x13: {  	s18 =	simm.s32 $0x3000;
	[sflag:s11] =	ssyncadd.s32 $0xFFFFD180  }
0x14: {  	[tilespmem:s18], [sflag:$0x2] =	stream.linear.gather [hbm4b:s7+s3], $0x2E80, $0x38;
	[tilespmem:$0x1DC00] =	vst v63  }
0x15: {  	_ =	swait.ge [sflag:s11], $0x2E80  }
0x16: {  	[sflag:s11] =	ssyncset.done $0x0  }
0x17: {  	[sflag:s11] =	ssyncadd.s32 $0xFFFFD180  }
0x18: {  	[spmem:s13], [sflag:s12] =	dma.local [hbm:s5], $0x2780  }
0x19: {  	_ =	swait.ge [sflag:s11], $0x2780  }
0x1a: {  	[sflag:s11] =	ssyncset.done $0x0  }
0x1b: {  	[sflag:s11] =	ssyncadd.s32 $0xFFFFD880  }
0x1c: {  	[bflag:$0x0] =	sbarrier.arrive $0xFFFF  }
0x1d: {  	[tilespmem:s15], [sflag:$0x1] =	stream.indirect.gather [hbm4b:s4+s14], $0x80, s3, s14, $0xb8;
	[tilespmem:$0x1DC00] =	vst v63  }
0x1e: {  	p0 =	sne.s32 s8, $0x1;
	_ =	swait.ge [sflag:s16], $0x4000  }
.Ltmp0:
0x1f: {  	[sflag:s16] =	ssyncset.done $0x0;
	(pc) =	sbr.rel @!p0 .LBB2_3-.Ltmp0, $4  }
0x20: {  	[sflag:s16] =	ssyncadd.s32 $0xFFFFC000  }
0x21: {  	[spmem:s2] =	stream.indirect.scatter.add.f32 [tilespmem:s15], [sflag:$0x2], $0x80, s18, s14, $0xb8;
	[tilespmem:$0x1DC00] =	vst v63  }
0x22: {  	_ =	swait.ge [sflag:s11], $0x4000  }
0x23: {  	s19 =	sadd.s32 $0xFFFFFFFF, s8;
	s20 =	simm.s32 $0x0;
	[sflag:s11] =	ssyncset.done $0x0  }
.LBB2_2:
0x24: {  	[sflag:s11] =	ssyncadd.s32 $0xFFFFC000;
	s20 =	sadd.s32 $0x80, s20;
	s18 =	sadd.s32 $0x80, s18  }
0x25: {  	[tilespmem:s15], [sflag:$0x1] =	stream.indirect.gather [hbm4b:s4+s14], $0x80, s20, s14, $0xb8;
	[tilespmem:$0x1DC00] =	vst v63  }
0x26: {  	p0 =	sne.s32 s19, $0x1;
	s19 =	sadd.s32 $0xFFFFFFFF, s19;
	_ =	swait.ge [sflag:s16], $0x4000  }
.Ltmp1:
0x27: {  	[sflag:s16] =	ssyncset.done $0x0;
	(pc) =	sbr.rel @p0 .LBB2_2-.Ltmp1, $4  }
0x28: {  	[sflag:s16] =	ssyncadd.s32 $0xFFFFC000  }
0x29: {  	[spmem:s2] =	stream.indirect.scatter.add.f32 [tilespmem:s15], [sflag:$0x2], $0x80, s18, s14, $0xb8;
	[tilespmem:$0x1DC00] =	vst v63  }
0x2a: {  	_ =	swait.ge [sflag:s11], $0x4000  }
0x2b: {  	[sflag:s11] =	ssyncset.done $0x0  }
.LBB2_3:
0x2c: {  	s17 =	sadd.s32 $0x1, s17  }
0x2d: {  	[sflag:s11] =	ssyncadd.s32 $0xFFFFC000;
	p0 =	sne.s32 s17, s10  }
.Ltmp2:
0x2e: {  	[bflag:$0x0] =	sbarrier.arrive $0xFFFF;
	(pc) =	sbr.rel @p0 .LBB2_1-.Ltmp2, $4  }
0x2f: {  	[hbm:s9], [sflag:s12] =	dma.local [spmem:s13], $0x2780  }
0x30: {  	_ =	swait.ge [sflag:s11], $0x2780  }
0x31: {  	[sflag:s11] =	ssyncset.done $0x0  }
0x32: {  	[sflag:s11] =	ssyncadd.s32 $0xFFFFD880  }
0x33: {  	_ =	sfence.sel $0x180000  }
0x34: {  	[bflag:$0x0] =	sbarrier.arrive $0xFFFF  }
0x35: {  	p0 =	sne.s32 s0, $0x0;
	_ =	strace $0x90000047  }
0x36: {  	s0 =	sadd.s32 @!p0 $0x100000, s1;
	[bflag:$0x2] =	sbarrier.arrive $0xFFFF  }
0x37: {  	[sflag:s0] =	ssyncadd.tile.s32 @!p0 $0x1;
	_ =	shalt  }
.Lfunc_end2:
_tile_overlayer_lowered:
.L_overlay_start_2:
0x38: {  	(tag) =	ssettag $0x2  }
0x39: {  	s0 =	rddreg [dreg:$0x0];
	s2 =	stileid.u32  }
0x3a: {  	s1 =	rddreg [dreg:$0x1];
	p0 =	sne.s32 s2, $0x0  }
0x3b: {  	s3 =	rddreg [dreg:$0x2];
	[bflag:$0x3] =	sbarrier.arrive $0xFFFF;
	s2 =	simm.s32 @!p0 $0x1C02  }
0x3c: {  	[timem:s3], [sflag:s2] =	dma.local @!p0 [hbm:s0], s1  }
0x3d: {  	s0 =	simm.s32 @!p0 $0x2  }
0x3e: {  	_ =	swait.ge @!p0 [sflag:s0], s1  }
0x3f: {  	s1 =	ssub.s32 @!p0 $0x0, s1;
	[sflag:s0] =	ssyncset.done @!p0 $0x0  }
0x40: {  	[sflag:s0] =	ssyncadd.s32 @!p0 s1  }
0x41: {  	[bflag:$0x3] =	sbarrier.arrive $0xFFFF  }
0x42: {  	_ =	shalt  }

// kernel: kernel.19.cloned.1.call-start
scs
__scs_entry_jumppad:
0x0: {  	(pc) =	sbr.rel $0x88, $3  }
0x1: {  	(tag) =	ssettag $0x0;
	lr =	simm.s32 $0x1  }
0x2: {  	[smem:$0x3F91] =	sst lr;
	_ =	strace $0xD0000000  }
0x3: {  	_ = 	snop  }
0x4: {  	_ = 	snop  }
0x5: {  	_ = 	snop  }
0x6: {  	_ = 	snop  }
0x7: {  	_ = 	snop  }
__scs_overlays_trampoline_lowered:
0x8: {  	[smem:$0x3FA0] =	sst s0  }
0x9: {  	[smem:$0x3FA1] =	sst s1  }
0xa: {  	[smem:$0x3FA2] =	sst s2  }
0xb: {  	[smem:$0x3FA3] =	sst s3  }
0xc: {  	[smem:$0x3FA4] =	sst s4  }
0xd: {  	[smem:$0x3FA5] =	sst s5  }
0xe: {  	[smem:$0x3FA6] =	sst s6  }
0xf: {  	[smem:$0x3FA7] =	sst s7  }
0x10: {  	[smem:$0x3FA8] =	sst s8  }
0x11: {  	[smem:$0x3FA9] =	sst s9;
	s0 =	simm.s32 @!p0 $0x0  }
0x12: {  	s1 =	sld [smem:$0x3F8F];
	s0 =	simm.s32 @p0 $0x1  }
0x13: {  	[smem:$0x3FAA] =	sst s0;
	s0 =	simm.s32 @!p1 $0x0  }
0x14: {  	s2 =	sld [smem:$0x3F8E];
	s0 =	simm.s32 @p1 $0x1  }
0x15: {  	[smem:$0x3FAB] =	sst s0;
	s0 =	simm.s32 @!p2 $0x0  }
0x16: {  	s3 =	sld [smem:$0x3FDB];
	s0 =	simm.s32 @p2 $0x1  }
0x17: {  	s4 =	simm.s32 $0x1BF5;
	[smem:$0x3FAD] =	sst s0  }
0x18: {  	s0 =	sld [smem:$0x3F90];
	_ =	swait.ge [sflag:s4], $0x0  }
0x19: {  	s7 =	sld [smem:$0x3F91]  }
0x1a: {  	s8 =	sadd.s32 $0xFFFFE003, lr  }
0x1b: {  	s9 =	sadd.s32 $0xFFFFFEF7, lr;
	s5 =	simm.s32 $0xFFFFFFFF;
	p2 =	slt.u32 s8, $0xFFFFF086  }
0x1c: {  	p1 =	slt.u32 s9, $0xF7A;
	s5 =	simm.s32 @!p2 $0x0  }
0x1d: {  	s5 =	simm.s32 @p1 $0x1;
	p0 =	seq.s32 s7, s2  }
0x1e: {  	s7 =	smul.u32 @!p0 $0xF7A, s2;
	p2 =	seq.s32 @!p0 s5, $0x0  }
0x1f: {  	s9 =	smul.u32 $0xF7A, s1;
	s8 =	simm.s32 @!p0 $0x1BF5;
	p2 =	por !p2, p0  }
0x20: {  	[sflag:s8] =	ssyncset.s32 @!p0 $0xFFFFF086;
	s6 =	sadd.s32 @!p0 s3, s7;
	s7 =	simm.s32 @!p0 $0x108  }
0x21: {  	s3 =	sadd.s32 s3, s9;
	s6 =	sadd.s32 @!p0 $0x88, s6;
	s7 =	simm.s32 @p2 $0x1082  }
0x22: {  	[simem:s7], [sflag:s8] =	dma.local @!p0 [hbm:s6], $0xF7A  }
0x23: {  	s9 =	sor.u32 $0xD0000000, s2;
	s6 =	simm.s32 $0x108;
	_ =	swait.ge @!p0 [sflag:s8], $0x0  }
0x24: {  	s3 =	sadd.s32 $0x88, s3;
	s6 =	simm.s32 @!p1 $0x1082;
	[sflag:s4] =	ssyncset.s32 $0xFFFFF086  }
0x25: {  	[simem:s6], [sflag:s4] =	dma.local [hbm:s3], $0xF7A  }
0x26: {  	[smem:$0x3F91] =	sst s1;
	(tag) =	ssettag s2;
	_ =	strace s9  }
0x27: {  	s1 =	sld [smem:$0x3FA1]  }
0x28: {  	s2 =	sld [smem:$0x3FA2]  }
0x29: {  	s4 =	sld [smem:$0x3FA4]  }
0x2a: {  	p0 =	seq.s32 s5, $0x0;
	s5 =	sld [smem:$0x3FA5]  }
0x2b: {  	s6 =	sld [smem:$0x3FA6]  }
0x2c: {  	s7 =	sld [smem:$0x3FA7]  }
0x2d: {  	s3 =	simm.s32 $0x108;
	s8 =	sld [smem:$0x3FA8]  }
0x2e: {  	s3 =	simm.s32 @!p0 $0x1082;
	s9 =	sld [smem:$0x3FA9]  }
0x2f: {  	lr =	sadd.s32 s0, s3;
	s0 =	sld [smem:$0x3FA0]  }
0x30: {  	s3 =	sld [smem:$0x3FA3]  }
0x31: {  	[smem:$0x3FAC] =	sst s10  }
0x32: {  	s10 =	sld [smem:$0x3FAA];
	_ =	sdelay $0x3  }
0x33: {  	p0 =	seq.s32 s10, $0x1;
	s10 =	sld [smem:$0x3FAC];
	_ =	sdelay $0x3  }
0x34: {  	[smem:$0x3FAC] =	sst s10  }
0x35: {  	s10 =	sld [smem:$0x3FAB];
	_ =	sdelay $0x3  }
0x36: {  	p1 =	seq.s32 s10, $0x1;
	s10 =	sld [smem:$0x3FAC];
	_ =	sdelay $0x3  }
0x37: {  	[smem:$0x3FAC] =	sst s10  }
0x38: {  	s10 =	sld [smem:$0x3FAD]  }
0x39: {  	_ = 	snop;
	(pc) =	sbr.ind lr, $3  }
0x3a: {  	_ = 	snop  }
0x3b: {  	_ = 	snop  }
0x3c: {  	p2 =	seq.s32 s10, $0x1;
	s10 =	sld [smem:$0x3FAC]  }
0x3d: {  	_ =	shalt  }
0x3e: {  	_ =	shalt  }
0x3f: {  	_ =	shalt  }
0x40: {  	_ =	shalt  }
0x41: {  	_ =	shalt  }
0x42: {  	_ =	shalt  }
0x43: {  	_ =	shalt  }
0x44: {  	_ =	shalt  }
0x45: {  	_ =	shalt  }
0x46: {  	_ =	shalt  }
0x47: {  	_ =	shalt  }
0x48: {  	_ =	shalt  }
0x49: {  	_ =	shalt  }
0x4a: {  	_ =	shalt  }
0x4b: {  	_ =	shalt  }
0x4c: {  	_ =	shalt  }
0x4d: {  	_ =	shalt  }
0x4e: {  	_ =	shalt  }
0x4f: {  	_ =	shalt  }
0x50: {  	_ =	shalt  }
0x51: {  	_ =	shalt  }
0x52: {  	_ =	shalt  }
0x53: {  	_ =	shalt  }
0x54: {  	_ =	shalt  }
0x55: {  	_ =	shalt  }
0x56: {  	_ =	shalt  }
0x57: {  	_ =	shalt  }
0x58: {  	_ =	shalt  }
0x59: {  	_ =	shalt  }
0x5a: {  	_ =	shalt  }
0x5b: {  	_ =	shalt  }
0x5c: {  	_ =	shalt  }
0x5d: {  	_ =	shalt  }
0x5e: {  	_ =	shalt  }
0x5f: {  	_ =	shalt  }
0x60: {  	_ =	shalt  }
0x61: {  	_ =	shalt  }
0x62: {  	_ =	shalt  }
0x63: {  	_ =	shalt  }
0x64: {  	_ =	shalt  }
0x65: {  	_ =	shalt  }
0x66: {  	_ =	shalt  }
0x67: {  	_ =	shalt  }
0x68: {  	_ =	shalt  }
0x69: {  	_ =	shalt  }
0x6a: {  	_ =	shalt  }
0x6b: {  	_ =	shalt  }
0x6c: {  	_ =	shalt  }
0x6d: {  	_ =	shalt  }
0x6e: {  	_ =	shalt  }
0x6f: {  	_ =	shalt  }
0x70: {  	_ =	shalt  }
0x71: {  	_ =	shalt  }
0x72: {  	_ =	shalt  }
0x73: {  	_ =	shalt  }
0x74: {  	_ =	shalt  }
0x75: {  	_ =	shalt  }
0x76: {  	_ =	shalt  }
0x77: {  	_ =	shalt  }
0x78: {  	_ =	shalt  }
0x79: {  	_ =	shalt  }
0x7a: {  	_ =	shalt  }
0x7b: {  	_ =	shalt  }
0x7c: {  	_ =	shalt  }
0x7d: {  	_ =	shalt  }
0x7e: {  	_ =	shalt  }
0x7f: {  	_ =	shalt  }
0x80: {  	_ =	shalt  }
0x81: {  	_ =	shalt  }
0x82: {  	_ =	shalt  }
0x83: {  	_ =	shalt  }
0x84: {  	_ =	shalt  }
0x85: {  	_ =	shalt  }
0x86: {  	_ =	shalt  }
0x87: {  	_ =	shalt  }
.Lfunc_end0:
.L_simem_size_0:
called_computation.1_lowered:
.L_overlay_start_0:
0x88: {  	s2 =	sld [smem:$0x3FD9]  }
0x89: {  	s3 =	sld [smem:$0x3FFE];
	_ =	sdelay $0x1  }
0x8a: {  	s1 =	srdreg.scid  }
0x8b: {  	s0 =	sand.u32 $0x1, s1  }
0x8c: {  	s16 =	sshll.u32 s0, $0xA;
	s2 =	sadd.s32 s3, s2  }
0x8d: {  	s2 =	sadd.s32 s2, s16  }
0x8e: {  	[smem:$0x3FB8] =	sst s2  }
0x8f: {  	_ = 	snop  }
0x90: {  	(tm) =	ssettm $0x1  }
0x91: {  	s17 =	sld [smem:$0x3FFB];
	_ =	sdelay $0x3  }
0x92: {  	_ =	strace s17  }
0x93: {  	s2 =	sld [smem:$0x3FFC];
	_ =	sdelay $0x3  }
0x94: {  	_ =	strace s2  }
0x95: {  	s2 =	sld [smem:$0x3FFD];
	_ =	sdelay $0x3  }
0x96: {  	_ =	strace s2  }
0x97: {  	_ =	strace $0x8FFFFFFF  }
0x98: {  	s18 =	sld [smem:$0x3FDB];
	_ =	sdelay $0x1  }
0x99: {  	s19 =	simm.s32 $_scs_section_size  }
0x9a: {  	s4 =	simm.s32 $_size__tile_overlayer_lowered;
	s5 =	simm.s32 $_tile_overlayer_lowered  }
0x9b: {  	s22 =	simm.s32 $0x1BFF;
	s21 =	sshll.u32 s5, $0x1;
	s2 =	sadd.s32 s19, s18  }
0x9c: {  	s6 =	simm.s32 $0x0;
	s20 =	sshll.u32 s4, $0x1;
	s4 =	sadd.s32 s21, s2  }
0x9d: {  	[timem:s6], [sflag:s22] =	dma.local [hbm:s4], s20  }
0x9e: {  	_ =	swait.ge [sflag:s22], s20  }
0x9f: {  	s3 =	ssub.s32 $0x0, s20;
	[sflag:s22] =	ssyncset.done $0x0  }
0xa0: {  	[sflag:s22] =	ssyncadd.s32 s3;
	_ =	sdelay $0x1  }
0xa1: {  	s23 =	simm.s32 $0x1B8B  }
0xa2: {  	_ =	swait.ge [sflag:s23], $0x1  }
0xa3: {  	[sflag:s23] =	ssyncset.done $0x0  }
0xa4: {  	s25 =	simm.s32 $0x1B8E;
	s24 =	sld [smem:$0x3FFE];
	[sflag:s23] =	ssyncadd.s32 $0xFFFFFFFF  }
0xa5: {  	s26 =	simm.s32 $execute0_lowered;
	[smem:$0x3FD2] =	sst s25  }
0xa6: {  	s4 =	sshll.u32 s26, $0x1;
	_ =	strace $0x80000049;
	[dreg:$0x1] =	wrdreg $0xFFFFFFFF  }
0xa7: {  	s28 =	simm.s32 $_size_execute0_lowered;
	s2 =	sadd.s32 s2, s4;
	[dreg:$0x0] =	wrdreg $0x0  }
0xa8: {  	s4 =	sshll.u32 s28, $0x1;
	[dreg:$0x2] =	wrdreg s2  }
0xa9: {  	[dreg:$0x3] =	wrdreg s4  }
0xaa: {  	[dreg:$0x4] =	wrdreg $0xC0  }
0xab: {  	_ =	task [dreg:s6], $0x5FFFF  }
0xac: {  	[dreg:$0x1] =	wrdreg $0xFFFFFFFF  }
0xad: {  	[dreg:$0x0] =	wrdreg $0x60  }
0xae: {  	[dreg:$0x2] =	wrdreg s24  }
0xaf: {  	[dreg:$0x3] =	wrdreg $0xA0000  }
0xb0: {  	[dreg:$0x4] =	wrdreg $0x9  }
0xb1: {  	_ =	task.clear_ibuf [dreg:s6], $0x5FFFF;
	_ =	strace $0x90000049  }
0xb2: {  	s29 =	simm.s32 $0x9;
	_ =	strace $0x8000004B  }
0xb3: {  	_ =	swait.ge [sflag:s29], $0x1  }
0xb4: {  	[sflag:s29] =	ssyncadd.s32 $0xFFFFFFFF  }
0xb5: {  	_ =	strace $0x9000004B  }
0xb6: {  	_ =	sfence  }
0xb7: {  	s30 =	sld [smem:$0x0];
	_ =	sdelay $0x2  }
0xb8: {  	s31 =	sshll.u32 s1, $0xD;
	s1 =	sshrl.u32 s1, $0x2  }
0xb9: {  	s3 =	sand.u32 $0x4000, s31;
	s1 =	sadd.s32 s1, s30  }
0xba: {  	s0 =	sor.u32 s3, s0;
	s1 =	sshll.u32 s1, $0x11  }
0xbb: {  	s0 =	sor.u32 s1, s0  }
0xbc: {  	s0 =	sadd.s32 $0x8F2B, s0  }
0xbd: {  	[sflag:s0] =	ssyncadd.remote.s32 $0x1  }
0xbe: {  	_ =	sfence.sel $0xFFFF  }
0xbf: {  	[dreg:$0x0] =	wrdreg $0xFFFFFFFF;
	(pc) =	sbr.abs _section_cstart, $3  }
0xc0: {  	[dreg:$0x1] =	wrdreg $0xFFFFFFFF  }
0xc1: {  	_ =	task.clear_ibuf [dreg:s6], $0x2FFFF;
	_ =	strace $0x9FFFFFFF  }
0xc2: {  	(tm) =	ssettm $0x7FFFFFFF  }
0xc3: {  	_ =	shalt  }
tec
execute0_lowered:
.L_overlay_start_1:
0x0: {  	(tag) =	ssettag $0x1  }
0x1: {  	s6 =	rddreg [dreg:$0x0]  }
0x2: {  	s0 =	srdreg.scid;
	s2 =	rddreg [dreg:$0x1]  }
0x3: {  	s1 =	rddreg [dreg:$0x2];
	s8 =	sand.u32 $0x1, s0  }
0x4: {  	s3 =	simm.s32 $0x0;
	s0 =	stileid.u32;
	s4 =	smul.u32 $0x30000, s8  }
0x5: {  	s15 =	simm.s32 $0x6000;
	s16 =	simm.s32 $0x1;
	s5 =	smul.u32 $0x3000, s0  }
0x6: {  	s17 =	simm.s32 $0x0;
	[smem:$0x7FF] =	sst s3;
	s7 =	smul.u32 $0x2780, s0  }
0x7: {  	s9 =	smul.u32 $0x27800, s8;
	_ =	strace $0x8000004A;
	s28 =	ssub.s32 $0x2, s8  }
0x8: {  	s12 =	smul.u32 $0x4F000, s0;
	p0 =	seq.s32 s8, $0x0;
	s8 =	simm.s32 $0x40  }
0x9: {  	s31 =	sshll.u32 s0, $0x6;
	s29 =	sshrl.u32 s28, $0x1;
	s8 =	simm.s32 @!p0 $0x5D  }
0xa: {  	s4 =	sadd.s32 s5, s4;
	s7 =	sadd.s32 s7, s9;
	s13 =	ssub.s32 s28, s29  }
0xb: {  	s30 =	sshrl.u32 s12, $0x2;
	s12 =	sor.u32 $0x1C02, s31;
	s5 =	sshrl.u32 s4, $0x3  }
0xc: {  	s4 =	sadd.s32 $0x20600, s6;
	s11 =	sadd.s32 s7, s6;
	s14 =	sadd.s32 s30, s2  }
0xd: {  	s10 =	sadd.s32 s5, s6;
	s5 =	sadd.s32 $0x1DE00, s6;
	s9 =	sadd.s32 $0x96800, s11  }
0xe: {  	s11 =	simm.s32 $0x2;
	s6 =	sadd.s32 $0x5E00, s10;
	s7 =	sadd.s32 $0x11E00, s10  }
0xf: {  	s10 =	smax.u32 s13, $0x1;
	s13 =	sshrl.u32 s14, $0x3;
	s14 =	simm.s32 $0x80  }
.LBB2_1:
0x10: {  	[tilespmem:s3], [sflag:$0x2] =	stream.linear.gather [hbm4b:s6+s3], $0x2E80, $0x38;
	[tilespmem:$0x1DC00] =	vst v63  }
0x11: {  	_ =	swait.ge [sflag:s11], $0x2E80  }
0x12: {  	[sflag:s11] =	ssyncset.done $0x0  }
0x13: {  	s18 =	simm.s32 $0x3000;
	[sflag:s11] =	ssyncadd.s32 $0xFFFFD180  }
0x14: {  	[tilespmem:s18], [sflag:$0x2] =	stream.linear.gather [hbm4b:s7+s3], $0x2E80, $0x38;
	[tilespmem:$0x1DC00] =	vst v63  }
0x15: {  	_ =	swait.ge [sflag:s11], $0x2E80  }
0x16: {  	[sflag:s11] =	ssyncset.done $0x0  }
0x17: {  	[sflag:s11] =	ssyncadd.s32 $0xFFFFD180  }
0x18: {  	[spmem:s13], [sflag:s12] =	dma.local [hbm:s5], $0x2780  }
0x19: {  	_ =	swait.ge [sflag:s11], $0x2780  }
0x1a: {  	[sflag:s11] =	ssyncset.done $0x0  }
0x1b: {  	[sflag:s11] =	ssyncadd.s32 $0xFFFFD880  }
0x1c: {  	[bflag:$0x0] =	sbarrier.arrive $0xFFFF  }
0x1d: {  	[tilespmem:s15], [sflag:$0x1] =	stream.indirect.gather [hbm4b:s4+s14], $0x80, s3, s14, $0xb8;
	[tilespmem:$0x1DC00] =	vst v63  }
0x1e: {  	p0 =	sne.s32 s8, $0x1;
	_ =	swait.ge [sflag:s16], $0x4000  }
.Ltmp0:
0x1f: {  	[sflag:s16] =	ssyncset.done $0x0;
	(pc) =	sbr.rel @!p0 .LBB2_3-.Ltmp0, $4  }
0x20: {  	[sflag:s16] =	ssyncadd.s32 $0xFFFFC000  }
0x21: {  	[spmem:s2] =	stream.indirect.scatter.add.f32 [tilespmem:s15], [sflag:$0x2], $0x80, s18, s14, $0xb8;
	[tilespmem:$0x1DC00] =	vst v63  }
0x22: {  	_ =	swait.ge [sflag:s11], $0x4000  }
0x23: {  	s19 =	sadd.s32 $0xFFFFFFFF, s8;
	s20 =	simm.s32 $0x0;
	[sflag:s11] =	ssyncset.done $0x0  }
.LBB2_2:
0x24: {  	[sflag:s11] =	ssyncadd.s32 $0xFFFFC000;
	s20 =	sadd.s32 $0x80, s20;
	s18 =	sadd.s32 $0x80, s18  }
0x25: {  	[tilespmem:s15], [sflag:$0x1] =	stream.indirect.gather [hbm4b:s4+s14], $0x80, s20, s14, $0xb8;
	[tilespmem:$0x1DC00] =	vst v63  }
0x26: {  	p0 =	sne.s32 s19, $0x1;
	s19 =	sadd.s32 $0xFFFFFFFF, s19;
	_ =	swait.ge [sflag:s16], $0x4000  }
.Ltmp1:
0x27: {  	[sflag:s16] =	ssyncset.done $0x0;
	(pc) =	sbr.rel @p0 .LBB2_2-.Ltmp1, $4  }
0x28: {  	[sflag:s16] =	ssyncadd.s32 $0xFFFFC000  }
0x29: {  	[spmem:s2] =	stream.indirect.scatter.add.f32 [tilespmem:s15], [sflag:$0x2], $0x80, s18, s14, $0xb8;
	[tilespmem:$0x1DC00] =	vst v63  }
0x2a: {  	_ =	swait.ge [sflag:s11], $0x4000  }
0x2b: {  	[sflag:s11] =	ssyncset.done $0x0  }
.LBB2_3:
0x2c: {  	s17 =	sadd.s32 $0x1, s17  }
0x2d: {  	[sflag:s11] =	ssyncadd.s32 $0xFFFFC000;
	p0 =	sne.s32 s17, s10  }
.Ltmp2:
0x2e: {  	[bflag:$0x0] =	sbarrier.arrive $0xFFFF;
	(pc) =	sbr.rel @p0 .LBB2_1-.Ltmp2, $4  }
0x2f: {  	[hbm:s9], [sflag:s12] =	dma.local [spmem:s13], $0x2780  }
0x30: {  	_ =	swait.ge [sflag:s11], $0x2780  }
0x31: {  	[sflag:s11] =	ssyncset.done $0x0  }
0x32: {  	[sflag:s11] =	ssyncadd.s32 $0xFFFFD880  }
0x33: {  	_ =	sfence.sel $0x180000  }
0x34: {  	[bflag:$0x0] =	sbarrier.arrive $0xFFFF  }
0x35: {  	p0 =	sne.s32 s0, $0x0;
	_ =	strace $0x9000004A  }
0x36: {  	s0 =	sadd.s32 @!p0 $0x100000, s1;
	[bflag:$0x2] =	sbarrier.arrive $0xFFFF  }
0x37: {  	[sflag:s0] =	ssyncadd.tile.s32 @!p0 $0x1;
	_ =	shalt  }
.Lfunc_end2:
_tile_overlayer_lowered:
.L_overlay_start_2:
0x38: {  	(tag) =	ssettag $0x2  }
0x39: {  	s0 =	rddreg [dreg:$0x0];
	s2 =	stileid.u32  }
0x3a: {  	s1 =	rddreg [dreg:$0x1];
	p0 =	sne.s32 s2, $0x0  }
0x3b: {  	s3 =	rddreg [dreg:$0x2];
	[bflag:$0x3] =	sbarrier.arrive $0xFFFF;
	s2 =	simm.s32 @!p0 $0x1C02  }
0x3c: {  	[timem:s3], [sflag:s2] =	dma.local @!p0 [hbm:s0], s1  }
0x3d: {  	s0 =	simm.s32 @!p0 $0x2  }
0x3e: {  	_ =	swait.ge @!p0 [sflag:s0], s1  }
0x3f: {  	s1 =	ssub.s32 @!p0 $0x0, s1;
	[sflag:s0] =	ssyncset.done @!p0 $0x0  }
0x40: {  	[sflag:s0] =	ssyncadd.s32 @!p0 s1  }
0x41: {  	[bflag:$0x3] =	sbarrier.arrive $0xFFFF  }
0x42: {  	_ =	shalt  }

// kernel: kernel.22.cloned.1.call-start
scs
__scs_entry_jumppad:
0x0: {  	(pc) =	sbr.rel $0x88, $3  }
0x1: {  	(tag) =	ssettag $0x0;
	lr =	simm.s32 $0x1  }
0x2: {  	[smem:$0x3F91] =	sst lr;
	_ =	strace $0xD0000000  }
0x3: {  	_ = 	snop  }
0x4: {  	_ = 	snop  }
0x5: {  	_ = 	snop  }
0x6: {  	_ = 	snop  }
0x7: {  	_ = 	snop  }
__scs_overlays_trampoline_lowered:
0x8: {  	[smem:$0x3FA0] =	sst s0  }
0x9: {  	[smem:$0x3FA1] =	sst s1  }
0xa: {  	[smem:$0x3FA2] =	sst s2  }
0xb: {  	[smem:$0x3FA3] =	sst s3  }
0xc: {  	[smem:$0x3FA4] =	sst s4  }
0xd: {  	[smem:$0x3FA5] =	sst s5  }
0xe: {  	[smem:$0x3FA6] =	sst s6  }
0xf: {  	[smem:$0x3FA7] =	sst s7  }
0x10: {  	[smem:$0x3FA8] =	sst s8  }
0x11: {  	[smem:$0x3FA9] =	sst s9;
	s0 =	simm.s32 @!p0 $0x0  }
0x12: {  	s1 =	sld [smem:$0x3F8F];
	s0 =	simm.s32 @p0 $0x1  }
0x13: {  	[smem:$0x3FAA] =	sst s0;
	s0 =	simm.s32 @!p1 $0x0  }
0x14: {  	s2 =	sld [smem:$0x3F8E];
	s0 =	simm.s32 @p1 $0x1  }
0x15: {  	[smem:$0x3FAB] =	sst s0;
	s0 =	simm.s32 @!p2 $0x0  }
0x16: {  	s3 =	sld [smem:$0x3FDB];
	s0 =	simm.s32 @p2 $0x1  }
0x17: {  	s4 =	simm.s32 $0x1BF5;
	[smem:$0x3FAD] =	sst s0  }
0x18: {  	s0 =	sld [smem:$0x3F90];
	_ =	swait.ge [sflag:s4], $0x0  }
0x19: {  	s7 =	sld [smem:$0x3F91]  }
0x1a: {  	s8 =	sadd.s32 $0xFFFFE003, lr  }
0x1b: {  	s9 =	sadd.s32 $0xFFFFFEF7, lr;
	s5 =	simm.s32 $0xFFFFFFFF;
	p2 =	slt.u32 s8, $0xFFFFF086  }
0x1c: {  	p1 =	slt.u32 s9, $0xF7A;
	s5 =	simm.s32 @!p2 $0x0  }
0x1d: {  	s5 =	simm.s32 @p1 $0x1;
	p0 =	seq.s32 s7, s2  }
0x1e: {  	s7 =	smul.u32 @!p0 $0xF7A, s2;
	p2 =	seq.s32 @!p0 s5, $0x0  }
0x1f: {  	s9 =	smul.u32 $0xF7A, s1;
	s8 =	simm.s32 @!p0 $0x1BF5;
	p2 =	por !p2, p0  }
0x20: {  	[sflag:s8] =	ssyncset.s32 @!p0 $0xFFFFF086;
	s6 =	sadd.s32 @!p0 s3, s7;
	s7 =	simm.s32 @!p0 $0x108  }
0x21: {  	s3 =	sadd.s32 s3, s9;
	s6 =	sadd.s32 @!p0 $0x88, s6;
	s7 =	simm.s32 @p2 $0x1082  }
0x22: {  	[simem:s7], [sflag:s8] =	dma.local @!p0 [hbm:s6], $0xF7A  }
0x23: {  	s9 =	sor.u32 $0xD0000000, s2;
	s6 =	simm.s32 $0x108;
	_ =	swait.ge @!p0 [sflag:s8], $0x0  }
0x24: {  	s3 =	sadd.s32 $0x88, s3;
	s6 =	simm.s32 @!p1 $0x1082;
	[sflag:s4] =	ssyncset.s32 $0xFFFFF086  }
0x25: {  	[simem:s6], [sflag:s4] =	dma.local [hbm:s3], $0xF7A  }
0x26: {  	[smem:$0x3F91] =	sst s1;
	(tag) =	ssettag s2;
	_ =	strace s9  }
0x27: {  	s1 =	sld [smem:$0x3FA1]  }
0x28: {  	s2 =	sld [smem:$0x3FA2]  }
0x29: {  	s4 =	sld [smem:$0x3FA4]  }
0x2a: {  	p0 =	seq.s32 s5, $0x0;
	s5 =	sld [smem:$0x3FA5]  }
0x2b: {  	s6 =	sld [smem:$0x3FA6]  }
0x2c: {  	s7 =	sld [smem:$0x3FA7]  }
0x2d: {  	s3 =	simm.s32 $0x108;
	s8 =	sld [smem:$0x3FA8]  }
0x2e: {  	s3 =	simm.s32 @!p0 $0x1082;
	s9 =	sld [smem:$0x3FA9]  }
0x2f: {  	lr =	sadd.s32 s0, s3;
	s0 =	sld [smem:$0x3FA0]  }
0x30: {  	s3 =	sld [smem:$0x3FA3]  }
0x31: {  	[smem:$0x3FAC] =	sst s10  }
0x32: {  	s10 =	sld [smem:$0x3FAA];
	_ =	sdelay $0x3  }
0x33: {  	p0 =	seq.s32 s10, $0x1;
	s10 =	sld [smem:$0x3FAC];
	_ =	sdelay $0x3  }
0x34: {  	[smem:$0x3FAC] =	sst s10  }
0x35: {  	s10 =	sld [smem:$0x3FAB];
	_ =	sdelay $0x3  }
0x36: {  	p1 =	seq.s32 s10, $0x1;
	s10 =	sld [smem:$0x3FAC];
	_ =	sdelay $0x3  }
0x37: {  	[smem:$0x3FAC] =	sst s10  }
0x38: {  	s10 =	sld [smem:$0x3FAD]  }
0x39: {  	_ = 	snop;
	(pc) =	sbr.ind lr, $3  }
0x3a: {  	_ = 	snop  }
0x3b: {  	_ = 	snop  }
0x3c: {  	p2 =	seq.s32 s10, $0x1;
	s10 =	sld [smem:$0x3FAC]  }
0x3d: {  	_ =	shalt  }
0x3e: {  	_ =	shalt  }
0x3f: {  	_ =	shalt  }
0x40: {  	_ =	shalt  }
0x41: {  	_ =	shalt  }
0x42: {  	_ =	shalt  }
0x43: {  	_ =	shalt  }
0x44: {  	_ =	shalt  }
0x45: {  	_ =	shalt  }
0x46: {  	_ =	shalt  }
0x47: {  	_ =	shalt  }
0x48: {  	_ =	shalt  }
0x49: {  	_ =	shalt  }
0x4a: {  	_ =	shalt  }
0x4b: {  	_ =	shalt  }
0x4c: {  	_ =	shalt  }
0x4d: {  	_ =	shalt  }
0x4e: {  	_ =	shalt  }
0x4f: {  	_ =	shalt  }
0x50: {  	_ =	shalt  }
0x51: {  	_ =	shalt  }
0x52: {  	_ =	shalt  }
0x53: {  	_ =	shalt  }
0x54: {  	_ =	shalt  }
0x55: {  	_ =	shalt  }
0x56: {  	_ =	shalt  }
0x57: {  	_ =	shalt  }
0x58: {  	_ =	shalt  }
0x59: {  	_ =	shalt  }
0x5a: {  	_ =	shalt  }
0x5b: {  	_ =	shalt  }
0x5c: {  	_ =	shalt  }
0x5d: {  	_ =	shalt  }
0x5e: {  	_ =	shalt  }
0x5f: {  	_ =	shalt  }
0x60: {  	_ =	shalt  }
0x61: {  	_ =	shalt  }
0x62: {  	_ =	shalt  }
0x63: {  	_ =	shalt  }
0x64: {  	_ =	shalt  }
0x65: {  	_ =	shalt  }
0x66: {  	_ =	shalt  }
0x67: {  	_ =	shalt  }
0x68: {  	_ =	shalt  }
0x69: {  	_ =	shalt  }
0x6a: {  	_ =	shalt  }
0x6b: {  	_ =	shalt  }
0x6c: {  	_ =	shalt  }
0x6d: {  	_ =	shalt  }
0x6e: {  	_ =	shalt  }
0x6f: {  	_ =	shalt  }
0x70: {  	_ =	shalt  }
0x71: {  	_ =	shalt  }
0x72: {  	_ =	shalt  }
0x73: {  	_ =	shalt  }
0x74: {  	_ =	shalt  }
0x75: {  	_ =	shalt  }
0x76: {  	_ =	shalt  }
0x77: {  	_ =	shalt  }
0x78: {  	_ =	shalt  }
0x79: {  	_ =	shalt  }
0x7a: {  	_ =	shalt  }
0x7b: {  	_ =	shalt  }
0x7c: {  	_ =	shalt  }
0x7d: {  	_ =	shalt  }
0x7e: {  	_ =	shalt  }
0x7f: {  	_ =	shalt  }
0x80: {  	_ =	shalt  }
0x81: {  	_ =	shalt  }
0x82: {  	_ =	shalt  }
0x83: {  	_ =	shalt  }
0x84: {  	_ =	shalt  }
0x85: {  	_ =	shalt  }
0x86: {  	_ =	shalt  }
0x87: {  	_ =	shalt  }
.Lfunc_end0:
.L_simem_size_0:
called_computation.2_lowered:
.L_overlay_start_0:
0x88: {  	s2 =	sld [smem:$0x3FD9]  }
0x89: {  	s3 =	sld [smem:$0x3FFE];
	_ =	sdelay $0x1  }
0x8a: {  	s1 =	srdreg.scid  }
0x8b: {  	s0 =	sand.u32 $0x1, s1  }
0x8c: {  	s16 =	sshll.u32 s0, $0xA;
	s2 =	sadd.s32 s3, s2  }
0x8d: {  	s2 =	sadd.s32 s2, s16  }
0x8e: {  	[smem:$0x3FB8] =	sst s2  }
0x8f: {  	_ = 	snop  }
0x90: {  	(tm) =	ssettm $0x1  }
0x91: {  	s17 =	sld [smem:$0x3FFB];
	_ =	sdelay $0x3  }
0x92: {  	_ =	strace s17  }
0x93: {  	s2 =	sld [smem:$0x3FFC];
	_ =	sdelay $0x3  }
0x94: {  	_ =	strace s2  }
0x95: {  	s2 =	sld [smem:$0x3FFD];
	_ =	sdelay $0x3  }
0x96: {  	_ =	strace s2  }
0x97: {  	_ =	strace $0x8FFFFFFF  }
0x98: {  	s18 =	sld [smem:$0x3FDB];
	_ =	sdelay $0x1  }
0x99: {  	s19 =	simm.s32 $_scs_section_size  }
0x9a: {  	s4 =	simm.s32 $_size__tile_overlayer_lowered;
	s5 =	simm.s32 $_tile_overlayer_lowered  }
0x9b: {  	s22 =	simm.s32 $0x1BFF;
	s21 =	sshll.u32 s5, $0x1;
	s2 =	sadd.s32 s19, s18  }
0x9c: {  	s6 =	simm.s32 $0x0;
	s20 =	sshll.u32 s4, $0x1;
	s4 =	sadd.s32 s21, s2  }
0x9d: {  	[timem:s6], [sflag:s22] =	dma.local [hbm:s4], s20  }
0x9e: {  	_ =	swait.ge [sflag:s22], s20  }
0x9f: {  	s3 =	ssub.s32 $0x0, s20;
	[sflag:s22] =	ssyncset.done $0x0  }
0xa0: {  	[sflag:s22] =	ssyncadd.s32 s3;
	_ =	sdelay $0x1  }
0xa1: {  	s23 =	simm.s32 $0x1B8B  }
0xa2: {  	_ =	swait.ge [sflag:s23], $0x1  }
0xa3: {  	[sflag:s23] =	ssyncset.done $0x0  }
0xa4: {  	s25 =	simm.s32 $0x1B8E;
	s24 =	sld [smem:$0x3FFE];
	[sflag:s23] =	ssyncadd.s32 $0xFFFFFFFF  }
0xa5: {  	s26 =	simm.s32 $execute0_lowered;
	[smem:$0x3FD2] =	sst s25  }
0xa6: {  	s4 =	sshll.u32 s26, $0x1;
	_ =	strace $0x8000004C;
	[dreg:$0x1] =	wrdreg $0xFFFFFFFF  }
0xa7: {  	s28 =	simm.s32 $_size_execute0_lowered;
	s2 =	sadd.s32 s2, s4;
	[dreg:$0x0] =	wrdreg $0x0  }
0xa8: {  	s4 =	sshll.u32 s28, $0x1;
	[dreg:$0x2] =	wrdreg s2  }
0xa9: {  	[dreg:$0x3] =	wrdreg s4  }
0xaa: {  	[dreg:$0x4] =	wrdreg $0xC0  }
0xab: {  	_ =	task [dreg:s6], $0x5FFFF  }
0xac: {  	[dreg:$0x1] =	wrdreg $0xFFFFFFFF  }
0xad: {  	[dreg:$0x0] =	wrdreg $0x60  }
0xae: {  	[dreg:$0x2] =	wrdreg s24  }
0xaf: {  	[dreg:$0x3] =	wrdreg $0xA0000  }
0xb0: {  	[dreg:$0x4] =	wrdreg $0x9  }
0xb1: {  	_ =	task.clear_ibuf [dreg:s6], $0x5FFFF;
	_ =	strace $0x9000004C  }
0xb2: {  	s29 =	simm.s32 $0x9;
	_ =	strace $0x8000004E  }
0xb3: {  	_ =	swait.ge [sflag:s29], $0x1  }
0xb4: {  	[sflag:s29] =	ssyncadd.s32 $0xFFFFFFFF  }
0xb5: {  	_ =	strace $0x9000004E  }
0xb6: {  	_ =	sfence  }
0xb7: {  	s30 =	sld [smem:$0x0];
	_ =	sdelay $0x2  }
0xb8: {  	s31 =	sshll.u32 s1, $0xD;
	s1 =	sshrl.u32 s1, $0x2  }
0xb9: {  	s3 =	sand.u32 $0x4000, s31;
	s1 =	sadd.s32 s1, s30  }
0xba: {  	s0 =	sor.u32 s3, s0;
	s1 =	sshll.u32 s1, $0x11  }
0xbb: {  	s0 =	sor.u32 s1, s0  }
0xbc: {  	s0 =	sadd.s32 $0x8F2B, s0  }
0xbd: {  	[sflag:s0] =	ssyncadd.remote.s32 $0x1  }
0xbe: {  	_ =	sfence.sel $0xFFFF  }
0xbf: {  	[dreg:$0x0] =	wrdreg $0xFFFFFFFF;
	(pc) =	sbr.abs _section_cstart, $3  }
0xc0: {  	[dreg:$0x1] =	wrdreg $0xFFFFFFFF  }
0xc1: {  	_ =	task.clear_ibuf [dreg:s6], $0x2FFFF;
	_ =	strace $0x9FFFFFFF  }
0xc2: {  	(tm) =	ssettm $0x7FFFFFFF  }
0xc3: {  	_ =	shalt  }
tec
execute0_lowered:
.L_overlay_start_1:
0x0: {  	(tag) =	ssettag $0x1  }
0x1: {  	s6 =	rddreg [dreg:$0x0]  }
0x2: {  	s0 =	srdreg.scid;
	s2 =	rddreg [dreg:$0x1]  }
0x3: {  	s1 =	rddreg [dreg:$0x2];
	s8 =	sand.u32 $0x1, s0  }
0x4: {  	s3 =	simm.s32 $0x0;
	s0 =	stileid.u32;
	s4 =	smul.u32 $0x30000, s8  }
0x5: {  	s15 =	simm.s32 $0x6000;
	s16 =	simm.s32 $0x1;
	s5 =	smul.u32 $0x3000, s0  }
0x6: {  	s17 =	simm.s32 $0x0;
	[smem:$0x7FF] =	sst s3;
	s7 =	smul.u32 $0x2780, s0  }
0x7: {  	s9 =	smul.u32 $0x27800, s8;
	_ =	strace $0x8000004D;
	s28 =	ssub.s32 $0x2, s8  }
0x8: {  	s12 =	smul.u32 $0x4F000, s0;
	p0 =	seq.s32 s8, $0x0;
	s8 =	simm.s32 $0x40  }
0x9: {  	s31 =	sshll.u32 s0, $0x6;
	s29 =	sshrl.u32 s28, $0x1;
	s8 =	simm.s32 @!p0 $0x5D  }
0xa: {  	s4 =	sadd.s32 s5, s4;
	s7 =	sadd.s32 s7, s9;
	s13 =	ssub.s32 s28, s29  }
0xb: {  	s30 =	sshrl.u32 s12, $0x2;
	s12 =	sor.u32 $0x1C02, s31;
	s5 =	sshrl.u32 s4, $0x3  }
0xc: {  	s4 =	sadd.s32 $0x20600, s6;
	s11 =	sadd.s32 s7, s6;
	s14 =	sadd.s32 s30, s2  }
0xd: {  	s10 =	sadd.s32 s5, s6;
	s5 =	sadd.s32 $0x1DE00, s6;
	s9 =	sadd.s32 $0xE5800, s11  }
0xe: {  	s11 =	simm.s32 $0x2;
	s6 =	sadd.s32 $0x5E00, s10;
	s7 =	sadd.s32 $0x11E00, s10  }
0xf: {  	s10 =	smax.u32 s13, $0x1;
	s13 =	sshrl.u32 s14, $0x3;
	s14 =	simm.s32 $0x80  }
.LBB2_1:
0x10: {  	[tilespmem:s3], [sflag:$0x2] =	stream.linear.gather [hbm4b:s6+s3], $0x2E80, $0x38;
	[tilespmem:$0x1DC00] =	vst v63  }
0x11: {  	_ =	swait.ge [sflag:s11], $0x2E80  }
0x12: {  	[sflag:s11] =	ssyncset.done $0x0  }
0x13: {  	s18 =	simm.s32 $0x3000;
	[sflag:s11] =	ssyncadd.s32 $0xFFFFD180  }
0x14: {  	[tilespmem:s18], [sflag:$0x2] =	stream.linear.gather [hbm4b:s7+s3], $0x2E80, $0x38;
	[tilespmem:$0x1DC00] =	vst v63  }
0x15: {  	_ =	swait.ge [sflag:s11], $0x2E80  }
0x16: {  	[sflag:s11] =	ssyncset.done $0x0  }
0x17: {  	[sflag:s11] =	ssyncadd.s32 $0xFFFFD180  }
0x18: {  	[spmem:s13], [sflag:s12] =	dma.local [hbm:s5], $0x2780  }
0x19: {  	_ =	swait.ge [sflag:s11], $0x2780  }
0x1a: {  	[sflag:s11] =	ssyncset.done $0x0  }
0x1b: {  	[sflag:s11] =	ssyncadd.s32 $0xFFFFD880  }
0x1c: {  	[bflag:$0x0] =	sbarrier.arrive $0xFFFF  }
0x1d: {  	[tilespmem:s15], [sflag:$0x1] =	stream.indirect.gather [hbm4b:s4+s14], $0x80, s3, s14, $0xb8;
	[tilespmem:$0x1DC00] =	vst v63  }
0x1e: {  	p0 =	sne.s32 s8, $0x1;
	_ =	swait.ge [sflag:s16], $0x4000  }
.Ltmp0:
0x1f: {  	[sflag:s16] =	ssyncset.done $0x0;
	(pc) =	sbr.rel @!p0 .LBB2_3-.Ltmp0, $4  }
0x20: {  	[sflag:s16] =	ssyncadd.s32 $0xFFFFC000  }
0x21: {  	[spmem:s2] =	stream.indirect.scatter.add.f32 [tilespmem:s15], [sflag:$0x2], $0x80, s18, s14, $0xb8;
	[tilespmem:$0x1DC00] =	vst v63  }
0x22: {  	_ =	swait.ge [sflag:s11], $0x4000  }
0x23: {  	s19 =	sadd.s32 $0xFFFFFFFF, s8;
	s20 =	simm.s32 $0x0;
	[sflag:s11] =	ssyncset.done $0x0  }
.LBB2_2:
0x24: {  	[sflag:s11] =	ssyncadd.s32 $0xFFFFC000;
	s20 =	sadd.s32 $0x80, s20;
	s18 =	sadd.s32 $0x80, s18  }
0x25: {  	[tilespmem:s15], [sflag:$0x1] =	stream.indirect.gather [hbm4b:s4+s14], $0x80, s20, s14, $0xb8;
	[tilespmem:$0x1DC00] =	vst v63  }
0x26: {  	p0 =	sne.s32 s19, $0x1;
	s19 =	sadd.s32 $0xFFFFFFFF, s19;
	_ =	swait.ge [sflag:s16], $0x4000  }
.Ltmp1:
0x27: {  	[sflag:s16] =	ssyncset.done $0x0;
	(pc) =	sbr.rel @p0 .LBB2_2-.Ltmp1, $4  }
0x28: {  	[sflag:s16] =	ssyncadd.s32 $0xFFFFC000  }
0x29: {  	[spmem:s2] =	stream.indirect.scatter.add.f32 [tilespmem:s15], [sflag:$0x2], $0x80, s18, s14, $0xb8;
	[tilespmem:$0x1DC00] =	vst v63  }
0x2a: {  	_ =	swait.ge [sflag:s11], $0x4000  }
0x2b: {  	[sflag:s11] =	ssyncset.done $0x0  }
.LBB2_3:
0x2c: {  	s17 =	sadd.s32 $0x1, s17  }
0x2d: {  	[sflag:s11] =	ssyncadd.s32 $0xFFFFC000;
	p0 =	sne.s32 s17, s10  }
.Ltmp2:
0x2e: {  	[bflag:$0x0] =	sbarrier.arrive $0xFFFF;
	(pc) =	sbr.rel @p0 .LBB2_1-.Ltmp2, $4  }
0x2f: {  	[hbm:s9], [sflag:s12] =	dma.local [spmem:s13], $0x2780  }
0x30: {  	_ =	swait.ge [sflag:s11], $0x2780  }
0x31: {  	[sflag:s11] =	ssyncset.done $0x0  }
0x32: {  	[sflag:s11] =	ssyncadd.s32 $0xFFFFD880  }
0x33: {  	_ =	sfence.sel $0x180000  }
0x34: {  	[bflag:$0x0] =	sbarrier.arrive $0xFFFF  }
0x35: {  	p0 =	sne.s32 s0, $0x0;
	_ =	strace $0x9000004D  }
0x36: {  	s0 =	sadd.s32 @!p0 $0x100000, s1;
	[bflag:$0x2] =	sbarrier.arrive $0xFFFF  }
0x37: {  	[sflag:s0] =	ssyncadd.tile.s32 @!p0 $0x1;
	_ =	shalt  }
.Lfunc_end2:
_tile_overlayer_lowered:
.L_overlay_start_2:
0x38: {  	(tag) =	ssettag $0x2  }
0x39: {  	s0 =	rddreg [dreg:$0x0];
	s2 =	stileid.u32  }
0x3a: {  	s1 =	rddreg [dreg:$0x1];
	p0 =	sne.s32 s2, $0x0  }
0x3b: {  	s3 =	rddreg [dreg:$0x2];
	[bflag:$0x3] =	sbarrier.arrive $0xFFFF;
	s2 =	simm.s32 @!p0 $0x1C02  }
0x3c: {  	[timem:s3], [sflag:s2] =	dma.local @!p0 [hbm:s0], s1  }
0x3d: {  	s0 =	simm.s32 @!p0 $0x2  }
0x3e: {  	_ =	swait.ge @!p0 [sflag:s0], s1  }
0x3f: {  	s1 =	ssub.s32 @!p0 $0x0, s1;
	[sflag:s0] =	ssyncset.done @!p0 $0x0  }
0x40: {  	[sflag:s0] =	ssyncadd.s32 @!p0 s1  }
0x41: {  	[bflag:$0x3] =	sbarrier.arrive $0xFFFF  }
0x42: {  	_ =	shalt  }

// kernel: kernel.25.cloned.1.call-start
scs
__scs_entry_jumppad:
0x0: {  	(pc) =	sbr.rel $0x88, $3  }
0x1: {  	(tag) =	ssettag $0x0;
	lr =	simm.s32 $0x1  }
0x2: {  	[smem:$0x3F91] =	sst lr;
	_ =	strace $0xD0000000  }
0x3: {  	_ = 	snop  }
0x4: {  	_ = 	snop  }
0x5: {  	_ = 	snop  }
0x6: {  	_ = 	snop  }
0x7: {  	_ = 	snop  }
__scs_overlays_trampoline_lowered:
0x8: {  	[smem:$0x3FA0] =	sst s0  }
0x9: {  	[smem:$0x3FA1] =	sst s1  }
0xa: {  	[smem:$0x3FA2] =	sst s2  }
0xb: {  	[smem:$0x3FA3] =	sst s3  }
0xc: {  	[smem:$0x3FA4] =	sst s4  }
0xd: {  	[smem:$0x3FA5] =	sst s5  }
0xe: {  	[smem:$0x3FA6] =	sst s6  }
0xf: {  	[smem:$0x3FA7] =	sst s7  }
0x10: {  	[smem:$0x3FA8] =	sst s8  }
0x11: {  	[smem:$0x3FA9] =	sst s9;
	s0 =	simm.s32 @!p0 $0x0  }
0x12: {  	s1 =	sld [smem:$0x3F8F];
	s0 =	simm.s32 @p0 $0x1  }
0x13: {  	[smem:$0x3FAA] =	sst s0;
	s0 =	simm.s32 @!p1 $0x0  }
0x14: {  	s2 =	sld [smem:$0x3F8E];
	s0 =	simm.s32 @p1 $0x1  }
0x15: {  	[smem:$0x3FAB] =	sst s0;
	s0 =	simm.s32 @!p2 $0x0  }
0x16: {  	s3 =	sld [smem:$0x3FDB];
	s0 =	simm.s32 @p2 $0x1  }
0x17: {  	s4 =	simm.s32 $0x1BF5;
	[smem:$0x3FAD] =	sst s0  }
0x18: {  	s0 =	sld [smem:$0x3F90];
	_ =	swait.ge [sflag:s4], $0x0  }
0x19: {  	s7 =	sld [smem:$0x3F91]  }
0x1a: {  	s8 =	sadd.s32 $0xFFFFE003, lr  }
0x1b: {  	s9 =	sadd.s32 $0xFFFFFEF7, lr;
	s5 =	simm.s32 $0xFFFFFFFF;
	p2 =	slt.u32 s8, $0xFFFFF086  }
0x1c: {  	p1 =	slt.u32 s9, $0xF7A;
	s5 =	simm.s32 @!p2 $0x0  }
0x1d: {  	s5 =	simm.s32 @p1 $0x1;
	p0 =	seq.s32 s7, s2  }
0x1e: {  	s7 =	smul.u32 @!p0 $0xF7A, s2;
	p2 =	seq.s32 @!p0 s5, $0x0  }
0x1f: {  	s9 =	smul.u32 $0xF7A, s1;
	s8 =	simm.s32 @!p0 $0x1BF5;
	p2 =	por !p2, p0  }
0x20: {  	[sflag:s8] =	ssyncset.s32 @!p0 $0xFFFFF086;
	s6 =	sadd.s32 @!p0 s3, s7;
	s7 =	simm.s32 @!p0 $0x108  }
0x21: {  	s3 =	sadd.s32 s3, s9;
	s6 =	sadd.s32 @!p0 $0x88, s6;
	s7 =	simm.s32 @p2 $0x1082  }
0x22: {  	[simem:s7], [sflag:s8] =	dma.local @!p0 [hbm:s6], $0xF7A  }
0x23: {  	s9 =	sor.u32 $0xD0000000, s2;
	s6 =	simm.s32 $0x108;
	_ =	swait.ge @!p0 [sflag:s8], $0x0  }
0x24: {  	s3 =	sadd.s32 $0x88, s3;
	s6 =	simm.s32 @!p1 $0x1082;
	[sflag:s4] =	ssyncset.s32 $0xFFFFF086  }
0x25: {  	[simem:s6], [sflag:s4] =	dma.local [hbm:s3], $0xF7A  }
0x26: {  	[smem:$0x3F91] =	sst s1;
	(tag) =	ssettag s2;
	_ =	strace s9  }
0x27: {  	s1 =	sld [smem:$0x3FA1]  }
0x28: {  	s2 =	sld [smem:$0x3FA2]  }
0x29: {  	s4 =	sld [smem:$0x3FA4]  }
0x2a: {  	p0 =	seq.s32 s5, $0x0;
	s5 =	sld [smem:$0x3FA5]  }
0x2b: {  	s6 =	sld [smem:$0x3FA6]  }
0x2c: {  	s7 =	sld [smem:$0x3FA7]  }
0x2d: {  	s3 =	simm.s32 $0x108;
	s8 =	sld [smem:$0x3FA8]  }
0x2e: {  	s3 =	simm.s32 @!p0 $0x1082;
	s9 =	sld [smem:$0x3FA9]  }
0x2f: {  	lr =	sadd.s32 s0, s3;
	s0 =	sld [smem:$0x3FA0]  }
0x30: {  	s3 =	sld [smem:$0x3FA3]  }
0x31: {  	[smem:$0x3FAC] =	sst s10  }
0x32: {  	s10 =	sld [smem:$0x3FAA];
	_ =	sdelay $0x3  }
0x33: {  	p0 =	seq.s32 s10, $0x1;
	s10 =	sld [smem:$0x3FAC];
	_ =	sdelay $0x3  }
0x34: {  	[smem:$0x3FAC] =	sst s10  }
0x35: {  	s10 =	sld [smem:$0x3FAB];
	_ =	sdelay $0x3  }
0x36: {  	p1 =	seq.s32 s10, $0x1;
	s10 =	sld [smem:$0x3FAC];
	_ =	sdelay $0x3  }
0x37: {  	[smem:$0x3FAC] =	sst s10  }
0x38: {  	s10 =	sld [smem:$0x3FAD]  }
0x39: {  	_ = 	snop;
	(pc) =	sbr.ind lr, $3  }
0x3a: {  	_ = 	snop  }
0x3b: {  	_ = 	snop  }
0x3c: {  	p2 =	seq.s32 s10, $0x1;
	s10 =	sld [smem:$0x3FAC]  }
0x3d: {  	_ =	shalt  }
0x3e: {  	_ =	shalt  }
0x3f: {  	_ =	shalt  }
0x40: {  	_ =	shalt  }
0x41: {  	_ =	shalt  }
0x42: {  	_ =	shalt  }
0x43: {  	_ =	shalt  }
0x44: {  	_ =	shalt  }
0x45: {  	_ =	shalt  }
0x46: {  	_ =	shalt  }
0x47: {  	_ =	shalt  }
0x48: {  	_ =	shalt  }
0x49: {  	_ =	shalt  }
0x4a: {  	_ =	shalt  }
0x4b: {  	_ =	shalt  }
0x4c: {  	_ =	shalt  }
0x4d: {  	_ =	shalt  }
0x4e: {  	_ =	shalt  }
0x4f: {  	_ =	shalt  }
0x50: {  	_ =	shalt  }
0x51: {  	_ =	shalt  }
0x52: {  	_ =	shalt  }
0x53: {  	_ =	shalt  }
0x54: {  	_ =	shalt  }
0x55: {  	_ =	shalt  }
0x56: {  	_ =	shalt  }
0x57: {  	_ =	shalt  }
0x58: {  	_ =	shalt  }
0x59: {  	_ =	shalt  }
0x5a: {  	_ =	shalt  }
0x5b: {  	_ =	shalt  }
0x5c: {  	_ =	shalt  }
0x5d: {  	_ =	shalt  }
0x5e: {  	_ =	shalt  }
0x5f: {  	_ =	shalt  }
0x60: {  	_ =	shalt  }
0x61: {  	_ =	shalt  }
0x62: {  	_ =	shalt  }
0x63: {  	_ =	shalt  }
0x64: {  	_ =	shalt  }
0x65: {  	_ =	shalt  }
0x66: {  	_ =	shalt  }
0x67: {  	_ =	shalt  }
0x68: {  	_ =	shalt  }
0x69: {  	_ =	shalt  }
0x6a: {  	_ =	shalt  }
0x6b: {  	_ =	shalt  }
0x6c: {  	_ =	shalt  }
0x6d: {  	_ =	shalt  }
0x6e: {  	_ =	shalt  }
0x6f: {  	_ =	shalt  }
0x70: {  	_ =	shalt  }
0x71: {  	_ =	shalt  }
0x72: {  	_ =	shalt  }
0x73: {  	_ =	shalt  }
0x74: {  	_ =	shalt  }
0x75: {  	_ =	shalt  }
0x76: {  	_ =	shalt  }
0x77: {  	_ =	shalt  }
0x78: {  	_ =	shalt  }
0x79: {  	_ =	shalt  }
0x7a: {  	_ =	shalt  }
0x7b: {  	_ =	shalt  }
0x7c: {  	_ =	shalt  }
0x7d: {  	_ =	shalt  }
0x7e: {  	_ =	shalt  }
0x7f: {  	_ =	shalt  }
0x80: {  	_ =	shalt  }
0x81: {  	_ =	shalt  }
0x82: {  	_ =	shalt  }
0x83: {  	_ =	shalt  }
0x84: {  	_ =	shalt  }
0x85: {  	_ =	shalt  }
0x86: {  	_ =	shalt  }
0x87: {  	_ =	shalt  }
.Lfunc_end0:
.L_simem_size_0:
called_computation.3_lowered:
.L_overlay_start_0:
0x88: {  	s2 =	sld [smem:$0x3FD9]  }
0x89: {  	s3 =	sld [smem:$0x3FFE];
	_ =	sdelay $0x1  }
0x8a: {  	s1 =	srdreg.scid  }
0x8b: {  	s0 =	sand.u32 $0x1, s1  }
0x8c: {  	s16 =	sshll.u32 s0, $0xA;
	s2 =	sadd.s32 s3, s2  }
0x8d: {  	s2 =	sadd.s32 s2, s16  }
0x8e: {  	[smem:$0x3FB8] =	sst s2  }
0x8f: {  	_ = 	snop  }
0x90: {  	(tm) =	ssettm $0x1  }
0x91: {  	s17 =	sld [smem:$0x3FFB];
	_ =	sdelay $0x3  }
0x92: {  	_ =	strace s17  }
0x93: {  	s2 =	sld [smem:$0x3FFC];
	_ =	sdelay $0x3  }
0x94: {  	_ =	strace s2  }
0x95: {  	s2 =	sld [smem:$0x3FFD];
	_ =	sdelay $0x3  }
0x96: {  	_ =	strace s2  }
0x97: {  	_ =	strace $0x8FFFFFFF  }
0x98: {  	s18 =	sld [smem:$0x3FDB];
	_ =	sdelay $0x1  }
0x99: {  	s19 =	simm.s32 $_scs_section_size  }
0x9a: {  	s4 =	simm.s32 $_size__tile_overlayer_lowered;
	s5 =	simm.s32 $_tile_overlayer_lowered  }
0x9b: {  	s22 =	simm.s32 $0x1BFF;
	s21 =	sshll.u32 s5, $0x1;
	s2 =	sadd.s32 s19, s18  }
0x9c: {  	s6 =	simm.s32 $0x0;
	s20 =	sshll.u32 s4, $0x1;
	s4 =	sadd.s32 s21, s2  }
0x9d: {  	[timem:s6], [sflag:s22] =	dma.local [hbm:s4], s20  }
0x9e: {  	_ =	swait.ge [sflag:s22], s20  }
0x9f: {  	s3 =	ssub.s32 $0x0, s20;
	[sflag:s22] =	ssyncset.done $0x0  }
0xa0: {  	[sflag:s22] =	ssyncadd.s32 s3;
	_ =	sdelay $0x1  }
0xa1: {  	s23 =	simm.s32 $0x1B8B  }
0xa2: {  	_ =	swait.ge [sflag:s23], $0x1  }
0xa3: {  	[sflag:s23] =	ssyncset.done $0x0  }
0xa4: {  	s25 =	simm.s32 $0x1B8E;
	s24 =	sld [smem:$0x3FFE];
	[sflag:s23] =	ssyncadd.s32 $0xFFFFFFFF  }
0xa5: {  	s26 =	simm.s32 $execute0_lowered;
	[smem:$0x3FD2] =	sst s25  }
0xa6: {  	s4 =	sshll.u32 s26, $0x1;
	_ =	strace $0x8000004F;
	[dreg:$0x1] =	wrdreg $0xFFFFFFFF  }
0xa7: {  	s28 =	simm.s32 $_size_execute0_lowered;
	s2 =	sadd.s32 s2, s4;
	[dreg:$0x0] =	wrdreg $0x0  }
0xa8: {  	s4 =	sshll.u32 s28, $0x1;
	[dreg:$0x2] =	wrdreg s2  }
0xa9: {  	[dreg:$0x3] =	wrdreg s4  }
0xaa: {  	[dreg:$0x4] =	wrdreg $0xC0  }
0xab: {  	_ =	task [dreg:s6], $0x5FFFF  }
0xac: {  	[dreg:$0x1] =	wrdreg $0xFFFFFFFF  }
0xad: {  	[dreg:$0x0] =	wrdreg $0x60  }
0xae: {  	[dreg:$0x2] =	wrdreg s24  }
0xaf: {  	[dreg:$0x3] =	wrdreg $0xA0000  }
0xb0: {  	[dreg:$0x4] =	wrdreg $0x9  }
0xb1: {  	_ =	task.clear_ibuf [dreg:s6], $0x5FFFF;
	_ =	strace $0x9000004F  }
0xb2: {  	s29 =	simm.s32 $0x9;
	_ =	strace $0x80000051  }
0xb3: {  	_ =	swait.ge [sflag:s29], $0x1  }
0xb4: {  	[sflag:s29] =	ssyncadd.s32 $0xFFFFFFFF  }
0xb5: {  	_ =	strace $0x90000051  }
0xb6: {  	_ =	sfence  }
0xb7: {  	s30 =	sld [smem:$0x0];
	_ =	sdelay $0x2  }
0xb8: {  	s31 =	sshll.u32 s1, $0xD;
	s1 =	sshrl.u32 s1, $0x2  }
0xb9: {  	s3 =	sand.u32 $0x4000, s31;
	s1 =	sadd.s32 s1, s30  }
0xba: {  	s0 =	sor.u32 s3, s0;
	s1 =	sshll.u32 s1, $0x11  }
0xbb: {  	s0 =	sor.u32 s1, s0  }
0xbc: {  	s0 =	sadd.s32 $0x8F2B, s0  }
0xbd: {  	[sflag:s0] =	ssyncadd.remote.s32 $0x1  }
0xbe: {  	_ =	sfence.sel $0xFFFF  }
0xbf: {  	[dreg:$0x0] =	wrdreg $0xFFFFFFFF;
	(pc) =	sbr.abs _section_cstart, $3  }
0xc0: {  	[dreg:$0x1] =	wrdreg $0xFFFFFFFF  }
0xc1: {  	_ =	task.clear_ibuf [dreg:s6], $0x2FFFF;
	_ =	strace $0x9FFFFFFF  }
0xc2: {  	(tm) =	ssettm $0x7FFFFFFF  }
0xc3: {  	_ =	shalt  }
tec
execute0_lowered:
.L_overlay_start_1:
0x0: {  	(tag) =	ssettag $0x1  }
0x1: {  	s6 =	rddreg [dreg:$0x0]  }
0x2: {  	s0 =	srdreg.scid;
	s2 =	rddreg [dreg:$0x1]  }
0x3: {  	s1 =	rddreg [dreg:$0x2];
	s8 =	sand.u32 $0x1, s0  }
0x4: {  	s3 =	simm.s32 $0x0;
	s0 =	stileid.u32;
	s4 =	smul.u32 $0x30000, s8  }
0x5: {  	s15 =	simm.s32 $0x6000;
	s16 =	simm.s32 $0x1;
	s5 =	smul.u32 $0x3000, s0  }
0x6: {  	s17 =	simm.s32 $0x0;
	[smem:$0x7FF] =	sst s3;
	s7 =	smul.u32 $0x2780, s0  }
0x7: {  	s9 =	smul.u32 $0x27800, s8;
	_ =	strace $0x80000050;
	s28 =	ssub.s32 $0x2, s8  }
0x8: {  	s12 =	smul.u32 $0x4F000, s0;
	p0 =	seq.s32 s8, $0x0;
	s8 =	simm.s32 $0x40  }
0x9: {  	s31 =	sshll.u32 s0, $0x6;
	s29 =	sshrl.u32 s28, $0x1;
	s8 =	simm.s32 @!p0 $0x5D  }
0xa: {  	s4 =	sadd.s32 s5, s4;
	s7 =	sadd.s32 s7, s9;
	s13 =	ssub.s32 s28, s29  }
0xb: {  	s30 =	sshrl.u32 s12, $0x2;
	s12 =	sor.u32 $0x1C02, s31;
	s5 =	sshrl.u32 s4, $0x3  }
0xc: {  	s4 =	sadd.s32 $0x20600, s6;
	s11 =	sadd.s32 s7, s6;
	s14 =	sadd.s32 s30, s2  }
0xd: {  	s10 =	sadd.s32 s5, s6;
	s5 =	sadd.s32 $0x1DE00, s6;
	s9 =	sadd.s32 $0x134800, s11  }
0xe: {  	s11 =	simm.s32 $0x2;
	s6 =	sadd.s32 $0x5E00, s10;
	s7 =	sadd.s32 $0x11E00, s10  }
0xf: {  	s10 =	smax.u32 s13, $0x1;
	s13 =	sshrl.u32 s14, $0x3;
	s14 =	simm.s32 $0x80  }
.LBB2_1:
0x10: {  	[tilespmem:s3], [sflag:$0x2] =	stream.linear.gather [hbm4b:s6+s3], $0x2E80, $0x38;
	[tilespmem:$0x1DC00] =	vst v63  }
0x11: {  	_ =	swait.ge [sflag:s11], $0x2E80  }
0x12: {  	[sflag:s11] =	ssyncset.done $0x0  }
0x13: {  	s18 =	simm.s32 $0x3000;
	[sflag:s11] =	ssyncadd.s32 $0xFFFFD180  }
0x14: {  	[tilespmem:s18], [sflag:$0x2] =	stream.linear.gather [hbm4b:s7+s3], $0x2E80, $0x38;
	[tilespmem:$0x1DC00] =	vst v63  }
0x15: {  	_ =	swait.ge [sflag:s11], $0x2E80  }
0x16: {  	[sflag:s11] =	ssyncset.done $0x0  }
0x17: {  	[sflag:s11] =	ssyncadd.s32 $0xFFFFD180  }
0x18: {  	[spmem:s13], [sflag:s12] =	dma.local [hbm:s5], $0x2780  }
0x19: {  	_ =	swait.ge [sflag:s11], $0x2780  }
0x1a: {  	[sflag:s11] =	ssyncset.done $0x0  }
0x1b: {  	[sflag:s11] =	ssyncadd.s32 $0xFFFFD880  }
0x1c: {  	[bflag:$0x0] =	sbarrier.arrive $0xFFFF  }
0x1d: {  	[tilespmem:s15], [sflag:$0x1] =	stream.indirect.gather [hbm4b:s4+s14], $0x80, s3, s14, $0xb8;
	[tilespmem:$0x1DC00] =	vst v63  }
0x1e: {  	p0 =	sne.s32 s8, $0x1;
	_ =	swait.ge [sflag:s16], $0x4000  }
.Ltmp0:
0x1f: {  	[sflag:s16] =	ssyncset.done $0x0;
	(pc) =	sbr.rel @!p0 .LBB2_3-.Ltmp0, $4  }
0x20: {  	[sflag:s16] =	ssyncadd.s32 $0xFFFFC000  }
0x21: {  	[spmem:s2] =	stream.indirect.scatter.add.f32 [tilespmem:s15], [sflag:$0x2], $0x80, s18, s14, $0xb8;
	[tilespmem:$0x1DC00] =	vst v63  }
0x22: {  	_ =	swait.ge [sflag:s11], $0x4000  }
0x23: {  	s19 =	sadd.s32 $0xFFFFFFFF, s8;
	s20 =	simm.s32 $0x0;
	[sflag:s11] =	ssyncset.done $0x0  }
.LBB2_2:
0x24: {  	[sflag:s11] =	ssyncadd.s32 $0xFFFFC000;
	s20 =	sadd.s32 $0x80, s20;
	s18 =	sadd.s32 $0x80, s18  }
0x25: {  	[tilespmem:s15], [sflag:$0x1] =	stream.indirect.gather [hbm4b:s4+s14], $0x80, s20, s14, $0xb8;
	[tilespmem:$0x1DC00] =	vst v63  }
0x26: {  	p0 =	sne.s32 s19, $0x1;
	s19 =	sadd.s32 $0xFFFFFFFF, s19;
	_ =	swait.ge [sflag:s16], $0x4000  }
.Ltmp1:
0x27: {  	[sflag:s16] =	ssyncset.done $0x0;
	(pc) =	sbr.rel @p0 .LBB2_2-.Ltmp1, $4  }
0x28: {  	[sflag:s16] =	ssyncadd.s32 $0xFFFFC000  }
0x29: {  	[spmem:s2] =	stream.indirect.scatter.add.f32 [tilespmem:s15], [sflag:$0x2], $0x80, s18, s14, $0xb8;
	[tilespmem:$0x1DC00] =	vst v63  }
0x2a: {  	_ =	swait.ge [sflag:s11], $0x4000  }
0x2b: {  	[sflag:s11] =	ssyncset.done $0x0  }
.LBB2_3:
0x2c: {  	s17 =	sadd.s32 $0x1, s17  }
0x2d: {  	[sflag:s11] =	ssyncadd.s32 $0xFFFFC000;
	p0 =	sne.s32 s17, s10  }
.Ltmp2:
0x2e: {  	[bflag:$0x0] =	sbarrier.arrive $0xFFFF;
	(pc) =	sbr.rel @p0 .LBB2_1-.Ltmp2, $4  }
0x2f: {  	[hbm:s9], [sflag:s12] =	dma.local [spmem:s13], $0x2780  }
0x30: {  	_ =	swait.ge [sflag:s11], $0x2780  }
0x31: {  	[sflag:s11] =	ssyncset.done $0x0  }
0x32: {  	[sflag:s11] =	ssyncadd.s32 $0xFFFFD880  }
0x33: {  	_ =	sfence.sel $0x180000  }
0x34: {  	[bflag:$0x0] =	sbarrier.arrive $0xFFFF  }
0x35: {  	p0 =	sne.s32 s0, $0x0;
	_ =	strace $0x90000050  }
0x36: {  	s0 =	sadd.s32 @!p0 $0x100000, s1;
	[bflag:$0x2] =	sbarrier.arrive $0xFFFF  }
0x37: {  	[sflag:s0] =	ssyncadd.tile.s32 @!p0 $0x1;
	_ =	shalt  }
.Lfunc_end2:
_tile_overlayer_lowered:
.L_overlay_start_2:
0x38: {  	(tag) =	ssettag $0x2  }
0x39: {  	s0 =	rddreg [dreg:$0x0];
	s2 =	stileid.u32  }
0x3a: {  	s1 =	rddreg [dreg:$0x1];
	p0 =	sne.s32 s2, $0x0  }
0x3b: {  	s3 =	rddreg [dreg:$0x2];
	[bflag:$0x3] =	sbarrier.arrive $0xFFFF;
	s2 =	simm.s32 @!p0 $0x1C02  }
0x3c: {  	[timem:s3], [sflag:s2] =	dma.local @!p0 [hbm:s0], s1  }
0x3d: {  	s0 =	simm.s32 @!p0 $0x2  }
0x3e: {  	_ =	swait.ge @!p0 [sflag:s0], s1  }
0x3f: {  	s1 =	ssub.s32 @!p0 $0x0, s1;
	[sflag:s0] =	ssyncset.done @!p0 $0x0  }
0x40: {  	[sflag:s0] =	ssyncadd.s32 @!p0 s1  }
0x41: {  	[bflag:$0x3] =	sbarrier.arrive $0xFFFF  }
0x42: {  	_ =	shalt  }

// kernel: kernel.28.cloned.1.call-start
scs
__scs_entry_jumppad:
0x0: {  	(pc) =	sbr.rel $0x88, $3  }
0x1: {  	(tag) =	ssettag $0x0;
	lr =	simm.s32 $0x1  }
0x2: {  	[smem:$0x3F91] =	sst lr;
	_ =	strace $0xD0000000  }
0x3: {  	_ = 	snop  }
0x4: {  	_ = 	snop  }
0x5: {  	_ = 	snop  }
0x6: {  	_ = 	snop  }
0x7: {  	_ = 	snop  }
__scs_overlays_trampoline_lowered:
0x8: {  	[smem:$0x3FA0] =	sst s0  }
0x9: {  	[smem:$0x3FA1] =	sst s1  }
0xa: {  	[smem:$0x3FA2] =	sst s2  }
0xb: {  	[smem:$0x3FA3] =	sst s3  }
0xc: {  	[smem:$0x3FA4] =	sst s4  }
0xd: {  	[smem:$0x3FA5] =	sst s5  }
0xe: {  	[smem:$0x3FA6] =	sst s6  }
0xf: {  	[smem:$0x3FA7] =	sst s7  }
0x10: {  	[smem:$0x3FA8] =	sst s8  }
0x11: {  	[smem:$0x3FA9] =	sst s9;
	s0 =	simm.s32 @!p0 $0x0  }
0x12: {  	s1 =	sld [smem:$0x3F8F];
	s0 =	simm.s32 @p0 $0x1  }
0x13: {  	[smem:$0x3FAA] =	sst s0;
	s0 =	simm.s32 @!p1 $0x0  }
0x14: {  	s2 =	sld [smem:$0x3F8E];
	s0 =	simm.s32 @p1 $0x1  }
0x15: {  	[smem:$0x3FAB] =	sst s0;
	s0 =	simm.s32 @!p2 $0x0  }
0x16: {  	s3 =	sld [smem:$0x3FDB];
	s0 =	simm.s32 @p2 $0x1  }
0x17: {  	s4 =	simm.s32 $0x1BF5;
	[smem:$0x3FAD] =	sst s0  }
0x18: {  	s0 =	sld [smem:$0x3F90];
	_ =	swait.ge [sflag:s4], $0x0  }
0x19: {  	s7 =	sld [smem:$0x3F91]  }
0x1a: {  	s8 =	sadd.s32 $0xFFFFE003, lr  }
0x1b: {  	s9 =	sadd.s32 $0xFFFFFEF7, lr;
	s5 =	simm.s32 $0xFFFFFFFF;
	p2 =	slt.u32 s8, $0xFFFFF086  }
0x1c: {  	p1 =	slt.u32 s9, $0xF7A;
	s5 =	simm.s32 @!p2 $0x0  }
0x1d: {  	s5 =	simm.s32 @p1 $0x1;
	p0 =	seq.s32 s7, s2  }
0x1e: {  	s7 =	smul.u32 @!p0 $0xF7A, s2;
	p2 =	seq.s32 @!p0 s5, $0x0  }
0x1f: {  	s9 =	smul.u32 $0xF7A, s1;
	s8 =	simm.s32 @!p0 $0x1BF5;
	p2 =	por !p2, p0  }
0x20: {  	[sflag:s8] =	ssyncset.s32 @!p0 $0xFFFFF086;
	s6 =	sadd.s32 @!p0 s3, s7;
	s7 =	simm.s32 @!p0 $0x108  }
0x21: {  	s3 =	sadd.s32 s3, s9;
	s6 =	sadd.s32 @!p0 $0x88, s6;
	s7 =	simm.s32 @p2 $0x1082  }
0x22: {  	[simem:s7], [sflag:s8] =	dma.local @!p0 [hbm:s6], $0xF7A  }
0x23: {  	s9 =	sor.u32 $0xD0000000, s2;
	s6 =	simm.s32 $0x108;
	_ =	swait.ge @!p0 [sflag:s8], $0x0  }
0x24: {  	s3 =	sadd.s32 $0x88, s3;
	s6 =	simm.s32 @!p1 $0x1082;
	[sflag:s4] =	ssyncset.s32 $0xFFFFF086  }
0x25: {  	[simem:s6], [sflag:s4] =	dma.local [hbm:s3], $0xF7A  }
0x26: {  	[smem:$0x3F91] =	sst s1;
	(tag) =	ssettag s2;
	_ =	strace s9  }
0x27: {  	s1 =	sld [smem:$0x3FA1]  }
0x28: {  	s2 =	sld [smem:$0x3FA2]  }
0x29: {  	s4 =	sld [smem:$0x3FA4]  }
0x2a: {  	p0 =	seq.s32 s5, $0x0;
	s5 =	sld [smem:$0x3FA5]  }
0x2b: {  	s6 =	sld [smem:$0x3FA6]  }
0x2c: {  	s7 =	sld [smem:$0x3FA7]  }
0x2d: {  	s3 =	simm.s32 $0x108;
	s8 =	sld [smem:$0x3FA8]  }
0x2e: {  	s3 =	simm.s32 @!p0 $0x1082;
	s9 =	sld [smem:$0x3FA9]  }
0x2f: {  	lr =	sadd.s32 s0, s3;
	s0 =	sld [smem:$0x3FA0]  }
0x30: {  	s3 =	sld [smem:$0x3FA3]  }
0x31: {  	[smem:$0x3FAC] =	sst s10  }
0x32: {  	s10 =	sld [smem:$0x3FAA];
	_ =	sdelay $0x3  }
0x33: {  	p0 =	seq.s32 s10, $0x1;
	s10 =	sld [smem:$0x3FAC];
	_ =	sdelay $0x3  }
0x34: {  	[smem:$0x3FAC] =	sst s10  }
0x35: {  	s10 =	sld [smem:$0x3FAB];
	_ =	sdelay $0x3  }
0x36: {  	p1 =	seq.s32 s10, $0x1;
	s10 =	sld [smem:$0x3FAC];
	_ =	sdelay $0x3  }
0x37: {  	[smem:$0x3FAC] =	sst s10  }
0x38: {  	s10 =	sld [smem:$0x3FAD]  }
0x39: {  	_ = 	snop;
	(pc) =	sbr.ind lr, $3  }
0x3a: {  	_ = 	snop  }
0x3b: {  	_ = 	snop  }
0x3c: {  	p2 =	seq.s32 s10, $0x1;
	s10 =	sld [smem:$0x3FAC]  }
0x3d: {  	_ =	shalt  }
0x3e: {  	_ =	shalt  }
0x3f: {  	_ =	shalt  }
0x40: {  	_ =	shalt  }
0x41: {  	_ =	shalt  }
0x42: {  	_ =	shalt  }
0x43: {  	_ =	shalt  }
0x44: {  	_ =	shalt  }
0x45: {  	_ =	shalt  }
0x46: {  	_ =	shalt  }
0x47: {  	_ =	shalt  }
0x48: {  	_ =	shalt  }
0x49: {  	_ =	shalt  }
0x4a: {  	_ =	shalt  }
0x4b: {  	_ =	shalt  }
0x4c: {  	_ =	shalt  }
0x4d: {  	_ =	shalt  }
0x4e: {  	_ =	shalt  }
0x4f: {  	_ =	shalt  }
0x50: {  	_ =	shalt  }
0x51: {  	_ =	shalt  }
0x52: {  	_ =	shalt  }
0x53: {  	_ =	shalt  }
0x54: {  	_ =	shalt  }
0x55: {  	_ =	shalt  }
0x56: {  	_ =	shalt  }
0x57: {  	_ =	shalt  }
0x58: {  	_ =	shalt  }
0x59: {  	_ =	shalt  }
0x5a: {  	_ =	shalt  }
0x5b: {  	_ =	shalt  }
0x5c: {  	_ =	shalt  }
0x5d: {  	_ =	shalt  }
0x5e: {  	_ =	shalt  }
0x5f: {  	_ =	shalt  }
0x60: {  	_ =	shalt  }
0x61: {  	_ =	shalt  }
0x62: {  	_ =	shalt  }
0x63: {  	_ =	shalt  }
0x64: {  	_ =	shalt  }
0x65: {  	_ =	shalt  }
0x66: {  	_ =	shalt  }
0x67: {  	_ =	shalt  }
0x68: {  	_ =	shalt  }
0x69: {  	_ =	shalt  }
0x6a: {  	_ =	shalt  }
0x6b: {  	_ =	shalt  }
0x6c: {  	_ =	shalt  }
0x6d: {  	_ =	shalt  }
0x6e: {  	_ =	shalt  }
0x6f: {  	_ =	shalt  }
0x70: {  	_ =	shalt  }
0x71: {  	_ =	shalt  }
0x72: {  	_ =	shalt  }
0x73: {  	_ =	shalt  }
0x74: {  	_ =	shalt  }
0x75: {  	_ =	shalt  }
0x76: {  	_ =	shalt  }
0x77: {  	_ =	shalt  }
0x78: {  	_ =	shalt  }
0x79: {  	_ =	shalt  }
0x7a: {  	_ =	shalt  }
0x7b: {  	_ =	shalt  }
0x7c: {  	_ =	shalt  }
0x7d: {  	_ =	shalt  }
0x7e: {  	_ =	shalt  }
0x7f: {  	_ =	shalt  }
0x80: {  	_ =	shalt  }
0x81: {  	_ =	shalt  }
0x82: {  	_ =	shalt  }
0x83: {  	_ =	shalt  }
0x84: {  	_ =	shalt  }
0x85: {  	_ =	shalt  }
0x86: {  	_ =	shalt  }
0x87: {  	_ =	shalt  }
.Lfunc_end0:
.L_simem_size_0:
called_computation.4_lowered:
.L_overlay_start_0:
0x88: {  	s2 =	sld [smem:$0x3FD9]  }
0x89: {  	s3 =	sld [smem:$0x3FFE];
	_ =	sdelay $0x1  }
0x8a: {  	s1 =	srdreg.scid  }
0x8b: {  	s0 =	sand.u32 $0x1, s1  }
0x8c: {  	s16 =	sshll.u32 s0, $0xA;
	s2 =	sadd.s32 s3, s2  }
0x8d: {  	s2 =	sadd.s32 s2, s16  }
0x8e: {  	[smem:$0x3FB8] =	sst s2  }
0x8f: {  	_ = 	snop  }
0x90: {  	(tm) =	ssettm $0x1  }
0x91: {  	s17 =	sld [smem:$0x3FFB];
	_ =	sdelay $0x3  }
0x92: {  	_ =	strace s17  }
0x93: {  	s2 =	sld [smem:$0x3FFC];
	_ =	sdelay $0x3  }
0x94: {  	_ =	strace s2  }
0x95: {  	s2 =	sld [smem:$0x3FFD];
	_ =	sdelay $0x3  }
0x96: {  	_ =	strace s2  }
0x97: {  	_ =	strace $0x8FFFFFFF  }
0x98: {  	s18 =	sld [smem:$0x3FDB];
	_ =	sdelay $0x1  }
0x99: {  	s19 =	simm.s32 $_scs_section_size  }
0x9a: {  	s4 =	simm.s32 $_size__tile_overlayer_lowered;
	s5 =	simm.s32 $_tile_overlayer_lowered  }
0x9b: {  	s22 =	simm.s32 $0x1BFF;
	s21 =	sshll.u32 s5, $0x1;
	s2 =	sadd.s32 s19, s18  }
0x9c: {  	s6 =	simm.s32 $0x0;
	s20 =	sshll.u32 s4, $0x1;
	s4 =	sadd.s32 s21, s2  }
0x9d: {  	[timem:s6], [sflag:s22] =	dma.local [hbm:s4], s20  }
0x9e: {  	_ =	swait.ge [sflag:s22], s20  }
0x9f: {  	s3 =	ssub.s32 $0x0, s20;
	[sflag:s22] =	ssyncset.done $0x0  }
0xa0: {  	[sflag:s22] =	ssyncadd.s32 s3;
	_ =	sdelay $0x1  }
0xa1: {  	s23 =	simm.s32 $0x1B8B  }
0xa2: {  	_ =	swait.ge [sflag:s23], $0x1  }
0xa3: {  	[sflag:s23] =	ssyncset.done $0x0  }
0xa4: {  	s25 =	simm.s32 $0x1B8E;
	s24 =	sld [smem:$0x3FFE];
	[sflag:s23] =	ssyncadd.s32 $0xFFFFFFFF  }
0xa5: {  	s26 =	simm.s32 $execute0_lowered;
	[smem:$0x3FD2] =	sst s25  }
0xa6: {  	s4 =	sshll.u32 s26, $0x1;
	_ =	strace $0x80000052;
	[dreg:$0x1] =	wrdreg $0xFFFFFFFF  }
0xa7: {  	s28 =	simm.s32 $_size_execute0_lowered;
	s2 =	sadd.s32 s2, s4;
	[dreg:$0x0] =	wrdreg $0x0  }
0xa8: {  	s4 =	sshll.u32 s28, $0x1;
	[dreg:$0x2] =	wrdreg s2  }
0xa9: {  	[dreg:$0x3] =	wrdreg s4  }
0xaa: {  	[dreg:$0x4] =	wrdreg $0xC0  }
0xab: {  	_ =	task [dreg:s6], $0x5FFFF  }
0xac: {  	[dreg:$0x1] =	wrdreg $0xFFFFFFFF  }
0xad: {  	[dreg:$0x0] =	wrdreg $0x60  }
0xae: {  	[dreg:$0x2] =	wrdreg s24  }
0xaf: {  	[dreg:$0x3] =	wrdreg $0xA0000  }
0xb0: {  	[dreg:$0x4] =	wrdreg $0x9  }
0xb1: {  	_ =	task.clear_ibuf [dreg:s6], $0x5FFFF;
	_ =	strace $0x90000052  }
0xb2: {  	s29 =	simm.s32 $0x9;
	_ =	strace $0x80000054  }
0xb3: {  	_ =	swait.ge [sflag:s29], $0x1  }
0xb4: {  	[sflag:s29] =	ssyncadd.s32 $0xFFFFFFFF  }
0xb5: {  	_ =	strace $0x90000054  }
0xb6: {  	_ =	sfence  }
0xb7: {  	s30 =	sld [smem:$0x0];
	_ =	sdelay $0x2  }
0xb8: {  	s31 =	sshll.u32 s1, $0xD;
	s1 =	sshrl.u32 s1, $0x2  }
0xb9: {  	s3 =	sand.u32 $0x4000, s31;
	s1 =	sadd.s32 s1, s30  }
0xba: {  	s0 =	sor.u32 s3, s0;
	s1 =	sshll.u32 s1, $0x11  }
0xbb: {  	s0 =	sor.u32 s1, s0  }
0xbc: {  	s0 =	sadd.s32 $0x8F2B, s0  }
0xbd: {  	[sflag:s0] =	ssyncadd.remote.s32 $0x1  }
0xbe: {  	_ =	sfence.sel $0xFFFF  }
0xbf: {  	[dreg:$0x0] =	wrdreg $0xFFFFFFFF;
	(pc) =	sbr.abs _section_cstart, $3  }
0xc0: {  	[dreg:$0x1] =	wrdreg $0xFFFFFFFF  }
0xc1: {  	_ =	task.clear_ibuf [dreg:s6], $0x2FFFF;
	_ =	strace $0x9FFFFFFF  }
0xc2: {  	(tm) =	ssettm $0x7FFFFFFF  }
0xc3: {  	_ =	shalt  }
tec
execute0_lowered:
.L_overlay_start_1:
0x0: {  	(tag) =	ssettag $0x1  }
0x1: {  	s6 =	rddreg [dreg:$0x0]  }
0x2: {  	s0 =	srdreg.scid;
	s2 =	rddreg [dreg:$0x1]  }
0x3: {  	s1 =	rddreg [dreg:$0x2];
	s8 =	sand.u32 $0x1, s0  }
0x4: {  	s3 =	simm.s32 $0x0;
	s0 =	stileid.u32;
	s4 =	smul.u32 $0x30000, s8  }
0x5: {  	s15 =	simm.s32 $0x6000;
	s16 =	simm.s32 $0x1;
	s5 =	smul.u32 $0x3000, s0  }
0x6: {  	s17 =	simm.s32 $0x0;
	[smem:$0x7FF] =	sst s3;
	s7 =	smul.u32 $0x2780, s0  }
0x7: {  	s9 =	smul.u32 $0x27800, s8;
	_ =	strace $0x80000053;
	s28 =	ssub.s32 $0x2, s8  }
0x8: {  	s12 =	smul.u32 $0x4F000, s0;
	p0 =	seq.s32 s8, $0x0;
	s8 =	simm.s32 $0x40  }
0x9: {  	s31 =	sshll.u32 s0, $0x6;
	s29 =	sshrl.u32 s28, $0x1;
	s8 =	simm.s32 @!p0 $0x5D  }
0xa: {  	s4 =	sadd.s32 s5, s4;
	s7 =	sadd.s32 s7, s9;
	s13 =	ssub.s32 s28, s29  }
0xb: {  	s30 =	sshrl.u32 s12, $0x2;
	s12 =	sor.u32 $0x1C02, s31;
	s5 =	sshrl.u32 s4, $0x3  }
0xc: {  	s4 =	sadd.s32 $0x20600, s6;
	s11 =	sadd.s32 s7, s6;
	s14 =	sadd.s32 s30, s2  }
0xd: {  	s10 =	sadd.s32 s5, s6;
	s5 =	sadd.s32 $0x1DE00, s6;
	s9 =	sadd.s32 $0x96800, s11  }
0xe: {  	s11 =	simm.s32 $0x2;
	s6 =	sadd.s32 $0x5E00, s10;
	s7 =	sadd.s32 $0x11E00, s10  }
0xf: {  	s10 =	smax.u32 s13, $0x1;
	s13 =	sshrl.u32 s14, $0x3;
	s14 =	simm.s32 $0x80  }
.LBB2_1:
0x10: {  	[tilespmem:s3], [sflag:$0x2] =	stream.linear.gather [hbm4b:s6+s3], $0x2E80, $0x38;
	[tilespmem:$0x1DC00] =	vst v63  }
0x11: {  	_ =	swait.ge [sflag:s11], $0x2E80  }
0x12: {  	[sflag:s11] =	ssyncset.done $0x0  }
0x13: {  	s18 =	simm.s32 $0x3000;
	[sflag:s11] =	ssyncadd.s32 $0xFFFFD180  }
0x14: {  	[tilespmem:s18], [sflag:$0x2] =	stream.linear.gather [hbm4b:s7+s3], $0x2E80, $0x38;
	[tilespmem:$0x1DC00] =	vst v63  }
0x15: {  	_ =	swait.ge [sflag:s11], $0x2E80  }
0x16: {  	[sflag:s11] =	ssyncset.done $0x0  }
0x17: {  	[sflag:s11] =	ssyncadd.s32 $0xFFFFD180  }
0x18: {  	[spmem:s13], [sflag:s12] =	dma.local [hbm:s5], $0x2780  }
0x19: {  	_ =	swait.ge [sflag:s11], $0x2780  }
0x1a: {  	[sflag:s11] =	ssyncset.done $0x0  }
0x1b: {  	[sflag:s11] =	ssyncadd.s32 $0xFFFFD880  }
0x1c: {  	[bflag:$0x0] =	sbarrier.arrive $0xFFFF  }
0x1d: {  	[tilespmem:s15], [sflag:$0x1] =	stream.indirect.gather [hbm4b:s4+s14], $0x80, s3, s14, $0xb8;
	[tilespmem:$0x1DC00] =	vst v63  }
0x1e: {  	p0 =	sne.s32 s8, $0x1;
	_ =	swait.ge [sflag:s16], $0x4000  }
.Ltmp0:
0x1f: {  	[sflag:s16] =	ssyncset.done $0x0;
	(pc) =	sbr.rel @!p0 .LBB2_3-.Ltmp0, $4  }
0x20: {  	[sflag:s16] =	ssyncadd.s32 $0xFFFFC000  }
0x21: {  	[spmem:s2] =	stream.indirect.scatter.add.f32 [tilespmem:s15], [sflag:$0x2], $0x80, s18, s14, $0xb8;
	[tilespmem:$0x1DC00] =	vst v63  }
0x22: {  	_ =	swait.ge [sflag:s11], $0x4000  }
0x23: {  	s19 =	sadd.s32 $0xFFFFFFFF, s8;
	s20 =	simm.s32 $0x0;
	[sflag:s11] =	ssyncset.done $0x0  }
.LBB2_2:
0x24: {  	[sflag:s11] =	ssyncadd.s32 $0xFFFFC000;
	s20 =	sadd.s32 $0x80, s20;
	s18 =	sadd.s32 $0x80, s18  }
0x25: {  	[tilespmem:s15], [sflag:$0x1] =	stream.indirect.gather [hbm4b:s4+s14], $0x80, s20, s14, $0xb8;
	[tilespmem:$0x1DC00] =	vst v63  }
0x26: {  	p0 =	sne.s32 s19, $0x1;
	s19 =	sadd.s32 $0xFFFFFFFF, s19;
	_ =	swait.ge [sflag:s16], $0x4000  }
.Ltmp1:
0x27: {  	[sflag:s16] =	ssyncset.done $0x0;
	(pc) =	sbr.rel @p0 .LBB2_2-.Ltmp1, $4  }
0x28: {  	[sflag:s16] =	ssyncadd.s32 $0xFFFFC000  }
0x29: {  	[spmem:s2] =	stream.indirect.scatter.add.f32 [tilespmem:s15], [sflag:$0x2], $0x80, s18, s14, $0xb8;
	[tilespmem:$0x1DC00] =	vst v63  }
0x2a: {  	_ =	swait.ge [sflag:s11], $0x4000  }
0x2b: {  	[sflag:s11] =	ssyncset.done $0x0  }
.LBB2_3:
0x2c: {  	s17 =	sadd.s32 $0x1, s17  }
0x2d: {  	[sflag:s11] =	ssyncadd.s32 $0xFFFFC000;
	p0 =	sne.s32 s17, s10  }
.Ltmp2:
0x2e: {  	[bflag:$0x0] =	sbarrier.arrive $0xFFFF;
	(pc) =	sbr.rel @p0 .LBB2_1-.Ltmp2, $4  }
0x2f: {  	[hbm:s9], [sflag:s12] =	dma.local [spmem:s13], $0x2780  }
0x30: {  	_ =	swait.ge [sflag:s11], $0x2780  }
0x31: {  	[sflag:s11] =	ssyncset.done $0x0  }
0x32: {  	[sflag:s11] =	ssyncadd.s32 $0xFFFFD880  }
0x33: {  	_ =	sfence.sel $0x180000  }
0x34: {  	[bflag:$0x0] =	sbarrier.arrive $0xFFFF  }
0x35: {  	p0 =	sne.s32 s0, $0x0;
	_ =	strace $0x90000053  }
0x36: {  	s0 =	sadd.s32 @!p0 $0x100000, s1;
	[bflag:$0x2] =	sbarrier.arrive $0xFFFF  }
0x37: {  	[sflag:s0] =	ssyncadd.tile.s32 @!p0 $0x1;
	_ =	shalt  }
.Lfunc_end2:
_tile_overlayer_lowered:
.L_overlay_start_2:
0x38: {  	(tag) =	ssettag $0x2  }
0x39: {  	s0 =	rddreg [dreg:$0x0];
	s2 =	stileid.u32  }
0x3a: {  	s1 =	rddreg [dreg:$0x1];
	p0 =	sne.s32 s2, $0x0  }
0x3b: {  	s3 =	rddreg [dreg:$0x2];
	[bflag:$0x3] =	sbarrier.arrive $0xFFFF;
	s2 =	simm.s32 @!p0 $0x1C02  }
0x3c: {  	[timem:s3], [sflag:s2] =	dma.local @!p0 [hbm:s0], s1  }
0x3d: {  	s0 =	simm.s32 @!p0 $0x2  }
0x3e: {  	_ =	swait.ge @!p0 [sflag:s0], s1  }
0x3f: {  	s1 =	ssub.s32 @!p0 $0x0, s1;
	[sflag:s0] =	ssyncset.done @!p0 $0x0  }
0x40: {  	[sflag:s0] =	ssyncadd.s32 @!p0 s1  }
0x41: {  	[bflag:$0x3] =	sbarrier.arrive $0xFFFF  }
0x42: {  	_ =	shalt  }

// kernel: kernel.31.cloned.1.call-start
scs
__scs_entry_jumppad:
0x0: {  	(pc) =	sbr.rel $0x88, $3  }
0x1: {  	(tag) =	ssettag $0x0;
	lr =	simm.s32 $0x1  }
0x2: {  	[smem:$0x3F91] =	sst lr;
	_ =	strace $0xD0000000  }
0x3: {  	_ = 	snop  }
0x4: {  	_ = 	snop  }
0x5: {  	_ = 	snop  }
0x6: {  	_ = 	snop  }
0x7: {  	_ = 	snop  }
__scs_overlays_trampoline_lowered:
0x8: {  	[smem:$0x3FA0] =	sst s0  }
0x9: {  	[smem:$0x3FA1] =	sst s1  }
0xa: {  	[smem:$0x3FA2] =	sst s2  }
0xb: {  	[smem:$0x3FA3] =	sst s3  }
0xc: {  	[smem:$0x3FA4] =	sst s4  }
0xd: {  	[smem:$0x3FA5] =	sst s5  }
0xe: {  	[smem:$0x3FA6] =	sst s6  }
0xf: {  	[smem:$0x3FA7] =	sst s7  }
0x10: {  	[smem:$0x3FA8] =	sst s8  }
0x11: {  	[smem:$0x3FA9] =	sst s9;
	s0 =	simm.s32 @!p0 $0x0  }
0x12: {  	s1 =	sld [smem:$0x3F8F];
	s0 =	simm.s32 @p0 $0x1  }
0x13: {  	[smem:$0x3FAA] =	sst s0;
	s0 =	simm.s32 @!p1 $0x0  }
0x14: {  	s2 =	sld [smem:$0x3F8E];
	s0 =	simm.s32 @p1 $0x1  }
0x15: {  	[smem:$0x3FAB] =	sst s0;
	s0 =	simm.s32 @!p2 $0x0  }
0x16: {  	s3 =	sld [smem:$0x3FDB];
	s0 =	simm.s32 @p2 $0x1  }
0x17: {  	s4 =	simm.s32 $0x1BF5;
	[smem:$0x3FAD] =	sst s0  }
0x18: {  	s0 =	sld [smem:$0x3F90];
	_ =	swait.ge [sflag:s4], $0x0  }
0x19: {  	s7 =	sld [smem:$0x3F91]  }
0x1a: {  	s8 =	sadd.s32 $0xFFFFE003, lr  }
0x1b: {  	s9 =	sadd.s32 $0xFFFFFEF7, lr;
	s5 =	simm.s32 $0xFFFFFFFF;
	p2 =	slt.u32 s8, $0xFFFFF086  }
0x1c: {  	p1 =	slt.u32 s9, $0xF7A;
	s5 =	simm.s32 @!p2 $0x0  }
0x1d: {  	s5 =	simm.s32 @p1 $0x1;
	p0 =	seq.s32 s7, s2  }
0x1e: {  	s7 =	smul.u32 @!p0 $0xF7A, s2;
	p2 =	seq.s32 @!p0 s5, $0x0  }
0x1f: {  	s9 =	smul.u32 $0xF7A, s1;
	s8 =	simm.s32 @!p0 $0x1BF5;
	p2 =	por !p2, p0  }
0x20: {  	[sflag:s8] =	ssyncset.s32 @!p0 $0xFFFFF086;
	s6 =	sadd.s32 @!p0 s3, s7;
	s7 =	simm.s32 @!p0 $0x108  }
0x21: {  	s3 =	sadd.s32 s3, s9;
	s6 =	sadd.s32 @!p0 $0x88, s6;
	s7 =	simm.s32 @p2 $0x1082  }
0x22: {  	[simem:s7], [sflag:s8] =	dma.local @!p0 [hbm:s6], $0xF7A  }
0x23: {  	s9 =	sor.u32 $0xD0000000, s2;
	s6 =	simm.s32 $0x108;
	_ =	swait.ge @!p0 [sflag:s8], $0x0  }
0x24: {  	s3 =	sadd.s32 $0x88, s3;
	s6 =	simm.s32 @!p1 $0x1082;
	[sflag:s4] =	ssyncset.s32 $0xFFFFF086  }
0x25: {  	[simem:s6], [sflag:s4] =	dma.local [hbm:s3], $0xF7A  }
0x26: {  	[smem:$0x3F91] =	sst s1;
	(tag) =	ssettag s2;
	_ =	strace s9  }
0x27: {  	s1 =	sld [smem:$0x3FA1]  }
0x28: {  	s2 =	sld [smem:$0x3FA2]  }
0x29: {  	s4 =	sld [smem:$0x3FA4]  }
0x2a: {  	p0 =	seq.s32 s5, $0x0;
	s5 =	sld [smem:$0x3FA5]  }
0x2b: {  	s6 =	sld [smem:$0x3FA6]  }
0x2c: {  	s7 =	sld [smem:$0x3FA7]  }
0x2d: {  	s3 =	simm.s32 $0x108;
	s8 =	sld [smem:$0x3FA8]  }
0x2e: {  	s3 =	simm.s32 @!p0 $0x1082;
	s9 =	sld [smem:$0x3FA9]  }
0x2f: {  	lr =	sadd.s32 s0, s3;
	s0 =	sld [smem:$0x3FA0]  }
0x30: {  	s3 =	sld [smem:$0x3FA3]  }
0x31: {  	[smem:$0x3FAC] =	sst s10  }
0x32: {  	s10 =	sld [smem:$0x3FAA];
	_ =	sdelay $0x3  }
0x33: {  	p0 =	seq.s32 s10, $0x1;
	s10 =	sld [smem:$0x3FAC];
	_ =	sdelay $0x3  }
0x34: {  	[smem:$0x3FAC] =	sst s10  }
0x35: {  	s10 =	sld [smem:$0x3FAB];
	_ =	sdelay $0x3  }
0x36: {  	p1 =	seq.s32 s10, $0x1;
	s10 =	sld [smem:$0x3FAC];
	_ =	sdelay $0x3  }
0x37: {  	[smem:$0x3FAC] =	sst s10  }
0x38: {  	s10 =	sld [smem:$0x3FAD]  }
0x39: {  	_ = 	snop;
	(pc) =	sbr.ind lr, $3  }
0x3a: {  	_ = 	snop  }
0x3b: {  	_ = 	snop  }
0x3c: {  	p2 =	seq.s32 s10, $0x1;
	s10 =	sld [smem:$0x3FAC]  }
0x3d: {  	_ =	shalt  }
0x3e: {  	_ =	shalt  }
0x3f: {  	_ =	shalt  }
0x40: {  	_ =	shalt  }
0x41: {  	_ =	shalt  }
0x42: {  	_ =	shalt  }
0x43: {  	_ =	shalt  }
0x44: {  	_ =	shalt  }
0x45: {  	_ =	shalt  }
0x46: {  	_ =	shalt  }
0x47: {  	_ =	shalt  }
0x48: {  	_ =	shalt  }
0x49: {  	_ =	shalt  }
0x4a: {  	_ =	shalt  }
0x4b: {  	_ =	shalt  }
0x4c: {  	_ =	shalt  }
0x4d: {  	_ =	shalt  }
0x4e: {  	_ =	shalt  }
0x4f: {  	_ =	shalt  }
0x50: {  	_ =	shalt  }
0x51: {  	_ =	shalt  }
0x52: {  	_ =	shalt  }
0x53: {  	_ =	shalt  }
0x54: {  	_ =	shalt  }
0x55: {  	_ =	shalt  }
0x56: {  	_ =	shalt  }
0x57: {  	_ =	shalt  }
0x58: {  	_ =	shalt  }
0x59: {  	_ =	shalt  }
0x5a: {  	_ =	shalt  }
0x5b: {  	_ =	shalt  }
0x5c: {  	_ =	shalt  }
0x5d: {  	_ =	shalt  }
0x5e: {  	_ =	shalt  }
0x5f: {  	_ =	shalt  }
0x60: {  	_ =	shalt  }
0x61: {  	_ =	shalt  }
0x62: {  	_ =	shalt  }
0x63: {  	_ =	shalt  }
0x64: {  	_ =	shalt  }
0x65: {  	_ =	shalt  }
0x66: {  	_ =	shalt  }
0x67: {  	_ =	shalt  }
0x68: {  	_ =	shalt  }
0x69: {  	_ =	shalt  }
0x6a: {  	_ =	shalt  }
0x6b: {  	_ =	shalt  }
0x6c: {  	_ =	shalt  }
0x6d: {  	_ =	shalt  }
0x6e: {  	_ =	shalt  }
0x6f: {  	_ =	shalt  }
0x70: {  	_ =	shalt  }
0x71: {  	_ =	shalt  }
0x72: {  	_ =	shalt  }
0x73: {  	_ =	shalt  }
0x74: {  	_ =	shalt  }
0x75: {  	_ =	shalt  }
0x76: {  	_ =	shalt  }
0x77: {  	_ =	shalt  }
0x78: {  	_ =	shalt  }
0x79: {  	_ =	shalt  }
0x7a: {  	_ =	shalt  }
0x7b: {  	_ =	shalt  }
0x7c: {  	_ =	shalt  }
0x7d: {  	_ =	shalt  }
0x7e: {  	_ =	shalt  }
0x7f: {  	_ =	shalt  }
0x80: {  	_ =	shalt  }
0x81: {  	_ =	shalt  }
0x82: {  	_ =	shalt  }
0x83: {  	_ =	shalt  }
0x84: {  	_ =	shalt  }
0x85: {  	_ =	shalt  }
0x86: {  	_ =	shalt  }
0x87: {  	_ =	shalt  }
.Lfunc_end0:
.L_simem_size_0:
called_computation.5_lowered:
.L_overlay_start_0:
0x88: {  	s2 =	sld [smem:$0x3FD9]  }
0x89: {  	s3 =	sld [smem:$0x3FFE];
	_ =	sdelay $0x1  }
0x8a: {  	s1 =	srdreg.scid  }
0x8b: {  	s0 =	sand.u32 $0x1, s1  }
0x8c: {  	s16 =	sshll.u32 s0, $0xA;
	s2 =	sadd.s32 s3, s2  }
0x8d: {  	s2 =	sadd.s32 s2, s16  }
0x8e: {  	[smem:$0x3FB8] =	sst s2  }
0x8f: {  	_ = 	snop  }
0x90: {  	(tm) =	ssettm $0x1  }
0x91: {  	s17 =	sld [smem:$0x3FFB];
	_ =	sdelay $0x3  }
0x92: {  	_ =	strace s17  }
0x93: {  	s2 =	sld [smem:$0x3FFC];
	_ =	sdelay $0x3  }
0x94: {  	_ =	strace s2  }
0x95: {  	s2 =	sld [smem:$0x3FFD];
	_ =	sdelay $0x3  }
0x96: {  	_ =	strace s2  }
0x97: {  	_ =	strace $0x8FFFFFFF  }
0x98: {  	s18 =	sld [smem:$0x3FDB];
	_ =	sdelay $0x1  }
0x99: {  	s19 =	simm.s32 $_scs_section_size  }
0x9a: {  	s4 =	simm.s32 $_size__tile_overlayer_lowered;
	s5 =	simm.s32 $_tile_overlayer_lowered  }
0x9b: {  	s22 =	simm.s32 $0x1BFF;
	s21 =	sshll.u32 s5, $0x1;
	s2 =	sadd.s32 s19, s18  }
0x9c: {  	s6 =	simm.s32 $0x0;
	s20 =	sshll.u32 s4, $0x1;
	s4 =	sadd.s32 s21, s2  }
0x9d: {  	[timem:s6], [sflag:s22] =	dma.local [hbm:s4], s20  }
0x9e: {  	_ =	swait.ge [sflag:s22], s20  }
0x9f: {  	s3 =	ssub.s32 $0x0, s20;
	[sflag:s22] =	ssyncset.done $0x0  }
0xa0: {  	[sflag:s22] =	ssyncadd.s32 s3;
	_ =	sdelay $0x1  }
0xa1: {  	s23 =	simm.s32 $0x1B8B  }
0xa2: {  	_ =	swait.ge [sflag:s23], $0x1  }
0xa3: {  	[sflag:s23] =	ssyncset.done $0x0  }
0xa4: {  	s25 =	simm.s32 $0x1B8E;
	s24 =	sld [smem:$0x3FFE];
	[sflag:s23] =	ssyncadd.s32 $0xFFFFFFFF  }
0xa5: {  	s26 =	simm.s32 $execute0_lowered;
	[smem:$0x3FD2] =	sst s25  }
0xa6: {  	s4 =	sshll.u32 s26, $0x1;
	_ =	strace $0x80000055;
	[dreg:$0x1] =	wrdreg $0xFFFFFFFF  }
0xa7: {  	s28 =	simm.s32 $_size_execute0_lowered;
	s2 =	sadd.s32 s2, s4;
	[dreg:$0x0] =	wrdreg $0x0  }
0xa8: {  	s4 =	sshll.u32 s28, $0x1;
	[dreg:$0x2] =	wrdreg s2  }
0xa9: {  	[dreg:$0x3] =	wrdreg s4  }
0xaa: {  	[dreg:$0x4] =	wrdreg $0xC0  }
0xab: {  	_ =	task [dreg:s6], $0x5FFFF  }
0xac: {  	[dreg:$0x1] =	wrdreg $0xFFFFFFFF  }
0xad: {  	[dreg:$0x0] =	wrdreg $0x60  }
0xae: {  	[dreg:$0x2] =	wrdreg s24  }
0xaf: {  	[dreg:$0x3] =	wrdreg $0xA0000  }
0xb0: {  	[dreg:$0x4] =	wrdreg $0x9  }
0xb1: {  	_ =	task.clear_ibuf [dreg:s6], $0x5FFFF;
	_ =	strace $0x90000055  }
0xb2: {  	s29 =	simm.s32 $0x9;
	_ =	strace $0x80000057  }
0xb3: {  	_ =	swait.ge [sflag:s29], $0x1  }
0xb4: {  	[sflag:s29] =	ssyncadd.s32 $0xFFFFFFFF  }
0xb5: {  	_ =	strace $0x90000057  }
0xb6: {  	_ =	sfence  }
0xb7: {  	s30 =	sld [smem:$0x0];
	_ =	sdelay $0x2  }
0xb8: {  	s31 =	sshll.u32 s1, $0xD;
	s1 =	sshrl.u32 s1, $0x2  }
0xb9: {  	s3 =	sand.u32 $0x4000, s31;
	s1 =	sadd.s32 s1, s30  }
0xba: {  	s0 =	sor.u32 s3, s0;
	s1 =	sshll.u32 s1, $0x11  }
0xbb: {  	s0 =	sor.u32 s1, s0  }
0xbc: {  	s0 =	sadd.s32 $0x8F2B, s0  }
0xbd: {  	[sflag:s0] =	ssyncadd.remote.s32 $0x1  }
0xbe: {  	_ =	sfence.sel $0xFFFF  }
0xbf: {  	[dreg:$0x0] =	wrdreg $0xFFFFFFFF;
	(pc) =	sbr.abs _section_cstart, $3  }
0xc0: {  	[dreg:$0x1] =	wrdreg $0xFFFFFFFF  }
0xc1: {  	_ =	task.clear_ibuf [dreg:s6], $0x2FFFF;
	_ =	strace $0x9FFFFFFF  }
0xc2: {  	(tm) =	ssettm $0x7FFFFFFF  }
0xc3: {  	_ =	shalt  }
tec
execute0_lowered:
.L_overlay_start_1:
0x0: {  	(tag) =	ssettag $0x1  }
0x1: {  	s6 =	rddreg [dreg:$0x0]  }
0x2: {  	s0 =	srdreg.scid;
	s2 =	rddreg [dreg:$0x1]  }
0x3: {  	s1 =	rddreg [dreg:$0x2];
	s8 =	sand.u32 $0x1, s0  }
0x4: {  	s3 =	simm.s32 $0x0;
	s0 =	stileid.u32;
	s4 =	smul.u32 $0x30000, s8  }
0x5: {  	s15 =	simm.s32 $0x6000;
	s16 =	simm.s32 $0x1;
	s5 =	smul.u32 $0x3000, s0  }
0x6: {  	s17 =	simm.s32 $0x0;
	[smem:$0x7FF] =	sst s3;
	s7 =	smul.u32 $0x2780, s0  }
0x7: {  	s9 =	smul.u32 $0x27800, s8;
	_ =	strace $0x80000056;
	s28 =	ssub.s32 $0x2, s8  }
0x8: {  	s12 =	smul.u32 $0x4F000, s0;
	p0 =	seq.s32 s8, $0x0;
	s8 =	simm.s32 $0x40  }
0x9: {  	s31 =	sshll.u32 s0, $0x6;
	s29 =	sshrl.u32 s28, $0x1;
	s8 =	simm.s32 @!p0 $0x5D  }
0xa: {  	s4 =	sadd.s32 s5, s4;
	s7 =	sadd.s32 s7, s9;
	s13 =	ssub.s32 s28, s29  }
0xb: {  	s30 =	sshrl.u32 s12, $0x2;
	s12 =	sor.u32 $0x1C02, s31;
	s5 =	sshrl.u32 s4, $0x3  }
0xc: {  	s4 =	sadd.s32 $0x20600, s6;
	s11 =	sadd.s32 s7, s6;
	s14 =	sadd.s32 s30, s2  }
0xd: {  	s10 =	sadd.s32 s5, s6;
	s5 =	sadd.s32 $0x1DE00, s6;
	s9 =	sadd.s32 $0xE5800, s11  }
0xe: {  	s11 =	simm.s32 $0x2;
	s6 =	sadd.s32 $0x5E00, s10;
	s7 =	sadd.s32 $0x11E00, s10  }
0xf: {  	s10 =	smax.u32 s13, $0x1;
	s13 =	sshrl.u32 s14, $0x3;
	s14 =	simm.s32 $0x80  }
.LBB2_1:
0x10: {  	[tilespmem:s3], [sflag:$0x2] =	stream.linear.gather [hbm4b:s6+s3], $0x2E80, $0x38;
	[tilespmem:$0x1DC00] =	vst v63  }
0x11: {  	_ =	swait.ge [sflag:s11], $0x2E80  }
0x12: {  	[sflag:s11] =	ssyncset.done $0x0  }
0x13: {  	s18 =	simm.s32 $0x3000;
	[sflag:s11] =	ssyncadd.s32 $0xFFFFD180  }
0x14: {  	[tilespmem:s18], [sflag:$0x2] =	stream.linear.gather [hbm4b:s7+s3], $0x2E80, $0x38;
	[tilespmem:$0x1DC00] =	vst v63  }
0x15: {  	_ =	swait.ge [sflag:s11], $0x2E80  }
0x16: {  	[sflag:s11] =	ssyncset.done $0x0  }
0x17: {  	[sflag:s11] =	ssyncadd.s32 $0xFFFFD180  }
0x18: {  	[spmem:s13], [sflag:s12] =	dma.local [hbm:s5], $0x2780  }
0x19: {  	_ =	swait.ge [sflag:s11], $0x2780  }
0x1a: {  	[sflag:s11] =	ssyncset.done $0x0  }
0x1b: {  	[sflag:s11] =	ssyncadd.s32 $0xFFFFD880  }
0x1c: {  	[bflag:$0x0] =	sbarrier.arrive $0xFFFF  }
0x1d: {  	[tilespmem:s15], [sflag:$0x1] =	stream.indirect.gather [hbm4b:s4+s14], $0x80, s3, s14, $0xb8;
	[tilespmem:$0x1DC00] =	vst v63  }
0x1e: {  	p0 =	sne.s32 s8, $0x1;
	_ =	swait.ge [sflag:s16], $0x4000  }
.Ltmp0:
0x1f: {  	[sflag:s16] =	ssyncset.done $0x0;
	(pc) =	sbr.rel @!p0 .LBB2_3-.Ltmp0, $4  }
0x20: {  	[sflag:s16] =	ssyncadd.s32 $0xFFFFC000  }
0x21: {  	[spmem:s2] =	stream.indirect.scatter.add.f32 [tilespmem:s15], [sflag:$0x2], $0x80, s18, s14, $0xb8;
	[tilespmem:$0x1DC00] =	vst v63  }
0x22: {  	_ =	swait.ge [sflag:s11], $0x4000  }
0x23: {  	s19 =	sadd.s32 $0xFFFFFFFF, s8;
	s20 =	simm.s32 $0x0;
	[sflag:s11] =	ssyncset.done $0x0  }
.LBB2_2:
0x24: {  	[sflag:s11] =	ssyncadd.s32 $0xFFFFC000;
	s20 =	sadd.s32 $0x80, s20;
	s18 =	sadd.s32 $0x80, s18  }
0x25: {  	[tilespmem:s15], [sflag:$0x1] =	stream.indirect.gather [hbm4b:s4+s14], $0x80, s20, s14, $0xb8;
	[tilespmem:$0x1DC00] =	vst v63  }
0x26: {  	p0 =	sne.s32 s19, $0x1;
	s19 =	sadd.s32 $0xFFFFFFFF, s19;
	_ =	swait.ge [sflag:s16], $0x4000  }
.Ltmp1:
0x27: {  	[sflag:s16] =	ssyncset.done $0x0;
	(pc) =	sbr.rel @p0 .LBB2_2-.Ltmp1, $4  }
0x28: {  	[sflag:s16] =	ssyncadd.s32 $0xFFFFC000  }
0x29: {  	[spmem:s2] =	stream.indirect.scatter.add.f32 [tilespmem:s15], [sflag:$0x2], $0x80, s18, s14, $0xb8;
	[tilespmem:$0x1DC00] =	vst v63  }
0x2a: {  	_ =	swait.ge [sflag:s11], $0x4000  }
0x2b: {  	[sflag:s11] =	ssyncset.done $0x0  }
.LBB2_3:
0x2c: {  	s17 =	sadd.s32 $0x1, s17  }
0x2d: {  	[sflag:s11] =	ssyncadd.s32 $0xFFFFC000;
	p0 =	sne.s32 s17, s10  }
.Ltmp2:
0x2e: {  	[bflag:$0x0] =	sbarrier.arrive $0xFFFF;
	(pc) =	sbr.rel @p0 .LBB2_1-.Ltmp2, $4  }
0x2f: {  	[hbm:s9], [sflag:s12] =	dma.local [spmem:s13], $0x2780  }
0x30: {  	_ =	swait.ge [sflag:s11], $0x2780  }
0x31: {  	[sflag:s11] =	ssyncset.done $0x0  }
0x32: {  	[sflag:s11] =	ssyncadd.s32 $0xFFFFD880  }
0x33: {  	_ =	sfence.sel $0x180000  }
0x34: {  	[bflag:$0x0] =	sbarrier.arrive $0xFFFF  }
0x35: {  	p0 =	sne.s32 s0, $0x0;
	_ =	strace $0x90000056  }
0x36: {  	s0 =	sadd.s32 @!p0 $0x100000, s1;
	[bflag:$0x2] =	sbarrier.arrive $0xFFFF  }
0x37: {  	[sflag:s0] =	ssyncadd.tile.s32 @!p0 $0x1;
	_ =	shalt  }
.Lfunc_end2:
_tile_overlayer_lowered:
.L_overlay_start_2:
0x38: {  	(tag) =	ssettag $0x2  }
0x39: {  	s0 =	rddreg [dreg:$0x0];
	s2 =	stileid.u32  }
0x3a: {  	s1 =	rddreg [dreg:$0x1];
	p0 =	sne.s32 s2, $0x0  }
0x3b: {  	s3 =	rddreg [dreg:$0x2];
	[bflag:$0x3] =	sbarrier.arrive $0xFFFF;
	s2 =	simm.s32 @!p0 $0x1C02  }
0x3c: {  	[timem:s3], [sflag:s2] =	dma.local @!p0 [hbm:s0], s1  }
0x3d: {  	s0 =	simm.s32 @!p0 $0x2  }
0x3e: {  	_ =	swait.ge @!p0 [sflag:s0], s1  }
0x3f: {  	s1 =	ssub.s32 @!p0 $0x0, s1;
	[sflag:s0] =	ssyncset.done @!p0 $0x0  }
0x40: {  	[sflag:s0] =	ssyncadd.s32 @!p0 s1  }
0x41: {  	[bflag:$0x3] =	sbarrier.arrive $0xFFFF  }
0x42: {  	_ =	shalt  }

// kernel: kernel.34.cloned.1.call-start
scs
__scs_entry_jumppad:
0x0: {  	(pc) =	sbr.rel $0x88, $3  }
0x1: {  	(tag) =	ssettag $0x0;
	lr =	simm.s32 $0x1  }
0x2: {  	[smem:$0x3F91] =	sst lr;
	_ =	strace $0xD0000000  }
0x3: {  	_ = 	snop  }
0x4: {  	_ = 	snop  }
0x5: {  	_ = 	snop  }
0x6: {  	_ = 	snop  }
0x7: {  	_ = 	snop  }
__scs_overlays_trampoline_lowered:
0x8: {  	[smem:$0x3FA0] =	sst s0  }
0x9: {  	[smem:$0x3FA1] =	sst s1  }
0xa: {  	[smem:$0x3FA2] =	sst s2  }
0xb: {  	[smem:$0x3FA3] =	sst s3  }
0xc: {  	[smem:$0x3FA4] =	sst s4  }
0xd: {  	[smem:$0x3FA5] =	sst s5  }
0xe: {  	[smem:$0x3FA6] =	sst s6  }
0xf: {  	[smem:$0x3FA7] =	sst s7  }
0x10: {  	[smem:$0x3FA8] =	sst s8  }
0x11: {  	[smem:$0x3FA9] =	sst s9;
	s0 =	simm.s32 @!p0 $0x0  }
0x12: {  	s1 =	sld [smem:$0x3F8F];
	s0 =	simm.s32 @p0 $0x1  }
0x13: {  	[smem:$0x3FAA] =	sst s0;
	s0 =	simm.s32 @!p1 $0x0  }
0x14: {  	s2 =	sld [smem:$0x3F8E];
	s0 =	simm.s32 @p1 $0x1  }
0x15: {  	[smem:$0x3FAB] =	sst s0;
	s0 =	simm.s32 @!p2 $0x0  }
0x16: {  	s3 =	sld [smem:$0x3FDB];
	s0 =	simm.s32 @p2 $0x1  }
0x17: {  	s4 =	simm.s32 $0x1BF5;
	[smem:$0x3FAD] =	sst s0  }
0x18: {  	s0 =	sld [smem:$0x3F90];
	_ =	swait.ge [sflag:s4], $0x0  }
0x19: {  	s7 =	sld [smem:$0x3F91]  }
0x1a: {  	s8 =	sadd.s32 $0xFFFFE003, lr  }
0x1b: {  	s9 =	sadd.s32 $0xFFFFFEF7, lr;
	s5 =	simm.s32 $0xFFFFFFFF;
	p2 =	slt.u32 s8, $0xFFFFF086  }
0x1c: {  	p1 =	slt.u32 s9, $0xF7A;
	s5 =	simm.s32 @!p2 $0x0  }
0x1d: {  	s5 =	simm.s32 @p1 $0x1;
	p0 =	seq.s32 s7, s2  }
0x1e: {  	s7 =	smul.u32 @!p0 $0xF7A, s2;
	p2 =	seq.s32 @!p0 s5, $0x0  }
0x1f: {  	s9 =	smul.u32 $0xF7A, s1;
	s8 =	simm.s32 @!p0 $0x1BF5;
	p2 =	por !p2, p0  }
0x20: {  	[sflag:s8] =	ssyncset.s32 @!p0 $0xFFFFF086;
	s6 =	sadd.s32 @!p0 s3, s7;
	s7 =	simm.s32 @!p0 $0x108  }
0x21: {  	s3 =	sadd.s32 s3, s9;
	s6 =	sadd.s32 @!p0 $0x88, s6;
	s7 =	simm.s32 @p2 $0x1082  }
0x22: {  	[simem:s7], [sflag:s8] =	dma.local @!p0 [hbm:s6], $0xF7A  }
0x23: {  	s9 =	sor.u32 $0xD0000000, s2;
	s6 =	simm.s32 $0x108;
	_ =	swait.ge @!p0 [sflag:s8], $0x0  }
0x24: {  	s3 =	sadd.s32 $0x88, s3;
	s6 =	simm.s32 @!p1 $0x1082;
	[sflag:s4] =	ssyncset.s32 $0xFFFFF086  }
0x25: {  	[simem:s6], [sflag:s4] =	dma.local [hbm:s3], $0xF7A  }
0x26: {  	[smem:$0x3F91] =	sst s1;
	(tag) =	ssettag s2;
	_ =	strace s9  }
0x27: {  	s1 =	sld [smem:$0x3FA1]  }
0x28: {  	s2 =	sld [smem:$0x3FA2]  }
0x29: {  	s4 =	sld [smem:$0x3FA4]  }
0x2a: {  	p0 =	seq.s32 s5, $0x0;
	s5 =	sld [smem:$0x3FA5]  }
0x2b: {  	s6 =	sld [smem:$0x3FA6]  }
0x2c: {  	s7 =	sld [smem:$0x3FA7]  }
0x2d: {  	s3 =	simm.s32 $0x108;
	s8 =	sld [smem:$0x3FA8]  }
0x2e: {  	s3 =	simm.s32 @!p0 $0x1082;
	s9 =	sld [smem:$0x3FA9]  }
0x2f: {  	lr =	sadd.s32 s0, s3;
	s0 =	sld [smem:$0x3FA0]  }
0x30: {  	s3 =	sld [smem:$0x3FA3]  }
0x31: {  	[smem:$0x3FAC] =	sst s10  }
0x32: {  	s10 =	sld [smem:$0x3FAA];
	_ =	sdelay $0x3  }
0x33: {  	p0 =	seq.s32 s10, $0x1;
	s10 =	sld [smem:$0x3FAC];
	_ =	sdelay $0x3  }
0x34: {  	[smem:$0x3FAC] =	sst s10  }
0x35: {  	s10 =	sld [smem:$0x3FAB];
	_ =	sdelay $0x3  }
0x36: {  	p1 =	seq.s32 s10, $0x1;
	s10 =	sld [smem:$0x3FAC];
	_ =	sdelay $0x3  }
0x37: {  	[smem:$0x3FAC] =	sst s10  }
0x38: {  	s10 =	sld [smem:$0x3FAD]  }
0x39: {  	_ = 	snop;
	(pc) =	sbr.ind lr, $3  }
0x3a: {  	_ = 	snop  }
0x3b: {  	_ = 	snop  }
0x3c: {  	p2 =	seq.s32 s10, $0x1;
	s10 =	sld [smem:$0x3FAC]  }
0x3d: {  	_ =	shalt  }
0x3e: {  	_ =	shalt  }
0x3f: {  	_ =	shalt  }
0x40: {  	_ =	shalt  }
0x41: {  	_ =	shalt  }
0x42: {  	_ =	shalt  }
0x43: {  	_ =	shalt  }
0x44: {  	_ =	shalt  }
0x45: {  	_ =	shalt  }
0x46: {  	_ =	shalt  }
0x47: {  	_ =	shalt  }
0x48: {  	_ =	shalt  }
0x49: {  	_ =	shalt  }
0x4a: {  	_ =	shalt  }
0x4b: {  	_ =	shalt  }
0x4c: {  	_ =	shalt  }
0x4d: {  	_ =	shalt  }
0x4e: {  	_ =	shalt  }
0x4f: {  	_ =	shalt  }
0x50: {  	_ =	shalt  }
0x51: {  	_ =	shalt  }
0x52: {  	_ =	shalt  }
0x53: {  	_ =	shalt  }
0x54: {  	_ =	shalt  }
0x55: {  	_ =	shalt  }
0x56: {  	_ =	shalt  }
0x57: {  	_ =	shalt  }
0x58: {  	_ =	shalt  }
0x59: {  	_ =	shalt  }
0x5a: {  	_ =	shalt  }
0x5b: {  	_ =	shalt  }
0x5c: {  	_ =	shalt  }
0x5d: {  	_ =	shalt  }
0x5e: {  	_ =	shalt  }
0x5f: {  	_ =	shalt  }
0x60: {  	_ =	shalt  }
0x61: {  	_ =	shalt  }
0x62: {  	_ =	shalt  }
0x63: {  	_ =	shalt  }
0x64: {  	_ =	shalt  }
0x65: {  	_ =	shalt  }
0x66: {  	_ =	shalt  }
0x67: {  	_ =	shalt  }
0x68: {  	_ =	shalt  }
0x69: {  	_ =	shalt  }
0x6a: {  	_ =	shalt  }
0x6b: {  	_ =	shalt  }
0x6c: {  	_ =	shalt  }
0x6d: {  	_ =	shalt  }
0x6e: {  	_ =	shalt  }
0x6f: {  	_ =	shalt  }
0x70: {  	_ =	shalt  }
0x71: {  	_ =	shalt  }
0x72: {  	_ =	shalt  }
0x73: {  	_ =	shalt  }
0x74: {  	_ =	shalt  }
0x75: {  	_ =	shalt  }
0x76: {  	_ =	shalt  }
0x77: {  	_ =	shalt  }
0x78: {  	_ =	shalt  }
0x79: {  	_ =	shalt  }
0x7a: {  	_ =	shalt  }
0x7b: {  	_ =	shalt  }
0x7c: {  	_ =	shalt  }
0x7d: {  	_ =	shalt  }
0x7e: {  	_ =	shalt  }
0x7f: {  	_ =	shalt  }
0x80: {  	_ =	shalt  }
0x81: {  	_ =	shalt  }
0x82: {  	_ =	shalt  }
0x83: {  	_ =	shalt  }
0x84: {  	_ =	shalt  }
0x85: {  	_ =	shalt  }
0x86: {  	_ =	shalt  }
0x87: {  	_ =	shalt  }
.Lfunc_end0:
.L_simem_size_0:
called_computation.6_lowered:
.L_overlay_start_0:
0x88: {  	s2 =	sld [smem:$0x3FD9]  }
0x89: {  	s3 =	sld [smem:$0x3FFE];
	_ =	sdelay $0x1  }
0x8a: {  	s1 =	srdreg.scid  }
0x8b: {  	s0 =	sand.u32 $0x1, s1  }
0x8c: {  	s16 =	sshll.u32 s0, $0xA;
	s2 =	sadd.s32 s3, s2  }
0x8d: {  	s2 =	sadd.s32 s2, s16  }
0x8e: {  	[smem:$0x3FB8] =	sst s2  }
0x8f: {  	_ = 	snop  }
0x90: {  	(tm) =	ssettm $0x1  }
0x91: {  	s17 =	sld [smem:$0x3FFB];
	_ =	sdelay $0x3  }
0x92: {  	_ =	strace s17  }
0x93: {  	s2 =	sld [smem:$0x3FFC];
	_ =	sdelay $0x3  }
0x94: {  	_ =	strace s2  }
0x95: {  	s2 =	sld [smem:$0x3FFD];
	_ =	sdelay $0x3  }
0x96: {  	_ =	strace s2  }
0x97: {  	_ =	strace $0x8FFFFFFF  }
0x98: {  	s18 =	sld [smem:$0x3FDB];
	_ =	sdelay $0x1  }
0x99: {  	s19 =	simm.s32 $_scs_section_size  }
0x9a: {  	s4 =	simm.s32 $_size__tile_overlayer_lowered;
	s5 =	simm.s32 $_tile_overlayer_lowered  }
0x9b: {  	s22 =	simm.s32 $0x1BFF;
	s21 =	sshll.u32 s5, $0x1;
	s2 =	sadd.s32 s19, s18  }
0x9c: {  	s6 =	simm.s32 $0x0;
	s20 =	sshll.u32 s4, $0x1;
	s4 =	sadd.s32 s21, s2  }
0x9d: {  	[timem:s6], [sflag:s22] =	dma.local [hbm:s4], s20  }
0x9e: {  	_ =	swait.ge [sflag:s22], s20  }
0x9f: {  	s3 =	ssub.s32 $0x0, s20;
	[sflag:s22] =	ssyncset.done $0x0  }
0xa0: {  	[sflag:s22] =	ssyncadd.s32 s3;
	_ =	sdelay $0x1  }
0xa1: {  	s23 =	simm.s32 $0x1B8B  }
0xa2: {  	_ =	swait.ge [sflag:s23], $0x1  }
0xa3: {  	[sflag:s23] =	ssyncset.done $0x0  }
0xa4: {  	s25 =	simm.s32 $0x1B8E;
	s24 =	sld [smem:$0x3FFE];
	[sflag:s23] =	ssyncadd.s32 $0xFFFFFFFF  }
0xa5: {  	s26 =	simm.s32 $execute0_lowered;
	[smem:$0x3FD2] =	sst s25  }
0xa6: {  	s4 =	sshll.u32 s26, $0x1;
	_ =	strace $0x80000058;
	[dreg:$0x1] =	wrdreg $0xFFFFFFFF  }
0xa7: {  	s28 =	simm.s32 $_size_execute0_lowered;
	s2 =	sadd.s32 s2, s4;
	[dreg:$0x0] =	wrdreg $0x0  }
0xa8: {  	s4 =	sshll.u32 s28, $0x1;
	[dreg:$0x2] =	wrdreg s2  }
0xa9: {  	[dreg:$0x3] =	wrdreg s4  }
0xaa: {  	[dreg:$0x4] =	wrdreg $0xC0  }
0xab: {  	_ =	task [dreg:s6], $0x5FFFF  }
0xac: {  	[dreg:$0x1] =	wrdreg $0xFFFFFFFF  }
0xad: {  	[dreg:$0x0] =	wrdreg $0x60  }
0xae: {  	[dreg:$0x2] =	wrdreg s24  }
0xaf: {  	[dreg:$0x3] =	wrdreg $0xA0000  }
0xb0: {  	[dreg:$0x4] =	wrdreg $0x9  }
0xb1: {  	_ =	task.clear_ibuf [dreg:s6], $0x5FFFF;
	_ =	strace $0x90000058  }
0xb2: {  	s29 =	simm.s32 $0x9;
	_ =	strace $0x8000005A  }
0xb3: {  	_ =	swait.ge [sflag:s29], $0x1  }
0xb4: {  	[sflag:s29] =	ssyncadd.s32 $0xFFFFFFFF  }
0xb5: {  	_ =	strace $0x9000005A  }
0xb6: {  	_ =	sfence  }
0xb7: {  	s30 =	sld [smem:$0x0];
	_ =	sdelay $0x2  }
0xb8: {  	s31 =	sshll.u32 s1, $0xD;
	s1 =	sshrl.u32 s1, $0x2  }
0xb9: {  	s3 =	sand.u32 $0x4000, s31;
	s1 =	sadd.s32 s1, s30  }
0xba: {  	s0 =	sor.u32 s3, s0;
	s1 =	sshll.u32 s1, $0x11  }
0xbb: {  	s0 =	sor.u32 s1, s0  }
0xbc: {  	s0 =	sadd.s32 $0x8F2B, s0  }
0xbd: {  	[sflag:s0] =	ssyncadd.remote.s32 $0x1  }
0xbe: {  	_ =	sfence.sel $0xFFFF  }
0xbf: {  	[dreg:$0x0] =	wrdreg $0xFFFFFFFF;
	(pc) =	sbr.abs _section_cstart, $3  }
0xc0: {  	[dreg:$0x1] =	wrdreg $0xFFFFFFFF  }
0xc1: {  	_ =	task.clear_ibuf [dreg:s6], $0x2FFFF;
	_ =	strace $0x9FFFFFFF  }
0xc2: {  	(tm) =	ssettm $0x7FFFFFFF  }
0xc3: {  	_ =	shalt  }
tec
execute0_lowered:
.L_overlay_start_1:
0x0: {  	(tag) =	ssettag $0x1  }
0x1: {  	s6 =	rddreg [dreg:$0x0]  }
0x2: {  	s0 =	srdreg.scid;
	s2 =	rddreg [dreg:$0x1]  }
0x3: {  	s1 =	rddreg [dreg:$0x2];
	s8 =	sand.u32 $0x1, s0  }
0x4: {  	s3 =	simm.s32 $0x0;
	s0 =	stileid.u32;
	s4 =	smul.u32 $0x30000, s8  }
0x5: {  	s15 =	simm.s32 $0x6000;
	s16 =	simm.s32 $0x1;
	s5 =	smul.u32 $0x3000, s0  }
0x6: {  	s17 =	simm.s32 $0x0;
	[smem:$0x7FF] =	sst s3;
	s7 =	smul.u32 $0x2780, s0  }
0x7: {  	s9 =	smul.u32 $0x27800, s8;
	_ =	strace $0x80000059;
	s28 =	ssub.s32 $0x2, s8  }
0x8: {  	s12 =	smul.u32 $0x4F000, s0;
	p0 =	seq.s32 s8, $0x0;
	s8 =	simm.s32 $0x40  }
0x9: {  	s31 =	sshll.u32 s0, $0x6;
	s29 =	sshrl.u32 s28, $0x1;
	s8 =	simm.s32 @!p0 $0x5D  }
0xa: {  	s4 =	sadd.s32 s5, s4;
	s7 =	sadd.s32 s7, s9;
	s13 =	ssub.s32 s28, s29  }
0xb: {  	s30 =	sshrl.u32 s12, $0x2;
	s12 =	sor.u32 $0x1C02, s31;
	s5 =	sshrl.u32 s4, $0x3  }
0xc: {  	s4 =	sadd.s32 $0x20600, s6;
	s11 =	sadd.s32 s7, s6;
	s14 =	sadd.s32 s30, s2  }
0xd: {  	s10 =	sadd.s32 s5, s6;
	s5 =	sadd.s32 $0x1DE00, s6;
	s9 =	sadd.s32 $0x134800, s11  }
0xe: {  	s11 =	simm.s32 $0x2;
	s6 =	sadd.s32 $0x5E00, s10;
	s7 =	sadd.s32 $0x11E00, s10  }
0xf: {  	s10 =	smax.u32 s13, $0x1;
	s13 =	sshrl.u32 s14, $0x3;
	s14 =	simm.s32 $0x80  }
.LBB2_1:
0x10: {  	[tilespmem:s3], [sflag:$0x2] =	stream.linear.gather [hbm4b:s6+s3], $0x2E80, $0x38;
	[tilespmem:$0x1DC00] =	vst v63  }
0x11: {  	_ =	swait.ge [sflag:s11], $0x2E80  }
0x12: {  	[sflag:s11] =	ssyncset.done $0x0  }
0x13: {  	s18 =	simm.s32 $0x3000;
	[sflag:s11] =	ssyncadd.s32 $0xFFFFD180  }
0x14: {  	[tilespmem:s18], [sflag:$0x2] =	stream.linear.gather [hbm4b:s7+s3], $0x2E80, $0x38;
	[tilespmem:$0x1DC00] =	vst v63  }
0x15: {  	_ =	swait.ge [sflag:s11], $0x2E80  }
0x16: {  	[sflag:s11] =	ssyncset.done $0x0  }
0x17: {  	[sflag:s11] =	ssyncadd.s32 $0xFFFFD180  }
0x18: {  	[spmem:s13], [sflag:s12] =	dma.local [hbm:s5], $0x2780  }
0x19: {  	_ =	swait.ge [sflag:s11], $0x2780  }
0x1a: {  	[sflag:s11] =	ssyncset.done $0x0  }
0x1b: {  	[sflag:s11] =	ssyncadd.s32 $0xFFFFD880  }
0x1c: {  	[bflag:$0x0] =	sbarrier.arrive $0xFFFF  }
0x1d: {  	[tilespmem:s15], [sflag:$0x1] =	stream.indirect.gather [hbm4b:s4+s14], $0x80, s3, s14, $0xb8;
	[tilespmem:$0x1DC00] =	vst v63  }
0x1e: {  	p0 =	sne.s32 s8, $0x1;
	_ =	swait.ge [sflag:s16], $0x4000  }
.Ltmp0:
0x1f: {  	[sflag:s16] =	ssyncset.done $0x0;
	(pc) =	sbr.rel @!p0 .LBB2_3-.Ltmp0, $4  }
0x20: {  	[sflag:s16] =	ssyncadd.s32 $0xFFFFC000  }
0x21: {  	[spmem:s2] =	stream.indirect.scatter.add.f32 [tilespmem:s15], [sflag:$0x2], $0x80, s18, s14, $0xb8;
	[tilespmem:$0x1DC00] =	vst v63  }
0x22: {  	_ =	swait.ge [sflag:s11], $0x4000  }
0x23: {  	s19 =	sadd.s32 $0xFFFFFFFF, s8;
	s20 =	simm.s32 $0x0;
	[sflag:s11] =	ssyncset.done $0x0  }
.LBB2_2:
0x24: {  	[sflag:s11] =	ssyncadd.s32 $0xFFFFC000;
	s20 =	sadd.s32 $0x80, s20;
	s18 =	sadd.s32 $0x80, s18  }
0x25: {  	[tilespmem:s15], [sflag:$0x1] =	stream.indirect.gather [hbm4b:s4+s14], $0x80, s20, s14, $0xb8;
	[tilespmem:$0x1DC00] =	vst v63  }
0x26: {  	p0 =	sne.s32 s19, $0x1;
	s19 =	sadd.s32 $0xFFFFFFFF, s19;
	_ =	swait.ge [sflag:s16], $0x4000  }
.Ltmp1:
0x27: {  	[sflag:s16] =	ssyncset.done $0x0;
	(pc) =	sbr.rel @p0 .LBB2_2-.Ltmp1, $4  }
0x28: {  	[sflag:s16] =	ssyncadd.s32 $0xFFFFC000  }
0x29: {  	[spmem:s2] =	stream.indirect.scatter.add.f32 [tilespmem:s15], [sflag:$0x2], $0x80, s18, s14, $0xb8;
	[tilespmem:$0x1DC00] =	vst v63  }
0x2a: {  	_ =	swait.ge [sflag:s11], $0x4000  }
0x2b: {  	[sflag:s11] =	ssyncset.done $0x0  }
.LBB2_3:
0x2c: {  	s17 =	sadd.s32 $0x1, s17  }
0x2d: {  	[sflag:s11] =	ssyncadd.s32 $0xFFFFC000;
	p0 =	sne.s32 s17, s10  }
.Ltmp2:
0x2e: {  	[bflag:$0x0] =	sbarrier.arrive $0xFFFF;
	(pc) =	sbr.rel @p0 .LBB2_1-.Ltmp2, $4  }
0x2f: {  	[hbm:s9], [sflag:s12] =	dma.local [spmem:s13], $0x2780  }
0x30: {  	_ =	swait.ge [sflag:s11], $0x2780  }
0x31: {  	[sflag:s11] =	ssyncset.done $0x0  }
0x32: {  	[sflag:s11] =	ssyncadd.s32 $0xFFFFD880  }
0x33: {  	_ =	sfence.sel $0x180000  }
0x34: {  	[bflag:$0x0] =	sbarrier.arrive $0xFFFF  }
0x35: {  	p0 =	sne.s32 s0, $0x0;
	_ =	strace $0x90000059  }
0x36: {  	s0 =	sadd.s32 @!p0 $0x100000, s1;
	[bflag:$0x2] =	sbarrier.arrive $0xFFFF  }
0x37: {  	[sflag:s0] =	ssyncadd.tile.s32 @!p0 $0x1;
	_ =	shalt  }
.Lfunc_end2:
_tile_overlayer_lowered:
.L_overlay_start_2:
0x38: {  	(tag) =	ssettag $0x2  }
0x39: {  	s0 =	rddreg [dreg:$0x0];
	s2 =	stileid.u32  }
0x3a: {  	s1 =	rddreg [dreg:$0x1];
	p0 =	sne.s32 s2, $0x0  }
0x3b: {  	s3 =	rddreg [dreg:$0x2];
	[bflag:$0x3] =	sbarrier.arrive $0xFFFF;
	s2 =	simm.s32 @!p0 $0x1C02  }
0x3c: {  	[timem:s3], [sflag:s2] =	dma.local @!p0 [hbm:s0], s1  }
0x3d: {  	s0 =	simm.s32 @!p0 $0x2  }
0x3e: {  	_ =	swait.ge @!p0 [sflag:s0], s1  }
0x3f: {  	s1 =	ssub.s32 @!p0 $0x0, s1;
	[sflag:s0] =	ssyncset.done @!p0 $0x0  }
0x40: {  	[sflag:s0] =	ssyncadd.s32 @!p0 s1  }
0x41: {  	[bflag:$0x3] =	sbarrier.arrive $0xFFFF  }
0x42: {  	_ =	shalt  }

</sc_bundles>
